<compile_context>
chip_gen: v7x
topology: tpu7x:2x2x1
jax: 0.10.2.dev20260603
libtpu: 0.0.44.dev20260713+nightly
codegen_flags: <defaults>
</compile_context>

<pallas_src>
import functools

import jax
import jax.numpy as jnp
from jax import lax
from jax.experimental import pallas as pl
from jax.experimental.pallas import tpu as pltpu
from jax.experimental.pallas import tpu_sc as plsc

N = 10000
E = 320000
D = 128
NB = 16

W = 128
EPAD = 327680
NBUF = 2
AWIN = 152
BWIN = 8
WS = 128
NROWS = 10112
RPS = NROWS // 16

_vector_mesh = plsc.VectorSubcoreMesh(
    core_axis_name="core", subcore_axis_name="subcore")



def _sc_gather_add(p1f, idx_i, idx_j):

  @functools.partial(
      pl.kernel,
      out_type=jax.ShapeDtypeStruct((EPAD, D), jnp.float32),
      mesh=_vector_mesh,
      scratch_types=[
          pltpu.VMEM((AWIN, W), jnp.int32),
          pltpu.VMEM((AWIN, W), jnp.int32),
          pltpu.VMEM((NBUF, W, D), jnp.float32),
          pltpu.VMEM((NBUF, W, D), jnp.float32),
          pltpu.VMEM((W, D), jnp.float32),
          pltpu.SemaphoreType.DMA,
          pltpu.SemaphoreType.DMA,
          pltpu.SemaphoreType.DMA,
      ],
  )
  def k(p1_hbm, ii_hbm, jj_hbm, o_hbm, ii_v, jj_v, bi, bj, ob,
        gsem0, gsem1, osem):
    cid = lax.axis_index("core")
    sid = lax.axis_index("subcore")
    gsem = (gsem0, gsem1)
    wpw = jnp.where(cid == 0, AWIN, BWIN)
    base_win = jnp.where(cid == 0, sid * AWIN, 16 * AWIN + sid * BWIN)

    @pl.when(wpw > 0)
    def _():
      pltpu.sync_copy(ii_hbm.at[pl.ds(base_win, AWIN)], ii_v)
      pltpu.sync_copy(jj_hbm.at[pl.ds(base_win, AWIN)], jj_v)

    def start_gather(g, b):
      pltpu.async_copy(p1_hbm.at[ii_v.at[g]], bi.at[b], gsem[b])
      pltpu.async_copy(p1_hbm.at[jj_v.at[g]], bj.at[b], gsem[b])

    def wait_gather(g, b):
      pltpu.make_async_copy(p1_hbm.at[ii_v.at[g]], bi.at[b], gsem[b]).wait()
      pltpu.make_async_copy(p1_hbm.at[jj_v.at[g]], bj.at[b], gsem[b]).wait()

    def wait_out(g):
      pltpu.make_async_copy(
          ob, o_hbm.at[pl.ds((base_win + g) * W, W)], osem).wait()

    @pl.when(wpw > 0)
    def _():
      for b in range(NBUF):
        start_gather(b, b)

    @pl.loop(0, wpw, step=NBUF)
    def _(G):
      for b in range(NBUF):
        g = G + b
        wait_gather(g, b)

        @pl.when(g >= 1)
        def _():
          wait_out(g - 1)

        @pl.loop(0, W)
        def _(r):
          for c in range(0, D, 16):
            s = (r, pl.ds(c, 16))
            ob.at[s][...] = bi.at[b].at[s][...] + bj.at[b].at[s][...]

        @pl.when(g + NBUF < wpw)
        def _():
          start_gather(g + NBUF, b)

        pltpu.async_copy(
            ob, o_hbm.at[pl.ds((base_win + g) * W, W)], osem)

    @pl.when(wpw > 0)
    def _():
      wait_out(wpw - 1)

  return k(p1f, idx_i, idx_j)


def _sc_scatter_add(i1, scat_idx, zeros_init):

  @functools.partial(
      pl.kernel,
      out_type=jax.ShapeDtypeStruct((2, NROWS, D), jnp.float32),
      mesh=_vector_mesh,
      scratch_types=[pltpu.VMEM_SHARED((NROWS, D), jnp.float32)],
  )
  def k(i1_hbm, idx_hbm, z_hbm, o_hbm, acc_sh):
    cid = lax.axis_index("core")
    sid = lax.axis_index("subcore")
    half = EPAD // WS // 2

    pltpu.sync_copy(z_hbm.at[pl.ds(sid * RPS, RPS)],
                    acc_sh.at[pl.ds(sid * RPS, RPS)])
    plsc.subcore_barrier()

    def body(x_vmem, i_vmem):
      pltpu.sync_copy(x_vmem, acc_sh.at[i_vmem.at[0]], add=True)

    pltpu.emit_pipeline(
        body,
        grid=(half,),
        in_specs=[
            pl.BlockSpec((WS, D), lambda i: (i + cid * half, 0)),
            pl.BlockSpec((1, WS), lambda i: (0, i + cid * half)),
        ],
        out_specs=[],
        core_axis_name="subcore",
        dimension_semantics=(pltpu.PARALLEL,),
    )(i1_hbm, idx_hbm)

    plsc.subcore_barrier()
    pltpu.sync_copy(acc_sh.at[pl.ds(sid * RPS, RPS)],
                    o_hbm.at[cid, pl.ds(sid * RPS, RPS)])

  return k(i1, scat_idx, zeros_init)


def _tc_edge_mlp(x, basis, wpi_perm, wii):
  B = 512

  def body(x_ref, b_ref, wpi_ref, wii_ref, o_ref):
    xv = x_ref[...].astype(jnp.bfloat16)
    acc = jnp.zeros((B, D), jnp.float32)
    for b in range(NB):
      h = lax.dot_general(
          xv, wpi_ref[:, b * D:(b + 1) * D],
          (((1,), (0,)), ((), ())), preferred_element_type=jnp.float32)
      acc = acc + jnp.tanh(h) * b_ref[:, b:b + 1]
    o_ref[...] = jnp.tanh(lax.dot_general(
        acc.astype(jnp.bfloat16), wii_ref[...],
        (((1,), (0,)), ((), ())), preferred_element_type=jnp.float32))

  return pl.pallas_call(
      body,
      grid=(EPAD // B,),
      in_specs=[
          pl.BlockSpec((B, D), lambda i: (i, 0)),
          pl.BlockSpec((B, NB), lambda i: (i, 0)),
          pl.BlockSpec((D, D * NB), lambda i: (0, 0)),
          pl.BlockSpec((D, D), lambda i: (0, 0)),
      ],
      out_specs=pl.BlockSpec((B, D), lambda i: (i, 0)),
      out_shape=jax.ShapeDtypeStruct((EPAD, D), jnp.float32),
  )(x, basis, wpi_perm, wii)


def _tc_node_mlp(acc2, wpp, bpp):
  B = 400

  def body(a_ref, wpp_ref, bpp_ref, o_ref):
    a = a_ref[0] + a_ref[1]
    o_ref[...] = jnp.tanh(lax.dot_general(
        a, wpp_ref[...],
        (((1,), (0,)), ((), ())), preferred_element_type=jnp.float32)
        + bpp_ref[...])

  return pl.pallas_call(
      body,
      grid=(N // B,),
      in_specs=[
          pl.BlockSpec((2, B, D), lambda i: (0, i, 0)),
          pl.BlockSpec((D, D), lambda i: (0, 0)),
          pl.BlockSpec((1, D), lambda i: (0, 0)),
      ],
      out_specs=pl.BlockSpec((B, D), lambda i: (i, 0)),
      out_shape=jax.ShapeDtypeStruct((N, D), jnp.float32),
  )(acc2, wpp, bpp)


def kernel(p1, pair_i, pair_j, basis, W_pi, W_ii, W_pp, b_pp):
  p1f = p1.reshape(N, D)
  pad = EPAD - E
  idx_rows = 16 * AWIN + 15 * BWIN + AWIN
  ii = jnp.concatenate(
      [pair_i, jnp.zeros((idx_rows * W - E,), jnp.int32)]).reshape(
          idx_rows, W)
  jj = jnp.concatenate(
      [pair_j, jnp.zeros((idx_rows * W - E,), jnp.int32)]).reshape(
          idx_rows, W)
  scat = jnp.concatenate(
      [pair_i, jnp.full((pad,), N, jnp.int32)]).reshape(1, EPAD)
  basis_pad = jnp.concatenate(
      [basis, jnp.zeros((pad, NB), jnp.float32)], axis=0)
  wpi_perm = W_pi.reshape(D, D, NB).transpose(0, 2, 1).reshape(
      D, D * NB).astype(jnp.bfloat16)
  wii_b = W_ii.astype(jnp.bfloat16)
  zeros_init = jnp.zeros((NROWS, D), jnp.float32)

  x = _sc_gather_add(p1f, ii, jj)
  i1 = _tc_edge_mlp(x, basis_pad, wpi_perm, wii_b)
  acc2 = _sc_scatter_add(i1, scat, zeros_init)
  p1_new = _tc_node_mlp(acc2, W_pp, b_pp.reshape(1, D))
  return (p1_new.reshape(N, 1, D), i1[:E].reshape(E, 1, D))

# --- scband reference (transcript-rebuilt; emitter-appended) ---
"""Pipeline reference for scband-invar-layer-558345748929 (READ-ONLY COPY).

The authoritative reference and input builder live on the scoring server;
editing this copy changes nothing except your own understanding.
"""

import jax, jax.numpy as jnp
import numpy as np

N = 10000
E = 320000
D = 128
NB = 16


def setup_inputs(seed: int = 0) -> dict:
    key = jax.random.key(seed)
    ks = jax.random.split(key, 8)
    p1 = jax.random.normal(ks[0], (N, 1, D), dtype=jnp.float32)
    pair_i = jax.random.randint(ks[1], (E,), 0, N)
    pair_j = jax.random.randint(ks[2], (E,), 0, N)
    basis = jax.random.normal(ks[3], (E, NB), dtype=jnp.float32)
    # FeedForward weights (torch Linear: y = x @ W^T + b; here stored as [in, out])
    W_pi = jax.random.normal(ks[4], (D, D * NB), dtype=jnp.float32) / np.sqrt(D)  # pi_layer.mlp, bias=False
    W_ii = jax.random.normal(ks[5], (D, D), dtype=jnp.float32) / np.sqrt(D)       # ii_layer, bias=False
    W_pp = jax.random.normal(ks[6], (D, D), dtype=jnp.float32) / np.sqrt(D)       # pp_layer, bias=True
    b_pp = jax.random.normal(ks[7], (D,), dtype=jnp.float32) * 0.01
    return {"p1": p1, "pair_i": pair_i, "pair_j": pair_j, "basis": basis,
            "W_pi": W_pi, "W_ii": W_ii, "W_pp": W_pp, "b_pp": b_pp}


def reference(p1, pair_i, pair_j, basis, W_pi, W_ii, W_pp, b_pp):
    # PILayer: gather node features on both endpoints of each edge
    p1_i = jnp.take(p1, pair_i, axis=0)          # [E, 1, D]
    p1_j = jnp.take(p1, pair_j, axis=0)          # [E, 1, D]
    inter = p1_i + p1_j                           # [E, 1, D]
    inter = jnp.tanh(inter @ W_pi)                # FeedForward(D -> D*NB), bias=False, tanh
    inter = jnp.einsum('icb,ib->ic', inter.reshape(-1, p1_i.shape[-1], basis.shape[-1]), basis)  # [E, D]
    i1 = inter[:, None, :]                        # [E, 1, D]
    # ii_layer: FeedForward(D -> D), bias=False, tanh
    i1 = jnp.tanh(i1 @ W_ii)                      # [E, 1, D]
    # IPLayer: scatter-add edge messages back to destination nodes
    p1_new = jnp.zeros_like(p1).at[pair_i].add(i1)  # [N, 1, D]
    # pp_layer: FeedForward(D -> D), bias=True, tanh
    p1_new = jnp.tanh(p1_new @ W_pp + b_pp)       # [N, 1, D]
    return (p1_new, i1)

if __name__ == "__main__":
    import jax
    _d = setup_inputs()
    print(jax.jit(kernel)(*tuple(_d.values())))

</pallas_src>

<mosaic_0001>
#map = affine_map<(d0, d1) -> (0, 0)>
module attributes {stable_mosaic.version = 14 : i64} {
  func.func @k(%arg0: i32, %arg1: i32, %arg2: memref<10000x128xf32, #tpu.memory_space<hbm>>, %arg3: memref<2704x128xi32, #tpu.memory_space<hbm>>, %arg4: memref<2704x128xi32, #tpu.memory_space<hbm>>, %arg5: memref<327680x128xf32, #tpu.memory_space<hbm>>, %arg6: memref<152x128xi32, #tpu.memory_space<vmem>>, %arg7: memref<152x128xi32, #tpu.memory_space<vmem>>, %arg8: memref<2x128x128xf32, #tpu.memory_space<vmem>>, %arg9: memref<2x128x128xf32, #tpu.memory_space<vmem>>, %arg10: memref<128x128xf32, #tpu.memory_space<vmem>>, %arg11: memref<!tpu.dma_semaphore, #tpu.memory_space<semaphore_mem>>, %arg12: memref<!tpu.dma_semaphore, #tpu.memory_space<semaphore_mem>>, %arg13: memref<!tpu.dma_semaphore, #tpu.memory_space<semaphore_mem>>) attributes {dimension_semantics = [#tpu.dimension_semantics<core_parallel>, #tpu.dimension_semantics<subcore_parallel>], iteration_bounds = array<i64: 2, 16>, scalar_prefetch = 0 : i64, scratch_operands = 8 : i64, tpu.core_type = #tpu.core_type<sc_vector_subcore>, window_params = [{transform_indices = #map}, {transform_indices = #map}, {transform_indices = #map}, {transform_indices = #map}]} {
    %eq3A = arith.constant 0 : i32
    %eq3A_0 = arith.cmpi eq, %arg0, %eq3A : i32
    %jit3A = arith.constant 152 : i32
    %jit3A_1 = arith.constant 8 : i32
    %select_n3A = arith.select %eq3A_0, %jit3A, %jit3A_1 : i32
    %eq3A_2 = arith.constant 0 : i32
    %eq3A_3 = arith.cmpi eq, %arg0, %eq3A_2 : i32
    %mul3A = arith.constant 152 : i32
    %mul3A_4 = arith.muli %arg1, %mul3A : i32
    %mul3A_5 = arith.constant 8 : i32
    %mul3A_6 = arith.muli %arg1, %mul3A_5 : i32
    %add3A = arith.constant 2432 : i32
    %add3A_7 = arith.addi %add3A, %mul3A_6 : i32
    %select_n3A_8 = arith.select %eq3A_3, %mul3A_4, %add3A_7 : i32
    %gt3A = arith.constant 0 : i32
    %gt3A_9 = arith.cmpi sgt, %select_n3A, %gt3A : i32
    %convert_element_type3A = arith.extui %gt3A_9 : i1 to i32
    %cond3A = arith.constant 0 : i32
    %cond3A_10 = arith.cmpi ne, %convert_element_type3A, %cond3A : i32
    scf.if %cond3A_10 {
      "tpu.region"() ({
        %run_scoped3A = tpu.sem_alloc : memref<!tpu.dma_semaphore, #tpu.memory_space<semaphore_mem>>
        %dma_start3A = arith.constant 0 : i32
        %dma_start3A_37 = tpu.memref_slice %arg3[%select_n3A_8, %dma_start3A] : memref<2704x128xi32, #tpu.memory_space<hbm>> -> memref<152x128xi32, #tpu.memory_space<hbm>>
        %dma_start3A_38 = arith.constant 0 : i32
        %dma_start3A_39 = tpu.memref_slice %arg3[%select_n3A_8, %dma_start3A_38] : memref<2704x128xi32, #tpu.memory_space<hbm>> -> memref<152x128xi32, #tpu.memory_space<hbm>>
        tpu.enqueue_dma source(%dma_start3A_39 : memref<152x128xi32, #tpu.memory_space<hbm>>) target(%arg6 : memref<152x128xi32, #tpu.memory_space<vmem>>) target_semaphore(%run_scoped3A : memref<!tpu.dma_semaphore, #tpu.memory_space<semaphore_mem>>)
        %dma_wait3A = arith.constant 0 : i32
        %dma_wait3A_40 = tpu.memref_slice %arg3[%select_n3A_8, %dma_wait3A] : memref<2704x128xi32, #tpu.memory_space<hbm>> -> memref<152x128xi32, #tpu.memory_space<hbm>>
        %dma_wait3A_41 = arith.constant 0 : i32
        %dma_wait3A_42 = tpu.memref_slice %arg3[%select_n3A_8, %dma_wait3A_41] : memref<2704x128xi32, #tpu.memory_space<hbm>> -> memref<152x128xi32, #tpu.memory_space<hbm>>
        tpu.wait_dma2 semaphore(%run_scoped3A : memref<!tpu.dma_semaphore, #tpu.memory_space<semaphore_mem>>) src(%dma_wait3A_42 : memref<152x128xi32, #tpu.memory_space<hbm>>) dst(%arg6 : memref<152x128xi32, #tpu.memory_space<vmem>>)
        tpu.yield
      }) : () -> ()
      "tpu.region"() ({
        %run_scoped3A = tpu.sem_alloc : memref<!tpu.dma_semaphore, #tpu.memory_space<semaphore_mem>>
        %dma_start3A = arith.constant 0 : i32
        %dma_start3A_37 = tpu.memref_slice %arg4[%select_n3A_8, %dma_start3A] : memref<2704x128xi32, #tpu.memory_space<hbm>> -> memref<152x128xi32, #tpu.memory_space<hbm>>
        %dma_start3A_38 = arith.constant 0 : i32
        %dma_start3A_39 = tpu.memref_slice %arg4[%select_n3A_8, %dma_start3A_38] : memref<2704x128xi32, #tpu.memory_space<hbm>> -> memref<152x128xi32, #tpu.memory_space<hbm>>
        tpu.enqueue_dma source(%dma_start3A_39 : memref<152x128xi32, #tpu.memory_space<hbm>>) target(%arg7 : memref<152x128xi32, #tpu.memory_space<vmem>>) target_semaphore(%run_scoped3A : memref<!tpu.dma_semaphore, #tpu.memory_space<semaphore_mem>>)
        %dma_wait3A = arith.constant 0 : i32
        %dma_wait3A_40 = tpu.memref_slice %arg4[%select_n3A_8, %dma_wait3A] : memref<2704x128xi32, #tpu.memory_space<hbm>> -> memref<152x128xi32, #tpu.memory_space<hbm>>
        %dma_wait3A_41 = arith.constant 0 : i32
        %dma_wait3A_42 = tpu.memref_slice %arg4[%select_n3A_8, %dma_wait3A_41] : memref<2704x128xi32, #tpu.memory_space<hbm>> -> memref<152x128xi32, #tpu.memory_space<hbm>>
        tpu.wait_dma2 semaphore(%run_scoped3A : memref<!tpu.dma_semaphore, #tpu.memory_space<semaphore_mem>>) src(%dma_wait3A_42 : memref<152x128xi32, #tpu.memory_space<hbm>>) dst(%arg7 : memref<152x128xi32, #tpu.memory_space<vmem>>)
        tpu.yield
      }) : () -> ()
    } else {
    }
    %gt3A_11 = arith.constant 0 : i32
    %gt3A_12 = arith.cmpi sgt, %select_n3A, %gt3A_11 : i32
    %convert_element_type3A_13 = arith.extui %gt3A_12 : i1 to i32
    %cond3A_14 = arith.constant 0 : i32
    %cond3A_15 = arith.cmpi ne, %convert_element_type3A_13, %cond3A_14 : i32
    scf.if %cond3A_15 {
      %dma_start3A = arith.constant 0 : i32
      %dma_start3A_37 = arith.constant 0 : i32
      %dma_start3A_38 = arith.constant 0 : i32
      %dma_start3A_39 = arith.constant 0 : i32
      %dma_start3A_40 = tpu.memref_slice %arg8[%dma_start3A_37, %dma_start3A_38, %dma_start3A_39] : memref<2x128x128xf32, #tpu.memory_space<vmem>> -> memref<1x128x128xf32, #tpu.memory_space<vmem>>
      %dma_start3A_41 = tpu.memref_squeeze %dma_start3A_40 : memref<1x128x128xf32, #tpu.memory_space<vmem>> -> memref<128x128xf32, #tpu.memory_space<vmem>>
      %dma_start3A_42 = arith.constant 0 : i32
      %dma_start3A_43 = tpu.memref_slice %arg6[%dma_start3A, %dma_start3A_42] : memref<152x128xi32, #tpu.memory_space<vmem>> -> memref<1x128xi32, #tpu.memory_space<vmem>>
      %dma_start3A_44 = tpu.memref_squeeze %dma_start3A_43 : memref<1x128xi32, #tpu.memory_space<vmem>> -> memref<128xi32, #tpu.memory_space<vmem>>
      %dma_start3A_45 = arith.constant 0 : i32
      %dma_start3A_46 = arith.constant 0 : i32
      %dma_start3A_47 = tpu.memref_slice %arg2[%dma_start3A_45, %dma_start3A_46] : memref<10000x128xf32, #tpu.memory_space<hbm>> -> memref<10000x128xf32, #tpu.memory_space<hbm>>
      tpu.enqueue_indirect_dma source(%dma_start3A_47 : memref<10000x128xf32, #tpu.memory_space<hbm>>) target(%dma_start3A_41 : memref<128x128xf32, #tpu.memory_space<vmem>>) offsets(%dma_start3A_44 : memref<128xi32, #tpu.memory_space<vmem>>) semaphore(%arg11 : memref<!tpu.dma_semaphore, #tpu.memory_space<semaphore_mem>>)
      %dma_start3A_48 = arith.constant 0 : i32
      %dma_start3A_49 = arith.constant 0 : i32
      %dma_start3A_50 = arith.constant 0 : i32
      %dma_start3A_51 = arith.constant 0 : i32
      %dma_start3A_52 = tpu.memref_slice %arg9[%dma_start3A_49, %dma_start3A_50, %dma_start3A_51] : memref<2x128x128xf32, #tpu.memory_space<vmem>> -> memref<1x128x128xf32, #tpu.memory_space<vmem>>
      %dma_start3A_53 = tpu.memref_squeeze %dma_start3A_52 : memref<1x128x128xf32, #tpu.memory_space<vmem>> -> memref<128x128xf32, #tpu.memory_space<vmem>>
      %dma_start3A_54 = arith.constant 0 : i32
      %dma_start3A_55 = tpu.memref_slice %arg7[%dma_start3A_48, %dma_start3A_54] : memref<152x128xi32, #tpu.memory_space<vmem>> -> memref<1x128xi32, #tpu.memory_space<vmem>>
      %dma_start3A_56 = tpu.memref_squeeze %dma_start3A_55 : memref<1x128xi32, #tpu.memory_space<vmem>> -> memref<128xi32, #tpu.memory_space<vmem>>
      %dma_start3A_57 = arith.constant 0 : i32
      %dma_start3A_58 = arith.constant 0 : i32
      %dma_start3A_59 = tpu.memref_slice %arg2[%dma_start3A_57, %dma_start3A_58] : memref<10000x128xf32, #tpu.memory_space<hbm>> -> memref<10000x128xf32, #tpu.memory_space<hbm>>
      tpu.enqueue_indirect_dma source(%dma_start3A_59 : memref<10000x128xf32, #tpu.memory_space<hbm>>) target(%dma_start3A_53 : memref<128x128xf32, #tpu.memory_space<vmem>>) offsets(%dma_start3A_56 : memref<128xi32, #tpu.memory_space<vmem>>) semaphore(%arg11 : memref<!tpu.dma_semaphore, #tpu.memory_space<semaphore_mem>>)
      %dma_start3A_60 = arith.constant 1 : i32
      %dma_start3A_61 = arith.constant 1 : i32
      %dma_start3A_62 = arith.constant 0 : i32
      %dma_start3A_63 = arith.constant 0 : i32
      %dma_start3A_64 = tpu.memref_slice %arg8[%dma_start3A_61, %dma_start3A_62, %dma_start3A_63] : memref<2x128x128xf32, #tpu.memory_space<vmem>> -> memref<1x128x128xf32, #tpu.memory_space<vmem>>
      %dma_start3A_65 = tpu.memref_squeeze %dma_start3A_64 : memref<1x128x128xf32, #tpu.memory_space<vmem>> -> memref<128x128xf32, #tpu.memory_space<vmem>>
      %dma_start3A_66 = arith.constant 0 : i32
      %dma_start3A_67 = tpu.memref_slice %arg6[%dma_start3A_60, %dma_start3A_66] : memref<152x128xi32, #tpu.memory_space<vmem>> -> memref<1x128xi32, #tpu.memory_space<vmem>>
      %dma_start3A_68 = tpu.memref_squeeze %dma_start3A_67 : memref<1x128xi32, #tpu.memory_space<vmem>> -> memref<128xi32, #tpu.memory_space<vmem>>
      %dma_start3A_69 = arith.constant 0 : i32
      %dma_start3A_70 = arith.constant 0 : i32
      %dma_start3A_71 = tpu.memref_slice %arg2[%dma_start3A_69, %dma_start3A_70] : memref<10000x128xf32, #tpu.memory_space<hbm>> -> memref<10000x128xf32, #tpu.memory_space<hbm>>
      tpu.enqueue_indirect_dma source(%dma_start3A_71 : memref<10000x128xf32, #tpu.memory_space<hbm>>) target(%dma_start3A_65 : memref<128x128xf32, #tpu.memory_space<vmem>>) offsets(%dma_start3A_68 : memref<128xi32, #tpu.memory_space<vmem>>) semaphore(%arg12 : memref<!tpu.dma_semaphore, #tpu.memory_space<semaphore_mem>>)
      %dma_start3A_72 = arith.constant 1 : i32
      %dma_start3A_73 = arith.constant 1 : i32
      %dma_start3A_74 = arith.constant 0 : i32
      %dma_start3A_75 = arith.constant 0 : i32
      %dma_start3A_76 = tpu.memref_slice %arg9[%dma_start3A_73, %dma_start3A_74, %dma_start3A_75] : memref<2x128x128xf32, #tpu.memory_space<vmem>> -> memref<1x128x128xf32, #tpu.memory_space<vmem>>
      %dma_start3A_77 = tpu.memref_squeeze %dma_start3A_76 : memref<1x128x128xf32, #tpu.memory_space<vmem>> -> memref<128x128xf32, #tpu.memory_space<vmem>>
      %dma_start3A_78 = arith.constant 0 : i32
      %dma_start3A_79 = tpu.memref_slice %arg7[%dma_start3A_72, %dma_start3A_78] : memref<152x128xi32, #tpu.memory_space<vmem>> -> memref<1x128xi32, #tpu.memory_space<vmem>>
      %dma_start3A_80 = tpu.memref_squeeze %dma_start3A_79 : memref<1x128xi32, #tpu.memory_space<vmem>> -> memref<128xi32, #tpu.memory_space<vmem>>
      %dma_start3A_81 = arith.constant 0 : i32
      %dma_start3A_82 = arith.constant 0 : i32
      %dma_start3A_83 = tpu.memref_slice %arg2[%dma_start3A_81, %dma_start3A_82] : memref<10000x128xf32, #tpu.memory_space<hbm>> -> memref<10000x128xf32, #tpu.memory_space<hbm>>
      tpu.enqueue_indirect_dma source(%dma_start3A_83 : memref<10000x128xf32, #tpu.memory_space<hbm>>) target(%dma_start3A_77 : memref<128x128xf32, #tpu.memory_space<vmem>>) offsets(%dma_start3A_80 : memref<128xi32, #tpu.memory_space<vmem>>) semaphore(%arg12 : memref<!tpu.dma_semaphore, #tpu.memory_space<semaphore_mem>>)
    } else {
    }
    %sub3A = arith.constant 0 : i32
    %sub3A_16 = arith.subi %select_n3A, %sub3A : i32
    %sub3A_17 = arith.constant 2 : i32
    %sub3A_18 = arith.constant 1 : i32
    %sub3A_19 = arith.subi %sub3A_17, %sub3A_18 : i32
    %add3A_20 = arith.addi %sub3A_16, %sub3A_19 : i32
    %div3A = arith.constant 2 : i32
    %div3A_21 = arith.divsi %add3A_20, %div3A : i32
    %while3A = arith.constant 2 : i32
    %while3A_22 = arith.constant 0 : i32
    %while3A_23 = arith.constant 0 : i32
    %while3A_24 = arith.subi %div3A_21, %while3A_23 : i32
    %while3A_25 = arith.addi %while3A_23, %while3A_24 : i32
    %while3A_26 = arith.constant 1 : i32
    %while3A_27 = arith.divsi %while3A_24, %while3A_26 : i32
    %while3A_28 = arith.muli %while3A_27, %while3A_26 : i32
    %while3A_29 = arith.addi %while3A_23, %while3A_28 : i32
    %while3A_30 = arith.constant 1 : i32
    scf.for %while3A_37 = %while3A_23 to %while3A_29 step %while3A_30  : i32 {
      %mul3A_38 = arith.muli %while3A_37, %while3A : i32
      %add3A_39 = arith.addi %while3A_22, %mul3A_38 : i32
      %add3A_40 = arith.constant 0 : i32
      %add3A_41 = arith.addi %add3A_39, %add3A_40 : i32
      %dma_wait3A = arith.constant 0 : i32
      %dma_wait3A_42 = arith.constant 0 : i32
      %dma_wait3A_43 = arith.constant 0 : i32
      %dma_wait3A_44 = tpu.memref_slice %arg8[%dma_wait3A, %dma_wait3A_42, %dma_wait3A_43] : memref<2x128x128xf32, #tpu.memory_space<vmem>> -> memref<1x128x128xf32, #tpu.memory_space<vmem>>
      %dma_wait3A_45 = tpu.memref_squeeze %dma_wait3A_44 : memref<1x128x128xf32, #tpu.memory_space<vmem>> -> memref<128x128xf32, #tpu.memory_space<vmem>>
      %dma_wait3A_46 = arith.constant 0 : i32
      %dma_wait3A_47 = tpu.memref_slice %arg6[%add3A_41, %dma_wait3A_46] : memref<152x128xi32, #tpu.memory_space<vmem>> -> memref<1x128xi32, #tpu.memory_space<vmem>>
      %dma_wait3A_48 = tpu.memref_squeeze %dma_wait3A_47 : memref<1x128xi32, #tpu.memory_space<vmem>> -> memref<128xi32, #tpu.memory_space<vmem>>
      %dma_wait3A_49 = arith.constant 0 : i32
      %dma_wait3A_50 = arith.constant 0 : i32
      %dma_wait3A_51 = tpu.memref_slice %arg2[%dma_wait3A_49, %dma_wait3A_50] : memref<10000x128xf32, #tpu.memory_space<hbm>> -> memref<10000x128xf32, #tpu.memory_space<hbm>>
      tpu.wait_indirect_dma semaphore(%arg11 : memref<!tpu.dma_semaphore, #tpu.memory_space<semaphore_mem>>) src(%dma_wait3A_51 : memref<10000x128xf32, #tpu.memory_space<hbm>>) dst(%dma_wait3A_45 : memref<128x128xf32, #tpu.memory_space<vmem>>)
      %dma_wait3A_52 = arith.constant 0 : i32
      %dma_wait3A_53 = arith.constant 0 : i32
      %dma_wait3A_54 = arith.constant 0 : i32
      %dma_wait3A_55 = tpu.memref_slice %arg9[%dma_wait3A_52, %dma_wait3A_53, %dma_wait3A_54] : memref<2x128x128xf32, #tpu.memory_space<vmem>> -> memref<1x128x128xf32, #tpu.memory_space<vmem>>
      %dma_wait3A_56 = tpu.memref_squeeze %dma_wait3A_55 : memref<1x128x128xf32, #tpu.memory_space<vmem>> -> memref<128x128xf32, #tpu.memory_space<vmem>>
      %dma_wait3A_57 = arith.constant 0 : i32
      %dma_wait3A_58 = tpu.memref_slice %arg7[%add3A_41, %dma_wait3A_57] : memref<152x128xi32, #tpu.memory_space<vmem>> -> memref<1x128xi32, #tpu.memory_space<vmem>>
      %dma_wait3A_59 = tpu.memref_squeeze %dma_wait3A_58 : memref<1x128xi32, #tpu.memory_space<vmem>> -> memref<128xi32, #tpu.memory_space<vmem>>
      %dma_wait3A_60 = arith.constant 0 : i32
      %dma_wait3A_61 = arith.constant 0 : i32
      %dma_wait3A_62 = tpu.memref_slice %arg2[%dma_wait3A_60, %dma_wait3A_61] : memref<10000x128xf32, #tpu.memory_space<hbm>> -> memref<10000x128xf32, #tpu.memory_space<hbm>>
      tpu.wait_indirect_dma semaphore(%arg11 : memref<!tpu.dma_semaphore, #tpu.memory_space<semaphore_mem>>) src(%dma_wait3A_62 : memref<10000x128xf32, #tpu.memory_space<hbm>>) dst(%dma_wait3A_56 : memref<128x128xf32, #tpu.memory_space<vmem>>)
      %ge3A = arith.constant 1 : i32
      %ge3A_63 = arith.cmpi sge, %add3A_41, %ge3A : i32
      %convert_element_type3A_64 = arith.extui %ge3A_63 : i1 to i32
      %cond3A_65 = arith.constant 0 : i32
      %cond3A_66 = arith.cmpi ne, %convert_element_type3A_64, %cond3A_65 : i32
      scf.if %cond3A_66 {
        %sub3A_129 = arith.constant 1 : i32
        %sub3A_130 = arith.subi %add3A_41, %sub3A_129 : i32
        %add3A_131 = arith.addi %select_n3A_8, %sub3A_130 : i32
        %mul3A_132 = arith.constant 128 : i32
        %mul3A_133 = arith.muli %add3A_131, %mul3A_132 : i32
        %dma_wait3A_134 = arith.constant 0 : i32
        %dma_wait3A_135 = tpu.memref_slice %arg5[%mul3A_133, %dma_wait3A_134] : memref<327680x128xf32, #tpu.memory_space<hbm>> -> memref<128x128xf32, #tpu.memory_space<hbm>>
        %dma_wait3A_136 = arith.constant 0 : i32
        %dma_wait3A_137 = tpu.memref_slice %arg5[%mul3A_133, %dma_wait3A_136] : memref<327680x128xf32, #tpu.memory_space<hbm>> -> memref<128x128xf32, #tpu.memory_space<hbm>>
        tpu.wait_dma2 semaphore(%arg13 : memref<!tpu.dma_semaphore, #tpu.memory_space<semaphore_mem>>) src(%arg10 : memref<128x128xf32, #tpu.memory_space<vmem>>) dst(%dma_wait3A_137 : memref<128x128xf32, #tpu.memory_space<hbm>>)
      } else {
      }
      %scan3A = arith.constant 0 : i32
      %scan3A_67 = arith.constant 128 : i32
      %scan3A_68 = arith.addi %scan3A, %scan3A_67 : i32
      %scan3A_69 = arith.constant 1 : i32
      scf.for %scan3A_129 = %scan3A to %scan3A_68 step %scan3A_69  : i32 {
        %mul3A_130 = arith.constant 1 : i32
        %mul3A_131 = arith.muli %scan3A_129, %mul3A_130 : i32
        %add3A_132 = arith.constant 0 : i32
        %add3A_133 = arith.addi %add3A_132, %mul3A_131 : i32
        %get3A = arith.constant 0 : i32
        %get3A_134 = arith.constant 0 : i32
        %get3A_135 = arith.constant 0 : i32
        %get3A_136 = tpu.memref_slice %arg8[%get3A, %get3A_134, %get3A_135] : memref<2x128x128xf32, #tpu.memory_space<vmem>> -> memref<1x128x128xf32, #tpu.memory_space<vmem>>
        %get3A_137 = tpu.memref_squeeze %get3A_136 : memref<1x128x128xf32, #tpu.memory_space<vmem>> -> memref<128x128xf32, #tpu.memory_space<vmem>>
        %get3A_138 = arith.index_cast %add3A_133 : i32 to index
        %get3A_139 = arith.constant 0 : index
        %get3A_140 = tpu.vector_load %get3A_137[%get3A_138, %get3A_139] {strides = array<i32>} : memref<128x128xf32, #tpu.memory_space<vmem>>, vector<1x16xf32>,
        %get3A_141 = vector.shape_cast %get3A_140 : vector<1x16xf32> to vector<16xf32>
        %get3A_142 = arith.constant 0 : i32
        %get3A_143 = arith.constant 0 : i32
        %get3A_144 = arith.constant 0 : i32
        %get3A_145 = tpu.memref_slice %arg9[%get3A_142, %get3A_143, %get3A_144] : memref<2x128x128xf32, #tpu.memory_space<vmem>> -> memref<1x128x128xf32, #tpu.memory_space<vmem>>
        %get3A_146 = tpu.memref_squeeze %get3A_145 : memref<1x128x128xf32, #tpu.memory_space<vmem>> -> memref<128x128xf32, #tpu.memory_space<vmem>>
        %get3A_147 = arith.index_cast %add3A_133 : i32 to index
        %get3A_148 = arith.constant 0 : index
        %get3A_149 = tpu.vector_load %get3A_146[%get3A_147, %get3A_148] {strides = array<i32>} : memref<128x128xf32, #tpu.memory_space<vmem>>, vector<1x16xf32>,
        %get3A_150 = vector.shape_cast %get3A_149 : vector<1x16xf32> to vector<16xf32>
        %add3A_151 = arith.addf %get3A_141, %get3A_150 : vector<16xf32>
        %swap3A = arith.index_cast %add3A_133 : i32 to index
        %swap3A_152 = arith.constant 0 : index
        %swap3A_153 = tpu.vector_load %arg10[%swap3A, %swap3A_152] {strides = array<i32>} : memref<128x128xf32, #tpu.memory_space<vmem>>, vector<1x16xf32>,
        %swap3A_154 = vector.shape_cast %swap3A_153 : vector<1x16xf32> to vector<16xf32>
        %swap3A_155 = vector.shape_cast %add3A_151 : vector<16xf32> to vector<1x16xf32>
        tpu.vector_store %arg10[%swap3A, %swap3A_152], %swap3A_155 {strides = array<i32>} : memref<128x128xf32, #tpu.memory_space<vmem>>, vector<1x16xf32>,
        %get3A_156 = arith.constant 0 : i32
        %get3A_157 = arith.constant 0 : i32
        %get3A_158 = arith.constant 0 : i32
        %get3A_159 = tpu.memref_slice %arg8[%get3A_156, %get3A_157, %get3A_158] : memref<2x128x128xf32, #tpu.memory_space<vmem>> -> memref<1x128x128xf32, #tpu.memory_space<vmem>>
        %get3A_160 = tpu.memref_squeeze %get3A_159 : memref<1x128x128xf32, #tpu.memory_space<vmem>> -> memref<128x128xf32, #tpu.memory_space<vmem>>
        %get3A_161 = arith.index_cast %add3A_133 : i32 to index
        %get3A_162 = arith.constant 16 : index
        %get3A_163 = tpu.vector_load %get3A_160[%get3A_161, %get3A_162] {strides = array<i32>} : memref<128x128xf32, #tpu.memory_space<vmem>>, vector<1x16xf32>,
        %get3A_164 = vector.shape_cast %get3A_163 : vector<1x16xf32> to vector<16xf32>
        %get3A_165 = arith.constant 0 : i32
        %get3A_166 = arith.constant 0 : i32
        %get3A_167 = arith.constant 0 : i32
        %get3A_168 = tpu.memref_slice %arg9[%get3A_165, %get3A_166, %get3A_167] : memref<2x128x128xf32, #tpu.memory_space<vmem>> -> memref<1x128x128xf32, #tpu.memory_space<vmem>>
        %get3A_169 = tpu.memref_squeeze %get3A_168 : memref<1x128x128xf32, #tpu.memory_space<vmem>> -> memref<128x128xf32, #tpu.memory_space<vmem>>
        %get3A_170 = arith.index_cast %add3A_133 : i32 to index
        %get3A_171 = arith.constant 16 : index
        %get3A_172 = tpu.vector_load %get3A_169[%get3A_170, %get3A_171] {strides = array<i32>} : memref<128x128xf32, #tpu.memory_space<vmem>>, vector<1x16xf32>,
        %get3A_173 = vector.shape_cast %get3A_172 : vector<1x16xf32> to vector<16xf32>
        %add3A_174 = arith.addf %get3A_164, %get3A_173 : vector<16xf32>
        %swap3A_175 = arith.index_cast %add3A_133 : i32 to index
        %swap3A_176 = arith.constant 16 : index
        %swap3A_177 = tpu.vector_load %arg10[%swap3A_175, %swap3A_176] {strides = array<i32>} : memref<128x128xf32, #tpu.memory_space<vmem>>, vector<1x16xf32>,
        %swap3A_178 = vector.shape_cast %swap3A_177 : vector<1x16xf32> to vector<16xf32>
        %swap3A_179 = vector.shape_cast %add3A_174 : vector<16xf32> to vector<1x16xf32>
        tpu.vector_store %arg10[%swap3A_175, %swap3A_176], %swap3A_179 {strides = array<i32>} : memref<128x128xf32, #tpu.memory_space<vmem>>, vector<1x16xf32>,
        %get3A_180 = arith.constant 0 : i32
        %get3A_181 = arith.constant 0 : i32
        %get3A_182 = arith.constant 0 : i32
        %get3A_183 = tpu.memref_slice %arg8[%get3A_180, %get3A_181, %get3A_182] : memref<2x128x128xf32, #tpu.memory_space<vmem>> -> memref<1x128x128xf32, #tpu.memory_space<vmem>>
        %get3A_184 = tpu.memref_squeeze %get3A_183 : memref<1x128x128xf32, #tpu.memory_space<vmem>> -> memref<128x128xf32, #tpu.memory_space<vmem>>
        %get3A_185 = arith.index_cast %add3A_133 : i32 to index
        %get3A_186 = arith.constant 32 : index
        %get3A_187 = tpu.vector_load %get3A_184[%get3A_185, %get3A_186] {strides = array<i32>} : memref<128x128xf32, #tpu.memory_space<vmem>>, vector<1x16xf32>,
        %get3A_188 = vector.shape_cast %get3A_187 : vector<1x16xf32> to vector<16xf32>
        %get3A_189 = arith.constant 0 : i32
        %get3A_190 = arith.constant 0 : i32
        %get3A_191 = arith.constant 0 : i32
        %get3A_192 = tpu.memref_slice %arg9[%get3A_189, %get3A_190, %get3A_191] : memref<2x128x128xf32, #tpu.memory_space<vmem>> -> memref<1x128x128xf32, #tpu.memory_space<vmem>>
        %get3A_193 = tpu.memref_squeeze %get3A_192 : memref<1x128x128xf32, #tpu.memory_space<vmem>> -> memref<128x128xf32, #tpu.memory_space<vmem>>
        %get3A_194 = arith.index_cast %add3A_133 : i32 to index
        %get3A_195 = arith.constant 32 : index
        %get3A_196 = tpu.vector_load %get3A_193[%get3A_194, %get3A_195] {strides = array<i32>} : memref<128x128xf32, #tpu.memory_space<vmem>>, vector<1x16xf32>,
        %get3A_197 = vector.shape_cast %get3A_196 : vector<1x16xf32> to vector<16xf32>
        %add3A_198 = arith.addf %get3A_188, %get3A_197 : vector<16xf32>
        %swap3A_199 = arith.index_cast %add3A_133 : i32 to index
        %swap3A_200 = arith.constant 32 : index
        %swap3A_201 = tpu.vector_load %arg10[%swap3A_199, %swap3A_200] {strides = array<i32>} : memref<128x128xf32, #tpu.memory_space<vmem>>, vector<1x16xf32>,
        %swap3A_202 = vector.shape_cast %swap3A_201 : vector<1x16xf32> to vector<16xf32>
        %swap3A_203 = vector.shape_cast %add3A_198 : vector<16xf32> to vector<1x16xf32>
        tpu.vector_store %arg10[%swap3A_199, %swap3A_200], %swap3A_203 {strides = array<i32>} : memref<128x128xf32, #tpu.memory_space<vmem>>, vector<1x16xf32>,
        %get3A_204 = arith.constant 0 : i32
        %get3A_205 = arith.constant 0 : i32
        %get3A_206 = arith.constant 0 : i32
        %get3A_207 = tpu.memref_slice %arg8[%get3A_204, %get3A_205, %get3A_206] : memref<2x128x128xf32, #tpu.memory_space<vmem>> -> memref<1x128x128xf32, #tpu.memory_space<vmem>>
        %get3A_208 = tpu.memref_squeeze %get3A_207 : memref<1x128x128xf32, #tpu.memory_space<vmem>> -> memref<128x128xf32, #tpu.memory_space<vmem>>
        %get3A_209 = arith.index_cast %add3A_133 : i32 to index
        %get3A_210 = arith.constant 48 : index
        %get3A_211 = tpu.vector_load %get3A_208[%get3A_209, %get3A_210] {strides = array<i32>} : memref<128x128xf32, #tpu.memory_space<vmem>>, vector<1x16xf32>,
        %get3A_212 = vector.shape_cast %get3A_211 : vector<1x16xf32> to vector<16xf32>
        %get3A_213 = arith.constant 0 : i32
        %get3A_214 = arith.constant 0 : i32
        %get3A_215 = arith.constant 0 : i32
        %get3A_216 = tpu.memref_slice %arg9[%get3A_213, %get3A_214, %get3A_215] : memref<2x128x128xf32, #tpu.memory_space<vmem>> -> memref<1x128x128xf32, #tpu.memory_space<vmem>>
        %get3A_217 = tpu.memref_squeeze %get3A_216 : memref<1x128x128xf32, #tpu.memory_space<vmem>> -> memref<128x128xf32, #tpu.memory_space<vmem>>
        %get3A_218 = arith.index_cast %add3A_133 : i32 to index
        %get3A_219 = arith.constant 48 : index
        %get3A_220 = tpu.vector_load %get3A_217[%get3A_218, %get3A_219] {strides = array<i32>} : memref<128x128xf32, #tpu.memory_space<vmem>>, vector<1x16xf32>,
        %get3A_221 = vector.shape_cast %get3A_220 : vector<1x16xf32> to vector<16xf32>
        %add3A_222 = arith.addf %get3A_212, %get3A_221 : vector<16xf32>
        %swap3A_223 = arith.index_cast %add3A_133 : i32 to index
        %swap3A_224 = arith.constant 48 : index
        %swap3A_225 = tpu.vector_load %arg10[%swap3A_223, %swap3A_224] {strides = array<i32>} : memref<128x128xf32, #tpu.memory_space<vmem>>, vector<1x16xf32>,
        %swap3A_226 = vector.shape_cast %swap3A_225 : vector<1x16xf32> to vector<16xf32>
        %swap3A_227 = vector.shape_cast %add3A_222 : vector<16xf32> to vector<1x16xf32>
        tpu.vector_store %arg10[%swap3A_223, %swap3A_224], %swap3A_227 {strides = array<i32>} : memref<128x128xf32, #tpu.memory_space<vmem>>, vector<1x16xf32>,
        %get3A_228 = arith.constant 0 : i32
        %get3A_229 = arith.constant 0 : i32
        %get3A_230 = arith.constant 0 : i32
        %get3A_231 = tpu.memref_slice %arg8[%get3A_228, %get3A_229, %get3A_230] : memref<2x128x128xf32, #tpu.memory_space<vmem>> -> memref<1x128x128xf32, #tpu.memory_space<vmem>>
        %get3A_232 = tpu.memref_squeeze %get3A_231 : memref<1x128x128xf32, #tpu.memory_space<vmem>> -> memref<128x128xf32, #tpu.memory_space<vmem>>
        %get3A_233 = arith.index_cast %add3A_133 : i32 to index
        %get3A_234 = arith.constant 64 : index
        %get3A_235 = tpu.vector_load %get3A_232[%get3A_233, %get3A_234] {strides = array<i32>} : memref<128x128xf32, #tpu.memory_space<vmem>>, vector<1x16xf32>,
        %get3A_236 = vector.shape_cast %get3A_235 : vector<1x16xf32> to vector<16xf32>
        %get3A_237 = arith.constant 0 : i32
        %get3A_238 = arith.constant 0 : i32
        %get3A_239 = arith.constant 0 : i32
        %get3A_240 = tpu.memref_slice %arg9[%get3A_237, %get3A_238, %get3A_239] : memref<2x128x128xf32, #tpu.memory_space<vmem>> -> memref<1x128x128xf32, #tpu.memory_space<vmem>>
        %get3A_241 = tpu.memref_squeeze %get3A_240 : memref<1x128x128xf32, #tpu.memory_space<vmem>> -> memref<128x128xf32, #tpu.memory_space<vmem>>
        %get3A_242 = arith.index_cast %add3A_133 : i32 to index
        %get3A_243 = arith.constant 64 : index
        %get3A_244 = tpu.vector_load %get3A_241[%get3A_242, %get3A_243] {strides = array<i32>} : memref<128x128xf32, #tpu.memory_space<vmem>>, vector<1x16xf32>,
        %get3A_245 = vector.shape_cast %get3A_244 : vector<1x16xf32> to vector<16xf32>
        %add3A_246 = arith.addf %get3A_236, %get3A_245 : vector<16xf32>
        %swap3A_247 = arith.index_cast %add3A_133 : i32 to index
        %swap3A_248 = arith.constant 64 : index
        %swap3A_249 = tpu.vector_load %arg10[%swap3A_247, %swap3A_248] {strides = array<i32>} : memref<128x128xf32, #tpu.memory_space<vmem>>, vector<1x16xf32>,
        %swap3A_250 = vector.shape_cast %swap3A_249 : vector<1x16xf32> to vector<16xf32>
        %swap3A_251 = vector.shape_cast %add3A_246 : vector<16xf32> to vector<1x16xf32>
        tpu.vector_store %arg10[%swap3A_247, %swap3A_248], %swap3A_251 {strides = array<i32>} : memref<128x128xf32, #tpu.memory_space<vmem>>, vector<1x16xf32>,
        %get3A_252 = arith.constant 0 : i32
        %get3A_253 = arith.constant 0 : i32
        %get3A_254 = arith.constant 0 : i32
        %get3A_255 = tpu.memref_slice %arg8[%get3A_252, %get3A_253, %get3A_254] : memref<2x128x128xf32, #tpu.memory_space<vmem>> -> memref<1x128x128xf32, #tpu.memory_space<vmem>>
        %get3A_256 = tpu.memref_squeeze %get3A_255 : memref<1x128x128xf32, #tpu.memory_space<vmem>> -> memref<128x128xf32, #tpu.memory_space<vmem>>
        %get3A_257 = arith.index_cast %add3A_133 : i32 to index
        %get3A_258 = arith.constant 80 : index
        %get3A_259 = tpu.vector_load %get3A_256[%get3A_257, %get3A_258] {strides = array<i32>} : memref<128x128xf32, #tpu.memory_space<vmem>>, vector<1x16xf32>,
        %get3A_260 = vector.shape_cast %get3A_259 : vector<1x16xf32> to vector<16xf32>
        %get3A_261 = arith.constant 0 : i32
        %get3A_262 = arith.constant 0 : i32
        %get3A_263 = arith.constant 0 : i32
        %get3A_264 = tpu.memref_slice %arg9[%get3A_261, %get3A_262, %get3A_263] : memref<2x128x128xf32, #tpu.memory_space<vmem>> -> memref<1x128x128xf32, #tpu.memory_space<vmem>>
        %get3A_265 = tpu.memref_squeeze %get3A_264 : memref<1x128x128xf32, #tpu.memory_space<vmem>> -> memref<128x128xf32, #tpu.memory_space<vmem>>
        %get3A_266 = arith.index_cast %add3A_133 : i32 to index
        %get3A_267 = arith.constant 80 : index
        %get3A_268 = tpu.vector_load %get3A_265[%get3A_266, %get3A_267] {strides = array<i32>} : memref<128x128xf32, #tpu.memory_space<vmem>>, vector<1x16xf32>,
        %get3A_269 = vector.shape_cast %get3A_268 : vector<1x16xf32> to vector<16xf32>
        %add3A_270 = arith.addf %get3A_260, %get3A_269 : vector<16xf32>
        %swap3A_271 = arith.index_cast %add3A_133 : i32 to index
        %swap3A_272 = arith.constant 80 : index
        %swap3A_273 = tpu.vector_load %arg10[%swap3A_271, %swap3A_272] {strides = array<i32>} : memref<128x128xf32, #tpu.memory_space<vmem>>, vector<1x16xf32>,
        %swap3A_274 = vector.shape_cast %swap3A_273 : vector<1x16xf32> to vector<16xf32>
        %swap3A_275 = vector.shape_cast %add3A_270 : vector<16xf32> to vector<1x16xf32>
        tpu.vector_store %arg10[%swap3A_271, %swap3A_272], %swap3A_275 {strides = array<i32>} : memref<128x128xf32, #tpu.memory_space<vmem>>, vector<1x16xf32>,
        %get3A_276 = arith.constant 0 : i32
        %get3A_277 = arith.constant 0 : i32
        %get3A_278 = arith.constant 0 : i32
        %get3A_279 = tpu.memref_slice %arg8[%get3A_276, %get3A_277, %get3A_278] : memref<2x128x128xf32, #tpu.memory_space<vmem>> -> memref<1x128x128xf32, #tpu.memory_space<vmem>>
        %get3A_280 = tpu.memref_squeeze %get3A_279 : memref<1x128x128xf32, #tpu.memory_space<vmem>> -> memref<128x128xf32, #tpu.memory_space<vmem>>
        %get3A_281 = arith.index_cast %add3A_133 : i32 to index
        %get3A_282 = arith.constant 96 : index
        %get3A_283 = tpu.vector_load %get3A_280[%get3A_281, %get3A_282] {strides = array<i32>} : memref<128x128xf32, #tpu.memory_space<vmem>>, vector<1x16xf32>,
        %get3A_284 = vector.shape_cast %get3A_283 : vector<1x16xf32> to vector<16xf32>
        %get3A_285 = arith.constant 0 : i32
        %get3A_286 = arith.constant 0 : i32
        %get3A_287 = arith.constant 0 : i32
        %get3A_288 = tpu.memref_slice %arg9[%get3A_285, %get3A_286, %get3A_287] : memref<2x128x128xf32, #tpu.memory_space<vmem>> -> memref<1x128x128xf32, #tpu.memory_space<vmem>>
        %get3A_289 = tpu.memref_squeeze %get3A_288 : memref<1x128x128xf32, #tpu.memory_space<vmem>> -> memref<128x128xf32, #tpu.memory_space<vmem>>
        %get3A_290 = arith.index_cast %add3A_133 : i32 to index
        %get3A_291 = arith.constant 96 : index
        %get3A_292 = tpu.vector_load %get3A_289[%get3A_290, %get3A_291] {strides = array<i32>} : memref<128x128xf32, #tpu.memory_space<vmem>>, vector<1x16xf32>,
        %get3A_293 = vector.shape_cast %get3A_292 : vector<1x16xf32> to vector<16xf32>
        %add3A_294 = arith.addf %get3A_284, %get3A_293 : vector<16xf32>
        %swap3A_295 = arith.index_cast %add3A_133 : i32 to index
        %swap3A_296 = arith.constant 96 : index
        %swap3A_297 = tpu.vector_load %arg10[%swap3A_295, %swap3A_296] {strides = array<i32>} : memref<128x128xf32, #tpu.memory_space<vmem>>, vector<1x16xf32>,
        %swap3A_298 = vector.shape_cast %swap3A_297 : vector<1x16xf32> to vector<16xf32>
        %swap3A_299 = vector.shape_cast %add3A_294 : vector<16xf32> to vector<1x16xf32>
        tpu.vector_store %arg10[%swap3A_295, %swap3A_296], %swap3A_299 {strides = array<i32>} : memref<128x128xf32, #tpu.memory_space<vmem>>, vector<1x16xf32>,
        %get3A_300 = arith.constant 0 : i32
        %get3A_301 = arith.constant 0 : i32
        %get3A_302 = arith.constant 0 : i32
        %get3A_303 = tpu.memref_slice %arg8[%get3A_300, %get3A_301, %get3A_302] : memref<2x128x128xf32, #tpu.memory_space<vmem>> -> memref<1x128x128xf32, #tpu.memory_space<vmem>>
        %get3A_304 = tpu.memref_squeeze %get3A_303 : memref<1x128x128xf32, #tpu.memory_space<vmem>> -> memref<128x128xf32, #tpu.memory_space<vmem>>
        %get3A_305 = arith.index_cast %add3A_133 : i32 to index
        %get3A_306 = arith.constant 112 : index
        %get3A_307 = tpu.vector_load %get3A_304[%get3A_305, %get3A_306] {strides = array<i32>} : memref<128x128xf32, #tpu.memory_space<vmem>>, vector<1x16xf32>,
        %get3A_308 = vector.shape_cast %get3A_307 : vector<1x16xf32> to vector<16xf32>
        %get3A_309 = arith.constant 0 : i32
        %get3A_310 = arith.constant 0 : i32
        %get3A_311 = arith.constant 0 : i32
        %get3A_312 = tpu.memref_slice %arg9[%get3A_309, %get3A_310, %get3A_311] : memref<2x128x128xf32, #tpu.memory_space<vmem>> -> memref<1x128x128xf32, #tpu.memory_space<vmem>>
        %get3A_313 = tpu.memref_squeeze %get3A_312 : memref<1x128x128xf32, #tpu.memory_space<vmem>> -> memref<128x128xf32, #tpu.memory_space<vmem>>
        %get3A_314 = arith.index_cast %add3A_133 : i32 to index
        %get3A_315 = arith.constant 112 : index
        %get3A_316 = tpu.vector_load %get3A_313[%get3A_314, %get3A_315] {strides = array<i32>} : memref<128x128xf32, #tpu.memory_space<vmem>>, vector<1x16xf32>,
        %get3A_317 = vector.shape_cast %get3A_316 : vector<1x16xf32> to vector<16xf32>
        %add3A_318 = arith.addf %get3A_308, %get3A_317 : vector<16xf32>
        %swap3A_319 = arith.index_cast %add3A_133 : i32 to index
        %swap3A_320 = arith.constant 112 : index
        %swap3A_321 = tpu.vector_load %arg10[%swap3A_319, %swap3A_320] {strides = array<i32>} : memref<128x128xf32, #tpu.memory_space<vmem>>, vector<1x16xf32>,
        %swap3A_322 = vector.shape_cast %swap3A_321 : vector<1x16xf32> to vector<16xf32>
        %swap3A_323 = vector.shape_cast %add3A_318 : vector<16xf32> to vector<1x16xf32>
        tpu.vector_store %arg10[%swap3A_319, %swap3A_320], %swap3A_323 {strides = array<i32>} : memref<128x128xf32, #tpu.memory_space<vmem>>, vector<1x16xf32>,
      }
      %scan3A_70 = arith.constant 128 : i32
      %add3A_71 = arith.constant 2 : i32
      %add3A_72 = arith.addi %add3A_41, %add3A_71 : i32
      %lt3A = arith.cmpi slt, %add3A_72, %select_n3A : i32
      %convert_element_type3A_73 = arith.extui %lt3A : i1 to i32
      %cond3A_74 = arith.constant 0 : i32
      %cond3A_75 = arith.cmpi ne, %convert_element_type3A_73, %cond3A_74 : i32
      scf.if %cond3A_75 {
        %add3A_129 = arith.constant 2 : i32
        %add3A_130 = arith.addi %add3A_41, %add3A_129 : i32
        %dma_start3A_131 = arith.constant 0 : i32
        %dma_start3A_132 = arith.constant 0 : i32
        %dma_start3A_133 = arith.constant 0 : i32
        %dma_start3A_134 = tpu.memref_slice %arg8[%dma_start3A_131, %dma_start3A_132, %dma_start3A_133] : memref<2x128x128xf32, #tpu.memory_space<vmem>> -> memref<1x128x128xf32, #tpu.memory_space<vmem>>
        %dma_start3A_135 = tpu.memref_squeeze %dma_start3A_134 : memref<1x128x128xf32, #tpu.memory_space<vmem>> -> memref<128x128xf32, #tpu.memory_space<vmem>>
        %dma_start3A_136 = arith.constant 0 : i32
        %dma_start3A_137 = tpu.memref_slice %arg6[%add3A_130, %dma_start3A_136] : memref<152x128xi32, #tpu.memory_space<vmem>> -> memref<1x128xi32, #tpu.memory_space<vmem>>
        %dma_start3A_138 = tpu.memref_squeeze %dma_start3A_137 : memref<1x128xi32, #tpu.memory_space<vmem>> -> memref<128xi32, #tpu.memory_space<vmem>>
        %dma_start3A_139 = arith.constant 0 : i32
        %dma_start3A_140 = arith.constant 0 : i32
        %dma_start3A_141 = tpu.memref_slice %arg2[%dma_start3A_139, %dma_start3A_140] : memref<10000x128xf32, #tpu.memory_space<hbm>> -> memref<10000x128xf32, #tpu.memory_space<hbm>>
        tpu.enqueue_indirect_dma source(%dma_start3A_141 : memref<10000x128xf32, #tpu.memory_space<hbm>>) target(%dma_start3A_135 : memref<128x128xf32, #tpu.memory_space<vmem>>) offsets(%dma_start3A_138 : memref<128xi32, #tpu.memory_space<vmem>>) semaphore(%arg11 : memref<!tpu.dma_semaphore, #tpu.memory_space<semaphore_mem>>)
        %dma_start3A_142 = arith.constant 0 : i32
        %dma_start3A_143 = arith.constant 0 : i32
        %dma_start3A_144 = arith.constant 0 : i32
        %dma_start3A_145 = tpu.memref_slice %arg9[%dma_start3A_142, %dma_start3A_143, %dma_start3A_144] : memref<2x128x128xf32, #tpu.memory_space<vmem>> -> memref<1x128x128xf32, #tpu.memory_space<vmem>>
        %dma_start3A_146 = tpu.memref_squeeze %dma_start3A_145 : memref<1x128x128xf32, #tpu.memory_space<vmem>> -> memref<128x128xf32, #tpu.memory_space<vmem>>
        %dma_start3A_147 = arith.constant 0 : i32
        %dma_start3A_148 = tpu.memref_slice %arg7[%add3A_130, %dma_start3A_147] : memref<152x128xi32, #tpu.memory_space<vmem>> -> memref<1x128xi32, #tpu.memory_space<vmem>>
        %dma_start3A_149 = tpu.memref_squeeze %dma_start3A_148 : memref<1x128xi32, #tpu.memory_space<vmem>> -> memref<128xi32, #tpu.memory_space<vmem>>
        %dma_start3A_150 = arith.constant 0 : i32
        %dma_start3A_151 = arith.constant 0 : i32
        %dma_start3A_152 = tpu.memref_slice %arg2[%dma_start3A_150, %dma_start3A_151] : memref<10000x128xf32, #tpu.memory_space<hbm>> -> memref<10000x128xf32, #tpu.memory_space<hbm>>
        tpu.enqueue_indirect_dma source(%dma_start3A_152 : memref<10000x128xf32, #tpu.memory_space<hbm>>) target(%dma_start3A_146 : memref<128x128xf32, #tpu.memory_space<vmem>>) offsets(%dma_start3A_149 : memref<128xi32, #tpu.memory_space<vmem>>) semaphore(%arg11 : memref<!tpu.dma_semaphore, #tpu.memory_space<semaphore_mem>>)
      } else {
      }
      %add3A_76 = arith.addi %select_n3A_8, %add3A_41 : i32
      %mul3A_77 = arith.constant 128 : i32
      %mul3A_78 = arith.muli %add3A_76, %mul3A_77 : i32
      %dma_start3A = arith.constant 0 : i32
      %dma_start3A_79 = tpu.memref_slice %arg5[%mul3A_78, %dma_start3A] : memref<327680x128xf32, #tpu.memory_space<hbm>> -> memref<128x128xf32, #tpu.memory_space<hbm>>
      %dma_start3A_80 = arith.constant 0 : i32
      %dma_start3A_81 = tpu.memref_slice %arg5[%mul3A_78, %dma_start3A_80] : memref<327680x128xf32, #tpu.memory_space<hbm>> -> memref<128x128xf32, #tpu.memory_space<hbm>>
      tpu.enqueue_dma source(%arg10 : memref<128x128xf32, #tpu.memory_space<vmem>>) target(%dma_start3A_81 : memref<128x128xf32, #tpu.memory_space<hbm>>) target_semaphore(%arg13 : memref<!tpu.dma_semaphore, #tpu.memory_space<semaphore_mem>>)
      %add3A_82 = arith.constant 1 : i32
      %add3A_83 = arith.addi %add3A_39, %add3A_82 : i32
      %dma_wait3A_84 = arith.constant 1 : i32
      %dma_wait3A_85 = arith.constant 0 : i32
      %dma_wait3A_86 = arith.constant 0 : i32
      %dma_wait3A_87 = tpu.memref_slice %arg8[%dma_wait3A_84, %dma_wait3A_85, %dma_wait3A_86] : memref<2x128x128xf32, #tpu.memory_space<vmem>> -> memref<1x128x128xf32, #tpu.memory_space<vmem>>
      %dma_wait3A_88 = tpu.memref_squeeze %dma_wait3A_87 : memref<1x128x128xf32, #tpu.memory_space<vmem>> -> memref<128x128xf32, #tpu.memory_space<vmem>>
      %dma_wait3A_89 = arith.constant 0 : i32
      %dma_wait3A_90 = tpu.memref_slice %arg6[%add3A_83, %dma_wait3A_89] : memref<152x128xi32, #tpu.memory_space<vmem>> -> memref<1x128xi32, #tpu.memory_space<vmem>>
      %dma_wait3A_91 = tpu.memref_squeeze %dma_wait3A_90 : memref<1x128xi32, #tpu.memory_space<vmem>> -> memref<128xi32, #tpu.memory_space<vmem>>
      %dma_wait3A_92 = arith.constant 0 : i32
      %dma_wait3A_93 = arith.constant 0 : i32
      %dma_wait3A_94 = tpu.memref_slice %arg2[%dma_wait3A_92, %dma_wait3A_93] : memref<10000x128xf32, #tpu.memory_space<hbm>> -> memref<10000x128xf32, #tpu.memory_space<hbm>>
      tpu.wait_indirect_dma semaphore(%arg12 : memref<!tpu.dma_semaphore, #tpu.memory_space<semaphore_mem>>) src(%dma_wait3A_94 : memref<10000x128xf32, #tpu.memory_space<hbm>>) dst(%dma_wait3A_88 : memref<128x128xf32, #tpu.memory_space<vmem>>)
      %dma_wait3A_95 = arith.constant 1 : i32
      %dma_wait3A_96 = arith.constant 0 : i32
      %dma_wait3A_97 = arith.constant 0 : i32
      %dma_wait3A_98 = tpu.memref_slice %arg9[%dma_wait3A_95, %dma_wait3A_96, %dma_wait3A_97] : memref<2x128x128xf32, #tpu.memory_space<vmem>> -> memref<1x128x128xf32, #tpu.memory_space<vmem>>
      %dma_wait3A_99 = tpu.memref_squeeze %dma_wait3A_98 : memref<1x128x128xf32, #tpu.memory_space<vmem>> -> memref<128x128xf32, #tpu.memory_space<vmem>>
      %dma_wait3A_100 = arith.constant 0 : i32
      %dma_wait3A_101 = tpu.memref_slice %arg7[%add3A_83, %dma_wait3A_100] : memref<152x128xi32, #tpu.memory_space<vmem>> -> memref<1x128xi32, #tpu.memory_space<vmem>>
      %dma_wait3A_102 = tpu.memref_squeeze %dma_wait3A_101 : memref<1x128xi32, #tpu.memory_space<vmem>> -> memref<128xi32, #tpu.memory_space<vmem>>
      %dma_wait3A_103 = arith.constant 0 : i32
      %dma_wait3A_104 = arith.constant 0 : i32
      %dma_wait3A_105 = tpu.memref_slice %arg2[%dma_wait3A_103, %dma_wait3A_104] : memref<10000x128xf32, #tpu.memory_space<hbm>> -> memref<10000x128xf32, #tpu.memory_space<hbm>>
      tpu.wait_indirect_dma semaphore(%arg12 : memref<!tpu.dma_semaphore, #tpu.memory_space<semaphore_mem>>) src(%dma_wait3A_105 : memref<10000x128xf32, #tpu.memory_space<hbm>>) dst(%dma_wait3A_99 : memref<128x128xf32, #tpu.memory_space<vmem>>)
      %ge3A_106 = arith.constant 1 : i32
      %ge3A_107 = arith.cmpi sge, %add3A_83, %ge3A_106 : i32
      %convert_element_type3A_108 = arith.extui %ge3A_107 : i1 to i32
      %cond3A_109 = arith.constant 0 : i32
      %cond3A_110 = arith.cmpi ne, %convert_element_type3A_108, %cond3A_109 : i32
      scf.if %cond3A_110 {
        %sub3A_129 = arith.constant 1 : i32
        %sub3A_130 = arith.subi %add3A_83, %sub3A_129 : i32
        %add3A_131 = arith.addi %select_n3A_8, %sub3A_130 : i32
        %mul3A_132 = arith.constant 128 : i32
        %mul3A_133 = arith.muli %add3A_131, %mul3A_132 : i32
        %dma_wait3A_134 = arith.constant 0 : i32
        %dma_wait3A_135 = tpu.memref_slice %arg5[%mul3A_133, %dma_wait3A_134] : memref<327680x128xf32, #tpu.memory_space<hbm>> -> memref<128x128xf32, #tpu.memory_space<hbm>>
        %dma_wait3A_136 = arith.constant 0 : i32
        %dma_wait3A_137 = tpu.memref_slice %arg5[%mul3A_133, %dma_wait3A_136] : memref<327680x128xf32, #tpu.memory_space<hbm>> -> memref<128x128xf32, #tpu.memory_space<hbm>>
        tpu.wait_dma2 semaphore(%arg13 : memref<!tpu.dma_semaphore, #tpu.memory_space<semaphore_mem>>) src(%arg10 : memref<128x128xf32, #tpu.memory_space<vmem>>) dst(%dma_wait3A_137 : memref<128x128xf32, #tpu.memory_space<hbm>>)
      } else {
      }
      %scan3A_111 = arith.constant 0 : i32
      %scan3A_112 = arith.constant 128 : i32
      %scan3A_113 = arith.addi %scan3A_111, %scan3A_112 : i32
      %scan3A_114 = arith.constant 1 : i32
      scf.for %scan3A_129 = %scan3A_111 to %scan3A_113 step %scan3A_114  : i32 {
        %mul3A_130 = arith.constant 1 : i32
        %mul3A_131 = arith.muli %scan3A_129, %mul3A_130 : i32
        %add3A_132 = arith.constant 0 : i32
        %add3A_133 = arith.addi %add3A_132, %mul3A_131 : i32
        %get3A = arith.constant 1 : i32
        %get3A_134 = arith.constant 0 : i32
        %get3A_135 = arith.constant 0 : i32
        %get3A_136 = tpu.memref_slice %arg8[%get3A, %get3A_134, %get3A_135] : memref<2x128x128xf32, #tpu.memory_space<vmem>> -> memref<1x128x128xf32, #tpu.memory_space<vmem>>
        %get3A_137 = tpu.memref_squeeze %get3A_136 : memref<1x128x128xf32, #tpu.memory_space<vmem>> -> memref<128x128xf32, #tpu.memory_space<vmem>>
        %get3A_138 = arith.index_cast %add3A_133 : i32 to index
        %get3A_139 = arith.constant 0 : index
        %get3A_140 = tpu.vector_load %get3A_137[%get3A_138, %get3A_139] {strides = array<i32>} : memref<128x128xf32, #tpu.memory_space<vmem>>, vector<1x16xf32>,
        %get3A_141 = vector.shape_cast %get3A_140 : vector<1x16xf32> to vector<16xf32>
        %get3A_142 = arith.constant 1 : i32
        %get3A_143 = arith.constant 0 : i32
        %get3A_144 = arith.constant 0 : i32
        %get3A_145 = tpu.memref_slice %arg9[%get3A_142, %get3A_143, %get3A_144] : memref<2x128x128xf32, #tpu.memory_space<vmem>> -> memref<1x128x128xf32, #tpu.memory_space<vmem>>
        %get3A_146 = tpu.memref_squeeze %get3A_145 : memref<1x128x128xf32, #tpu.memory_space<vmem>> -> memref<128x128xf32, #tpu.memory_space<vmem>>
        %get3A_147 = arith.index_cast %add3A_133 : i32 to index
        %get3A_148 = arith.constant 0 : index
        %get3A_149 = tpu.vector_load %get3A_146[%get3A_147, %get3A_148] {strides = array<i32>} : memref<128x128xf32, #tpu.memory_space<vmem>>, vector<1x16xf32>,
        %get3A_150 = vector.shape_cast %get3A_149 : vector<1x16xf32> to vector<16xf32>
        %add3A_151 = arith.addf %get3A_141, %get3A_150 : vector<16xf32>
        %swap3A = arith.index_cast %add3A_133 : i32 to index
        %swap3A_152 = arith.constant 0 : index
        %swap3A_153 = tpu.vector_load %arg10[%swap3A, %swap3A_152] {strides = array<i32>} : memref<128x128xf32, #tpu.memory_space<vmem>>, vector<1x16xf32>,
        %swap3A_154 = vector.shape_cast %swap3A_153 : vector<1x16xf32> to vector<16xf32>
        %swap3A_155 = vector.shape_cast %add3A_151 : vector<16xf32> to vector<1x16xf32>
        tpu.vector_store %arg10[%swap3A, %swap3A_152], %swap3A_155 {strides = array<i32>} : memref<128x128xf32, #tpu.memory_space<vmem>>, vector<1x16xf32>,
        %get3A_156 = arith.constant 1 : i32
        %get3A_157 = arith.constant 0 : i32
        %get3A_158 = arith.constant 0 : i32
        %get3A_159 = tpu.memref_slice %arg8[%get3A_156, %get3A_157, %get3A_158] : memref<2x128x128xf32, #tpu.memory_space<vmem>> -> memref<1x128x128xf32, #tpu.memory_space<vmem>>
        %get3A_160 = tpu.memref_squeeze %get3A_159 : memref<1x128x128xf32, #tpu.memory_space<vmem>> -> memref<128x128xf32, #tpu.memory_space<vmem>>
        %get3A_161 = arith.index_cast %add3A_133 : i32 to index
        %get3A_162 = arith.constant 16 : index
        %get3A_163 = tpu.vector_load %get3A_160[%get3A_161, %get3A_162] {strides = array<i32>} : memref<128x128xf32, #tpu.memory_space<vmem>>, vector<1x16xf32>,
        %get3A_164 = vector.shape_cast %get3A_163 : vector<1x16xf32> to vector<16xf32>
        %get3A_165 = arith.constant 1 : i32
        %get3A_166 = arith.constant 0 : i32
        %get3A_167 = arith.constant 0 : i32
        %get3A_168 = tpu.memref_slice %arg9[%get3A_165, %get3A_166, %get3A_167] : memref<2x128x128xf32, #tpu.memory_space<vmem>> -> memref<1x128x128xf32, #tpu.memory_space<vmem>>
        %get3A_169 = tpu.memref_squeeze %get3A_168 : memref<1x128x128xf32, #tpu.memory_space<vmem>> -> memref<128x128xf32, #tpu.memory_space<vmem>>
        %get3A_170 = arith.index_cast %add3A_133 : i32 to index
        %get3A_171 = arith.constant 16 : index
        %get3A_172 = tpu.vector_load %get3A_169[%get3A_170, %get3A_171] {strides = array<i32>} : memref<128x128xf32, #tpu.memory_space<vmem>>, vector<1x16xf32>,
        %get3A_173 = vector.shape_cast %get3A_172 : vector<1x16xf32> to vector<16xf32>
        %add3A_174 = arith.addf %get3A_164, %get3A_173 : vector<16xf32>
        %swap3A_175 = arith.index_cast %add3A_133 : i32 to index
        %swap3A_176 = arith.constant 16 : index
        %swap3A_177 = tpu.vector_load %arg10[%swap3A_175, %swap3A_176] {strides = array<i32>} : memref<128x128xf32, #tpu.memory_space<vmem>>, vector<1x16xf32>,
        %swap3A_178 = vector.shape_cast %swap3A_177 : vector<1x16xf32> to vector<16xf32>
        %swap3A_179 = vector.shape_cast %add3A_174 : vector<16xf32> to vector<1x16xf32>
        tpu.vector_store %arg10[%swap3A_175, %swap3A_176], %swap3A_179 {strides = array<i32>} : memref<128x128xf32, #tpu.memory_space<vmem>>, vector<1x16xf32>,
        %get3A_180 = arith.constant 1 : i32
        %get3A_181 = arith.constant 0 : i32
        %get3A_182 = arith.constant 0 : i32
        %get3A_183 = tpu.memref_slice %arg8[%get3A_180, %get3A_181, %get3A_182] : memref<2x128x128xf32, #tpu.memory_space<vmem>> -> memref<1x128x128xf32, #tpu.memory_space<vmem>>
        %get3A_184 = tpu.memref_squeeze %get3A_183 : memref<1x128x128xf32, #tpu.memory_space<vmem>> -> memref<128x128xf32, #tpu.memory_space<vmem>>
        %get3A_185 = arith.index_cast %add3A_133 : i32 to index
        %get3A_186 = arith.constant 32 : index
        %get3A_187 = tpu.vector_load %get3A_184[%get3A_185, %get3A_186] {strides = array<i32>} : memref<128x128xf32, #tpu.memory_space<vmem>>, vector<1x16xf32>,
        %get3A_188 = vector.shape_cast %get3A_187 : vector<1x16xf32> to vector<16xf32>
        %get3A_189 = arith.constant 1 : i32
        %get3A_190 = arith.constant 0 : i32
        %get3A_191 = arith.constant 0 : i32
        %get3A_192 = tpu.memref_slice %arg9[%get3A_189, %get3A_190, %get3A_191] : memref<2x128x128xf32, #tpu.memory_space<vmem>> -> memref<1x128x128xf32, #tpu.memory_space<vmem>>
        %get3A_193 = tpu.memref_squeeze %get3A_192 : memref<1x128x128xf32, #tpu.memory_space<vmem>> -> memref<128x128xf32, #tpu.memory_space<vmem>>
        %get3A_194 = arith.index_cast %add3A_133 : i32 to index
        %get3A_195 = arith.constant 32 : index
        %get3A_196 = tpu.vector_load %get3A_193[%get3A_194, %get3A_195] {strides = array<i32>} : memref<128x128xf32, #tpu.memory_space<vmem>>, vector<1x16xf32>,
        %get3A_197 = vector.shape_cast %get3A_196 : vector<1x16xf32> to vector<16xf32>
        %add3A_198 = arith.addf %get3A_188, %get3A_197 : vector<16xf32>
        %swap3A_199 = arith.index_cast %add3A_133 : i32 to index
        %swap3A_200 = arith.constant 32 : index
        %swap3A_201 = tpu.vector_load %arg10[%swap3A_199, %swap3A_200] {strides = array<i32>} : memref<128x128xf32, #tpu.memory_space<vmem>>, vector<1x16xf32>,
        %swap3A_202 = vector.shape_cast %swap3A_201 : vector<1x16xf32> to vector<16xf32>
        %swap3A_203 = vector.shape_cast %add3A_198 : vector<16xf32> to vector<1x16xf32>
        tpu.vector_store %arg10[%swap3A_199, %swap3A_200], %swap3A_203 {strides = array<i32>} : memref<128x128xf32, #tpu.memory_space<vmem>>, vector<1x16xf32>,
        %get3A_204 = arith.constant 1 : i32
        %get3A_205 = arith.constant 0 : i32
        %get3A_206 = arith.constant 0 : i32
        %get3A_207 = tpu.memref_slice %arg8[%get3A_204, %get3A_205, %get3A_206] : memref<2x128x128xf32, #tpu.memory_space<vmem>> -> memref<1x128x128xf32, #tpu.memory_space<vmem>>
        %get3A_208 = tpu.memref_squeeze %get3A_207 : memref<1x128x128xf32, #tpu.memory_space<vmem>> -> memref<128x128xf32, #tpu.memory_space<vmem>>
        %get3A_209 = arith.index_cast %add3A_133 : i32 to index
        %get3A_210 = arith.constant 48 : index
        %get3A_211 = tpu.vector_load %get3A_208[%get3A_209, %get3A_210] {strides = array<i32>} : memref<128x128xf32, #tpu.memory_space<vmem>>, vector<1x16xf32>,
        %get3A_212 = vector.shape_cast %get3A_211 : vector<1x16xf32> to vector<16xf32>
        %get3A_213 = arith.constant 1 : i32
        %get3A_214 = arith.constant 0 : i32
        %get3A_215 = arith.constant 0 : i32
        %get3A_216 = tpu.memref_slice %arg9[%get3A_213, %get3A_214, %get3A_215] : memref<2x128x128xf32, #tpu.memory_space<vmem>> -> memref<1x128x128xf32, #tpu.memory_space<vmem>>
        %get3A_217 = tpu.memref_squeeze %get3A_216 : memref<1x128x128xf32, #tpu.memory_space<vmem>> -> memref<128x128xf32, #tpu.memory_space<vmem>>
        %get3A_218 = arith.index_cast %add3A_133 : i32 to index
        %get3A_219 = arith.constant 48 : index
        %get3A_220 = tpu.vector_load %get3A_217[%get3A_218, %get3A_219] {strides = array<i32>} : memref<128x128xf32, #tpu.memory_space<vmem>>, vector<1x16xf32>,
        %get3A_221 = vector.shape_cast %get3A_220 : vector<1x16xf32> to vector<16xf32>
        %add3A_222 = arith.addf %get3A_212, %get3A_221 : vector<16xf32>
        %swap3A_223 = arith.index_cast %add3A_133 : i32 to index
        %swap3A_224 = arith.constant 48 : index
        %swap3A_225 = tpu.vector_load %arg10[%swap3A_223, %swap3A_224] {strides = array<i32>} : memref<128x128xf32, #tpu.memory_space<vmem>>, vector<1x16xf32>,
        %swap3A_226 = vector.shape_cast %swap3A_225 : vector<1x16xf32> to vector<16xf32>
        %swap3A_227 = vector.shape_cast %add3A_222 : vector<16xf32> to vector<1x16xf32>
        tpu.vector_store %arg10[%swap3A_223, %swap3A_224], %swap3A_227 {strides = array<i32>} : memref<128x128xf32, #tpu.memory_space<vmem>>, vector<1x16xf32>,
        %get3A_228 = arith.constant 1 : i32
        %get3A_229 = arith.constant 0 : i32
        %get3A_230 = arith.constant 0 : i32
        %get3A_231 = tpu.memref_slice %arg8[%get3A_228, %get3A_229, %get3A_230] : memref<2x128x128xf32, #tpu.memory_space<vmem>> -> memref<1x128x128xf32, #tpu.memory_space<vmem>>
        %get3A_232 = tpu.memref_squeeze %get3A_231 : memref<1x128x128xf32, #tpu.memory_space<vmem>> -> memref<128x128xf32, #tpu.memory_space<vmem>>
        %get3A_233 = arith.index_cast %add3A_133 : i32 to index
        %get3A_234 = arith.constant 64 : index
        %get3A_235 = tpu.vector_load %get3A_232[%get3A_233, %get3A_234] {strides = array<i32>} : memref<128x128xf32, #tpu.memory_space<vmem>>, vector<1x16xf32>,
        %get3A_236 = vector.shape_cast %get3A_235 : vector<1x16xf32> to vector<16xf32>
        %get3A_237 = arith.constant 1 : i32
        %get3A_238 = arith.constant 0 : i32
        %get3A_239 = arith.constant 0 : i32
        %get3A_240 = tpu.memref_slice %arg9[%get3A_237, %get3A_238, %get3A_239] : memref<2x128x128xf32, #tpu.memory_space<vmem>> -> memref<1x128x128xf32, #tpu.memory_space<vmem>>
        %get3A_241 = tpu.memref_squeeze %get3A_240 : memref<1x128x128xf32, #tpu.memory_space<vmem>> -> memref<128x128xf32, #tpu.memory_space<vmem>>
        %get3A_242 = arith.index_cast %add3A_133 : i32 to index
        %get3A_243 = arith.constant 64 : index
        %get3A_244 = tpu.vector_load %get3A_241[%get3A_242, %get3A_243] {strides = array<i32>} : memref<128x128xf32, #tpu.memory_space<vmem>>, vector<1x16xf32>,
        %get3A_245 = vector.shape_cast %get3A_244 : vector<1x16xf32> to vector<16xf32>
        %add3A_246 = arith.addf %get3A_236, %get3A_245 : vector<16xf32>
        %swap3A_247 = arith.index_cast %add3A_133 : i32 to index
        %swap3A_248 = arith.constant 64 : index
        %swap3A_249 = tpu.vector_load %arg10[%swap3A_247, %swap3A_248] {strides = array<i32>} : memref<128x128xf32, #tpu.memory_space<vmem>>, vector<1x16xf32>,
        %swap3A_250 = vector.shape_cast %swap3A_249 : vector<1x16xf32> to vector<16xf32>
        %swap3A_251 = vector.shape_cast %add3A_246 : vector<16xf32> to vector<1x16xf32>
        tpu.vector_store %arg10[%swap3A_247, %swap3A_248], %swap3A_251 {strides = array<i32>} : memref<128x128xf32, #tpu.memory_space<vmem>>, vector<1x16xf32>,
        %get3A_252 = arith.constant 1 : i32
        %get3A_253 = arith.constant 0 : i32
        %get3A_254 = arith.constant 0 : i32
        %get3A_255 = tpu.memref_slice %arg8[%get3A_252, %get3A_253, %get3A_254] : memref<2x128x128xf32, #tpu.memory_space<vmem>> -> memref<1x128x128xf32, #tpu.memory_space<vmem>>
        %get3A_256 = tpu.memref_squeeze %get3A_255 : memref<1x128x128xf32, #tpu.memory_space<vmem>> -> memref<128x128xf32, #tpu.memory_space<vmem>>
        %get3A_257 = arith.index_cast %add3A_133 : i32 to index
        %get3A_258 = arith.constant 80 : index
        %get3A_259 = tpu.vector_load %get3A_256[%get3A_257, %get3A_258] {strides = array<i32>} : memref<128x128xf32, #tpu.memory_space<vmem>>, vector<1x16xf32>,
        %get3A_260 = vector.shape_cast %get3A_259 : vector<1x16xf32> to vector<16xf32>
        %get3A_261 = arith.constant 1 : i32
        %get3A_262 = arith.constant 0 : i32
        %get3A_263 = arith.constant 0 : i32
        %get3A_264 = tpu.memref_slice %arg9[%get3A_261, %get3A_262, %get3A_263] : memref<2x128x128xf32, #tpu.memory_space<vmem>> -> memref<1x128x128xf32, #tpu.memory_space<vmem>>
        %get3A_265 = tpu.memref_squeeze %get3A_264 : memref<1x128x128xf32, #tpu.memory_space<vmem>> -> memref<128x128xf32, #tpu.memory_space<vmem>>
        %get3A_266 = arith.index_cast %add3A_133 : i32 to index
        %get3A_267 = arith.constant 80 : index
        %get3A_268 = tpu.vector_load %get3A_265[%get3A_266, %get3A_267] {strides = array<i32>} : memref<128x128xf32, #tpu.memory_space<vmem>>, vector<1x16xf32>,
        %get3A_269 = vector.shape_cast %get3A_268 : vector<1x16xf32> to vector<16xf32>
        %add3A_270 = arith.addf %get3A_260, %get3A_269 : vector<16xf32>
        %swap3A_271 = arith.index_cast %add3A_133 : i32 to index
        %swap3A_272 = arith.constant 80 : index
        %swap3A_273 = tpu.vector_load %arg10[%swap3A_271, %swap3A_272] {strides = array<i32>} : memref<128x128xf32, #tpu.memory_space<vmem>>, vector<1x16xf32>,
        %swap3A_274 = vector.shape_cast %swap3A_273 : vector<1x16xf32> to vector<16xf32>
        %swap3A_275 = vector.shape_cast %add3A_270 : vector<16xf32> to vector<1x16xf32>
        tpu.vector_store %arg10[%swap3A_271, %swap3A_272], %swap3A_275 {strides = array<i32>} : memref<128x128xf32, #tpu.memory_space<vmem>>, vector<1x16xf32>,
        %get3A_276 = arith.constant 1 : i32
        %get3A_277 = arith.constant 0 : i32
        %get3A_278 = arith.constant 0 : i32
        %get3A_279 = tpu.memref_slice %arg8[%get3A_276, %get3A_277, %get3A_278] : memref<2x128x128xf32, #tpu.memory_space<vmem>> -> memref<1x128x128xf32, #tpu.memory_space<vmem>>
        %get3A_280 = tpu.memref_squeeze %get3A_279 : memref<1x128x128xf32, #tpu.memory_space<vmem>> -> memref<128x128xf32, #tpu.memory_space<vmem>>
        %get3A_281 = arith.index_cast %add3A_133 : i32 to index
        %get3A_282 = arith.constant 96 : index
        %get3A_283 = tpu.vector_load %get3A_280[%get3A_281, %get3A_282] {strides = array<i32>} : memref<128x128xf32, #tpu.memory_space<vmem>>, vector<1x16xf32>,
        %get3A_284 = vector.shape_cast %get3A_283 : vector<1x16xf32> to vector<16xf32>
        %get3A_285 = arith.constant 1 : i32
        %get3A_286 = arith.constant 0 : i32
        %get3A_287 = arith.constant 0 : i32
        %get3A_288 = tpu.memref_slice %arg9[%get3A_285, %get3A_286, %get3A_287] : memref<2x128x128xf32, #tpu.memory_space<vmem>> -> memref<1x128x128xf32, #tpu.memory_space<vmem>>
        %get3A_289 = tpu.memref_squeeze %get3A_288 : memref<1x128x128xf32, #tpu.memory_space<vmem>> -> memref<128x128xf32, #tpu.memory_space<vmem>>
        %get3A_290 = arith.index_cast %add3A_133 : i32 to index
        %get3A_291 = arith.constant 96 : index
        %get3A_292 = tpu.vector_load %get3A_289[%get3A_290, %get3A_291] {strides = array<i32>} : memref<128x128xf32, #tpu.memory_space<vmem>>, vector<1x16xf32>,
        %get3A_293 = vector.shape_cast %get3A_292 : vector<1x16xf32> to vector<16xf32>
        %add3A_294 = arith.addf %get3A_284, %get3A_293 : vector<16xf32>
        %swap3A_295 = arith.index_cast %add3A_133 : i32 to index
        %swap3A_296 = arith.constant 96 : index
        %swap3A_297 = tpu.vector_load %arg10[%swap3A_295, %swap3A_296] {strides = array<i32>} : memref<128x128xf32, #tpu.memory_space<vmem>>, vector<1x16xf32>,
        %swap3A_298 = vector.shape_cast %swap3A_297 : vector<1x16xf32> to vector<16xf32>
        %swap3A_299 = vector.shape_cast %add3A_294 : vector<16xf32> to vector<1x16xf32>
        tpu.vector_store %arg10[%swap3A_295, %swap3A_296], %swap3A_299 {strides = array<i32>} : memref<128x128xf32, #tpu.memory_space<vmem>>, vector<1x16xf32>,
        %get3A_300 = arith.constant 1 : i32
        %get3A_301 = arith.constant 0 : i32
        %get3A_302 = arith.constant 0 : i32
        %get3A_303 = tpu.memref_slice %arg8[%get3A_300, %get3A_301, %get3A_302] : memref<2x128x128xf32, #tpu.memory_space<vmem>> -> memref<1x128x128xf32, #tpu.memory_space<vmem>>
        %get3A_304 = tpu.memref_squeeze %get3A_303 : memref<1x128x128xf32, #tpu.memory_space<vmem>> -> memref<128x128xf32, #tpu.memory_space<vmem>>
        %get3A_305 = arith.index_cast %add3A_133 : i32 to index
        %get3A_306 = arith.constant 112 : index
        %get3A_307 = tpu.vector_load %get3A_304[%get3A_305, %get3A_306] {strides = array<i32>} : memref<128x128xf32, #tpu.memory_space<vmem>>, vector<1x16xf32>,
        %get3A_308 = vector.shape_cast %get3A_307 : vector<1x16xf32> to vector<16xf32>
        %get3A_309 = arith.constant 1 : i32
        %get3A_310 = arith.constant 0 : i32
        %get3A_311 = arith.constant 0 : i32
        %get3A_312 = tpu.memref_slice %arg9[%get3A_309, %get3A_310, %get3A_311] : memref<2x128x128xf32, #tpu.memory_space<vmem>> -> memref<1x128x128xf32, #tpu.memory_space<vmem>>
        %get3A_313 = tpu.memref_squeeze %get3A_312 : memref<1x128x128xf32, #tpu.memory_space<vmem>> -> memref<128x128xf32, #tpu.memory_space<vmem>>
        %get3A_314 = arith.index_cast %add3A_133 : i32 to index
        %get3A_315 = arith.constant 112 : index
        %get3A_316 = tpu.vector_load %get3A_313[%get3A_314, %get3A_315] {strides = array<i32>} : memref<128x128xf32, #tpu.memory_space<vmem>>, vector<1x16xf32>,
        %get3A_317 = vector.shape_cast %get3A_316 : vector<1x16xf32> to vector<16xf32>
        %add3A_318 = arith.addf %get3A_308, %get3A_317 : vector<16xf32>
        %swap3A_319 = arith.index_cast %add3A_133 : i32 to index
        %swap3A_320 = arith.constant 112 : index
        %swap3A_321 = tpu.vector_load %arg10[%swap3A_319, %swap3A_320] {strides = array<i32>} : memref<128x128xf32, #tpu.memory_space<vmem>>, vector<1x16xf32>,
        %swap3A_322 = vector.shape_cast %swap3A_321 : vector<1x16xf32> to vector<16xf32>
        %swap3A_323 = vector.shape_cast %add3A_318 : vector<16xf32> to vector<1x16xf32>
        tpu.vector_store %arg10[%swap3A_319, %swap3A_320], %swap3A_323 {strides = array<i32>} : memref<128x128xf32, #tpu.memory_space<vmem>>, vector<1x16xf32>,
      }
      %scan3A_115 = arith.constant 128 : i32
      %add3A_116 = arith.constant 2 : i32
      %add3A_117 = arith.addi %add3A_83, %add3A_116 : i32
      %lt3A_118 = arith.cmpi slt, %add3A_117, %select_n3A : i32
      %convert_element_type3A_119 = arith.extui %lt3A_118 : i1 to i32
      %cond3A_120 = arith.constant 0 : i32
      %cond3A_121 = arith.cmpi ne, %convert_element_type3A_119, %cond3A_120 : i32
      scf.if %cond3A_121 {
        %add3A_129 = arith.constant 2 : i32
        %add3A_130 = arith.addi %add3A_83, %add3A_129 : i32
        %dma_start3A_131 = arith.constant 1 : i32
        %dma_start3A_132 = arith.constant 0 : i32
        %dma_start3A_133 = arith.constant 0 : i32
        %dma_start3A_134 = tpu.memref_slice %arg8[%dma_start3A_131, %dma_start3A_132, %dma_start3A_133] : memref<2x128x128xf32, #tpu.memory_space<vmem>> -> memref<1x128x128xf32, #tpu.memory_space<vmem>>
        %dma_start3A_135 = tpu.memref_squeeze %dma_start3A_134 : memref<1x128x128xf32, #tpu.memory_space<vmem>> -> memref<128x128xf32, #tpu.memory_space<vmem>>
        %dma_start3A_136 = arith.constant 0 : i32
        %dma_start3A_137 = tpu.memref_slice %arg6[%add3A_130, %dma_start3A_136] : memref<152x128xi32, #tpu.memory_space<vmem>> -> memref<1x128xi32, #tpu.memory_space<vmem>>
        %dma_start3A_138 = tpu.memref_squeeze %dma_start3A_137 : memref<1x128xi32, #tpu.memory_space<vmem>> -> memref<128xi32, #tpu.memory_space<vmem>>
        %dma_start3A_139 = arith.constant 0 : i32
        %dma_start3A_140 = arith.constant 0 : i32
        %dma_start3A_141 = tpu.memref_slice %arg2[%dma_start3A_139, %dma_start3A_140] : memref<10000x128xf32, #tpu.memory_space<hbm>> -> memref<10000x128xf32, #tpu.memory_space<hbm>>
        tpu.enqueue_indirect_dma source(%dma_start3A_141 : memref<10000x128xf32, #tpu.memory_space<hbm>>) target(%dma_start3A_135 : memref<128x128xf32, #tpu.memory_space<vmem>>) offsets(%dma_start3A_138 : memref<128xi32, #tpu.memory_space<vmem>>) semaphore(%arg12 : memref<!tpu.dma_semaphore, #tpu.memory_space<semaphore_mem>>)
        %dma_start3A_142 = arith.constant 1 : i32
        %dma_start3A_143 = arith.constant 0 : i32
        %dma_start3A_144 = arith.constant 0 : i32
        %dma_start3A_145 = tpu.memref_slice %arg9[%dma_start3A_142, %dma_start3A_143, %dma_start3A_144] : memref<2x128x128xf32, #tpu.memory_space<vmem>> -> memref<1x128x128xf32, #tpu.memory_space<vmem>>
        %dma_start3A_146 = tpu.memref_squeeze %dma_start3A_145 : memref<1x128x128xf32, #tpu.memory_space<vmem>> -> memref<128x128xf32, #tpu.memory_space<vmem>>
        %dma_start3A_147 = arith.constant 0 : i32
        %dma_start3A_148 = tpu.memref_slice %arg7[%add3A_130, %dma_start3A_147] : memref<152x128xi32, #tpu.memory_space<vmem>> -> memref<1x128xi32, #tpu.memory_space<vmem>>
        %dma_start3A_149 = tpu.memref_squeeze %dma_start3A_148 : memref<1x128xi32, #tpu.memory_space<vmem>> -> memref<128xi32, #tpu.memory_space<vmem>>
        %dma_start3A_150 = arith.constant 0 : i32
        %dma_start3A_151 = arith.constant 0 : i32
        %dma_start3A_152 = tpu.memref_slice %arg2[%dma_start3A_150, %dma_start3A_151] : memref<10000x128xf32, #tpu.memory_space<hbm>> -> memref<10000x128xf32, #tpu.memory_space<hbm>>
        tpu.enqueue_indirect_dma source(%dma_start3A_152 : memref<10000x128xf32, #tpu.memory_space<hbm>>) target(%dma_start3A_146 : memref<128x128xf32, #tpu.memory_space<vmem>>) offsets(%dma_start3A_149 : memref<128xi32, #tpu.memory_space<vmem>>) semaphore(%arg12 : memref<!tpu.dma_semaphore, #tpu.memory_space<semaphore_mem>>)
      } else {
      }
      %add3A_122 = arith.addi %select_n3A_8, %add3A_83 : i32
      %mul3A_123 = arith.constant 128 : i32
      %mul3A_124 = arith.muli %add3A_122, %mul3A_123 : i32
      %dma_start3A_125 = arith.constant 0 : i32
      %dma_start3A_126 = tpu.memref_slice %arg5[%mul3A_124, %dma_start3A_125] : memref<327680x128xf32, #tpu.memory_space<hbm>> -> memref<128x128xf32, #tpu.memory_space<hbm>>
      %dma_start3A_127 = arith.constant 0 : i32
      %dma_start3A_128 = tpu.memref_slice %arg5[%mul3A_124, %dma_start3A_127] : memref<327680x128xf32, #tpu.memory_space<hbm>> -> memref<128x128xf32, #tpu.memory_space<hbm>>
      tpu.enqueue_dma source(%arg10 : memref<128x128xf32, #tpu.memory_space<vmem>>) target(%dma_start3A_128 : memref<128x128xf32, #tpu.memory_space<hbm>>) target_semaphore(%arg13 : memref<!tpu.dma_semaphore, #tpu.memory_space<semaphore_mem>>)
    }
    %while3A_31 = arith.constant 1 : i32
    scf.for %while3A_37 = %while3A_29 to %while3A_25 step %while3A_31  : i32 {
      %mul3A_38 = arith.muli %while3A_37, %while3A : i32
      %add3A_39 = arith.addi %while3A_22, %mul3A_38 : i32
      %add3A_40 = arith.constant 0 : i32
      %add3A_41 = arith.addi %add3A_39, %add3A_40 : i32
      %dma_wait3A = arith.constant 0 : i32
      %dma_wait3A_42 = arith.constant 0 : i32
      %dma_wait3A_43 = arith.constant 0 : i32
      %dma_wait3A_44 = tpu.memref_slice %arg8[%dma_wait3A, %dma_wait3A_42, %dma_wait3A_43] : memref<2x128x128xf32, #tpu.memory_space<vmem>> -> memref<1x128x128xf32, #tpu.memory_space<vmem>>
      %dma_wait3A_45 = tpu.memref_squeeze %dma_wait3A_44 : memref<1x128x128xf32, #tpu.memory_space<vmem>> -> memref<128x128xf32, #tpu.memory_space<vmem>>
      %dma_wait3A_46 = arith.constant 0 : i32
      %dma_wait3A_47 = tpu.memref_slice %arg6[%add3A_41, %dma_wait3A_46] : memref<152x128xi32, #tpu.memory_space<vmem>> -> memref<1x128xi32, #tpu.memory_space<vmem>>
      %dma_wait3A_48 = tpu.memref_squeeze %dma_wait3A_47 : memref<1x128xi32, #tpu.memory_space<vmem>> -> memref<128xi32, #tpu.memory_space<vmem>>
      %dma_wait3A_49 = arith.constant 0 : i32
      %dma_wait3A_50 = arith.constant 0 : i32
      %dma_wait3A_51 = tpu.memref_slice %arg2[%dma_wait3A_49, %dma_wait3A_50] : memref<10000x128xf32, #tpu.memory_space<hbm>> -> memref<10000x128xf32, #tpu.memory_space<hbm>>
      tpu.wait_indirect_dma semaphore(%arg11 : memref<!tpu.dma_semaphore, #tpu.memory_space<semaphore_mem>>) src(%dma_wait3A_51 : memref<10000x128xf32, #tpu.memory_space<hbm>>) dst(%dma_wait3A_45 : memref<128x128xf32, #tpu.memory_space<vmem>>)
      %dma_wait3A_52 = arith.constant 0 : i32
      %dma_wait3A_53 = arith.constant 0 : i32
      %dma_wait3A_54 = arith.constant 0 : i32
      %dma_wait3A_55 = tpu.memref_slice %arg9[%dma_wait3A_52, %dma_wait3A_53, %dma_wait3A_54] : memref<2x128x128xf32, #tpu.memory_space<vmem>> -> memref<1x128x128xf32, #tpu.memory_space<vmem>>
      %dma_wait3A_56 = tpu.memref_squeeze %dma_wait3A_55 : memref<1x128x128xf32, #tpu.memory_space<vmem>> -> memref<128x128xf32, #tpu.memory_space<vmem>>
      %dma_wait3A_57 = arith.constant 0 : i32
      %dma_wait3A_58 = tpu.memref_slice %arg7[%add3A_41, %dma_wait3A_57] : memref<152x128xi32, #tpu.memory_space<vmem>> -> memref<1x128xi32, #tpu.memory_space<vmem>>
      %dma_wait3A_59 = tpu.memref_squeeze %dma_wait3A_58 : memref<1x128xi32, #tpu.memory_space<vmem>> -> memref<128xi32, #tpu.memory_space<vmem>>
      %dma_wait3A_60 = arith.constant 0 : i32
      %dma_wait3A_61 = arith.constant 0 : i32
      %dma_wait3A_62 = tpu.memref_slice %arg2[%dma_wait3A_60, %dma_wait3A_61] : memref<10000x128xf32, #tpu.memory_space<hbm>> -> memref<10000x128xf32, #tpu.memory_space<hbm>>
      tpu.wait_indirect_dma semaphore(%arg11 : memref<!tpu.dma_semaphore, #tpu.memory_space<semaphore_mem>>) src(%dma_wait3A_62 : memref<10000x128xf32, #tpu.memory_space<hbm>>) dst(%dma_wait3A_56 : memref<128x128xf32, #tpu.memory_space<vmem>>)
      %ge3A = arith.constant 1 : i32
      %ge3A_63 = arith.cmpi sge, %add3A_41, %ge3A : i32
      %convert_element_type3A_64 = arith.extui %ge3A_63 : i1 to i32
      %cond3A_65 = arith.constant 0 : i32
      %cond3A_66 = arith.cmpi ne, %convert_element_type3A_64, %cond3A_65 : i32
      scf.if %cond3A_66 {
        %sub3A_129 = arith.constant 1 : i32
        %sub3A_130 = arith.subi %add3A_41, %sub3A_129 : i32
        %add3A_131 = arith.addi %select_n3A_8, %sub3A_130 : i32
        %mul3A_132 = arith.constant 128 : i32
        %mul3A_133 = arith.muli %add3A_131, %mul3A_132 : i32
        %dma_wait3A_134 = arith.constant 0 : i32
        %dma_wait3A_135 = tpu.memref_slice %arg5[%mul3A_133, %dma_wait3A_134] : memref<327680x128xf32, #tpu.memory_space<hbm>> -> memref<128x128xf32, #tpu.memory_space<hbm>>
        %dma_wait3A_136 = arith.constant 0 : i32
        %dma_wait3A_137 = tpu.memref_slice %arg5[%mul3A_133, %dma_wait3A_136] : memref<327680x128xf32, #tpu.memory_space<hbm>> -> memref<128x128xf32, #tpu.memory_space<hbm>>
        tpu.wait_dma2 semaphore(%arg13 : memref<!tpu.dma_semaphore, #tpu.memory_space<semaphore_mem>>) src(%arg10 : memref<128x128xf32, #tpu.memory_space<vmem>>) dst(%dma_wait3A_137 : memref<128x128xf32, #tpu.memory_space<hbm>>)
      } else {
      }
      %scan3A = arith.constant 0 : i32
      %scan3A_67 = arith.constant 128 : i32
      %scan3A_68 = arith.addi %scan3A, %scan3A_67 : i32
      %scan3A_69 = arith.constant 1 : i32
      scf.for %scan3A_129 = %scan3A to %scan3A_68 step %scan3A_69  : i32 {
        %mul3A_130 = arith.constant 1 : i32
        %mul3A_131 = arith.muli %scan3A_129, %mul3A_130 : i32
        %add3A_132 = arith.constant 0 : i32
        %add3A_133 = arith.addi %add3A_132, %mul3A_131 : i32
        %get3A = arith.constant 0 : i32
        %get3A_134 = arith.constant 0 : i32
        %get3A_135 = arith.constant 0 : i32
        %get3A_136 = tpu.memref_slice %arg8[%get3A, %get3A_134, %get3A_135] : memref<2x128x128xf32, #tpu.memory_space<vmem>> -> memref<1x128x128xf32, #tpu.memory_space<vmem>>
        %get3A_137 = tpu.memref_squeeze %get3A_136 : memref<1x128x128xf32, #tpu.memory_space<vmem>> -> memref<128x128xf32, #tpu.memory_space<vmem>>
        %get3A_138 = arith.index_cast %add3A_133 : i32 to index
        %get3A_139 = arith.constant 0 : index
        %get3A_140 = tpu.vector_load %get3A_137[%get3A_138, %get3A_139] {strides = array<i32>} : memref<128x128xf32, #tpu.memory_space<vmem>>, vector<1x16xf32>,
        %get3A_141 = vector.shape_cast %get3A_140 : vector<1x16xf32> to vector<16xf32>
        %get3A_142 = arith.constant 0 : i32
        %get3A_143 = arith.constant 0 : i32
        %get3A_144 = arith.constant 0 : i32
        %get3A_145 = tpu.memref_slice %arg9[%get3A_142, %get3A_143, %get3A_144] : memref<2x128x128xf32, #tpu.memory_space<vmem>> -> memref<1x128x128xf32, #tpu.memory_space<vmem>>
        %get3A_146 = tpu.memref_squeeze %get3A_145 : memref<1x128x128xf32, #tpu.memory_space<vmem>> -> memref<128x128xf32, #tpu.memory_space<vmem>>
        %get3A_147 = arith.index_cast %add3A_133 : i32 to index
        %get3A_148 = arith.constant 0 : index
        %get3A_149 = tpu.vector_load %get3A_146[%get3A_147, %get3A_148] {strides = array<i32>} : memref<128x128xf32, #tpu.memory_space<vmem>>, vector<1x16xf32>,
        %get3A_150 = vector.shape_cast %get3A_149 : vector<1x16xf32> to vector<16xf32>
        %add3A_151 = arith.addf %get3A_141, %get3A_150 : vector<16xf32>
        %swap3A = arith.index_cast %add3A_133 : i32 to index
        %swap3A_152 = arith.constant 0 : index
        %swap3A_153 = tpu.vector_load %arg10[%swap3A, %swap3A_152] {strides = array<i32>} : memref<128x128xf32, #tpu.memory_space<vmem>>, vector<1x16xf32>,
        %swap3A_154 = vector.shape_cast %swap3A_153 : vector<1x16xf32> to vector<16xf32>
        %swap3A_155 = vector.shape_cast %add3A_151 : vector<16xf32> to vector<1x16xf32>
        tpu.vector_store %arg10[%swap3A, %swap3A_152], %swap3A_155 {strides = array<i32>} : memref<128x128xf32, #tpu.memory_space<vmem>>, vector<1x16xf32>,
        %get3A_156 = arith.constant 0 : i32
        %get3A_157 = arith.constant 0 : i32
        %get3A_158 = arith.constant 0 : i32
        %get3A_159 = tpu.memref_slice %arg8[%get3A_156, %get3A_157, %get3A_158] : memref<2x128x128xf32, #tpu.memory_space<vmem>> -> memref<1x128x128xf32, #tpu.memory_space<vmem>>
        %get3A_160 = tpu.memref_squeeze %get3A_159 : memref<1x128x128xf32, #tpu.memory_space<vmem>> -> memref<128x128xf32, #tpu.memory_space<vmem>>
        %get3A_161 = arith.index_cast %add3A_133 : i32 to index
        %get3A_162 = arith.constant 16 : index
        %get3A_163 = tpu.vector_load %get3A_160[%get3A_161, %get3A_162] {strides = array<i32>} : memref<128x128xf32, #tpu.memory_space<vmem>>, vector<1x16xf32>,
        %get3A_164 = vector.shape_cast %get3A_163 : vector<1x16xf32> to vector<16xf32>
        %get3A_165 = arith.constant 0 : i32
        %get3A_166 = arith.constant 0 : i32
        %get3A_167 = arith.constant 0 : i32
        %get3A_168 = tpu.memref_slice %arg9[%get3A_165, %get3A_166, %get3A_167] : memref<2x128x128xf32, #tpu.memory_space<vmem>> -> memref<1x128x128xf32, #tpu.memory_space<vmem>>
        %get3A_169 = tpu.memref_squeeze %get3A_168 : memref<1x128x128xf32, #tpu.memory_space<vmem>> -> memref<128x128xf32, #tpu.memory_space<vmem>>
        %get3A_170 = arith.index_cast %add3A_133 : i32 to index
        %get3A_171 = arith.constant 16 : index
        %get3A_172 = tpu.vector_load %get3A_169[%get3A_170, %get3A_171] {strides = array<i32>} : memref<128x128xf32, #tpu.memory_space<vmem>>, vector<1x16xf32>,
        %get3A_173 = vector.shape_cast %get3A_172 : vector<1x16xf32> to vector<16xf32>
        %add3A_174 = arith.addf %get3A_164, %get3A_173 : vector<16xf32>
        %swap3A_175 = arith.index_cast %add3A_133 : i32 to index
        %swap3A_176 = arith.constant 16 : index
        %swap3A_177 = tpu.vector_load %arg10[%swap3A_175, %swap3A_176] {strides = array<i32>} : memref<128x128xf32, #tpu.memory_space<vmem>>, vector<1x16xf32>,
        %swap3A_178 = vector.shape_cast %swap3A_177 : vector<1x16xf32> to vector<16xf32>
        %swap3A_179 = vector.shape_cast %add3A_174 : vector<16xf32> to vector<1x16xf32>
        tpu.vector_store %arg10[%swap3A_175, %swap3A_176], %swap3A_179 {strides = array<i32>} : memref<128x128xf32, #tpu.memory_space<vmem>>, vector<1x16xf32>,
        %get3A_180 = arith.constant 0 : i32
        %get3A_181 = arith.constant 0 : i32
        %get3A_182 = arith.constant 0 : i32
        %get3A_183 = tpu.memref_slice %arg8[%get3A_180, %get3A_181, %get3A_182] : memref<2x128x128xf32, #tpu.memory_space<vmem>> -> memref<1x128x128xf32, #tpu.memory_space<vmem>>
        %get3A_184 = tpu.memref_squeeze %get3A_183 : memref<1x128x128xf32, #tpu.memory_space<vmem>> -> memref<128x128xf32, #tpu.memory_space<vmem>>
        %get3A_185 = arith.index_cast %add3A_133 : i32 to index
        %get3A_186 = arith.constant 32 : index
        %get3A_187 = tpu.vector_load %get3A_184[%get3A_185, %get3A_186] {strides = array<i32>} : memref<128x128xf32, #tpu.memory_space<vmem>>, vector<1x16xf32>,
        %get3A_188 = vector.shape_cast %get3A_187 : vector<1x16xf32> to vector<16xf32>
        %get3A_189 = arith.constant 0 : i32
        %get3A_190 = arith.constant 0 : i32
        %get3A_191 = arith.constant 0 : i32
        %get3A_192 = tpu.memref_slice %arg9[%get3A_189, %get3A_190, %get3A_191] : memref<2x128x128xf32, #tpu.memory_space<vmem>> -> memref<1x128x128xf32, #tpu.memory_space<vmem>>
        %get3A_193 = tpu.memref_squeeze %get3A_192 : memref<1x128x128xf32, #tpu.memory_space<vmem>> -> memref<128x128xf32, #tpu.memory_space<vmem>>
        %get3A_194 = arith.index_cast %add3A_133 : i32 to index
        %get3A_195 = arith.constant 32 : index
        %get3A_196 = tpu.vector_load %get3A_193[%get3A_194, %get3A_195] {strides = array<i32>} : memref<128x128xf32, #tpu.memory_space<vmem>>, vector<1x16xf32>,
        %get3A_197 = vector.shape_cast %get3A_196 : vector<1x16xf32> to vector<16xf32>
        %add3A_198 = arith.addf %get3A_188, %get3A_197 : vector<16xf32>
        %swap3A_199 = arith.index_cast %add3A_133 : i32 to index
        %swap3A_200 = arith.constant 32 : index
        %swap3A_201 = tpu.vector_load %arg10[%swap3A_199, %swap3A_200] {strides = array<i32>} : memref<128x128xf32, #tpu.memory_space<vmem>>, vector<1x16xf32>,
        %swap3A_202 = vector.shape_cast %swap3A_201 : vector<1x16xf32> to vector<16xf32>
        %swap3A_203 = vector.shape_cast %add3A_198 : vector<16xf32> to vector<1x16xf32>
        tpu.vector_store %arg10[%swap3A_199, %swap3A_200], %swap3A_203 {strides = array<i32>} : memref<128x128xf32, #tpu.memory_space<vmem>>, vector<1x16xf32>,
        %get3A_204 = arith.constant 0 : i32
        %get3A_205 = arith.constant 0 : i32
        %get3A_206 = arith.constant 0 : i32
        %get3A_207 = tpu.memref_slice %arg8[%get3A_204, %get3A_205, %get3A_206] : memref<2x128x128xf32, #tpu.memory_space<vmem>> -> memref<1x128x128xf32, #tpu.memory_space<vmem>>
        %get3A_208 = tpu.memref_squeeze %get3A_207 : memref<1x128x128xf32, #tpu.memory_space<vmem>> -> memref<128x128xf32, #tpu.memory_space<vmem>>
        %get3A_209 = arith.index_cast %add3A_133 : i32 to index
        %get3A_210 = arith.constant 48 : index
        %get3A_211 = tpu.vector_load %get3A_208[%get3A_209, %get3A_210] {strides = array<i32>} : memref<128x128xf32, #tpu.memory_space<vmem>>, vector<1x16xf32>,
        %get3A_212 = vector.shape_cast %get3A_211 : vector<1x16xf32> to vector<16xf32>
        %get3A_213 = arith.constant 0 : i32
        %get3A_214 = arith.constant 0 : i32
        %get3A_215 = arith.constant 0 : i32
        %get3A_216 = tpu.memref_slice %arg9[%get3A_213, %get3A_214, %get3A_215] : memref<2x128x128xf32, #tpu.memory_space<vmem>> -> memref<1x128x128xf32, #tpu.memory_space<vmem>>
        %get3A_217 = tpu.memref_squeeze %get3A_216 : memref<1x128x128xf32, #tpu.memory_space<vmem>> -> memref<128x128xf32, #tpu.memory_space<vmem>>
        %get3A_218 = arith.index_cast %add3A_133 : i32 to index
        %get3A_219 = arith.constant 48 : index
        %get3A_220 = tpu.vector_load %get3A_217[%get3A_218, %get3A_219] {strides = array<i32>} : memref<128x128xf32, #tpu.memory_space<vmem>>, vector<1x16xf32>,
        %get3A_221 = vector.shape_cast %get3A_220 : vector<1x16xf32> to vector<16xf32>
        %add3A_222 = arith.addf %get3A_212, %get3A_221 : vector<16xf32>
        %swap3A_223 = arith.index_cast %add3A_133 : i32 to index
        %swap3A_224 = arith.constant 48 : index
        %swap3A_225 = tpu.vector_load %arg10[%swap3A_223, %swap3A_224] {strides = array<i32>} : memref<128x128xf32, #tpu.memory_space<vmem>>, vector<1x16xf32>,
        %swap3A_226 = vector.shape_cast %swap3A_225 : vector<1x16xf32> to vector<16xf32>
        %swap3A_227 = vector.shape_cast %add3A_222 : vector<16xf32> to vector<1x16xf32>
        tpu.vector_store %arg10[%swap3A_223, %swap3A_224], %swap3A_227 {strides = array<i32>} : memref<128x128xf32, #tpu.memory_space<vmem>>, vector<1x16xf32>,
        %get3A_228 = arith.constant 0 : i32
        %get3A_229 = arith.constant 0 : i32
        %get3A_230 = arith.constant 0 : i32
        %get3A_231 = tpu.memref_slice %arg8[%get3A_228, %get3A_229, %get3A_230] : memref<2x128x128xf32, #tpu.memory_space<vmem>> -> memref<1x128x128xf32, #tpu.memory_space<vmem>>
        %get3A_232 = tpu.memref_squeeze %get3A_231 : memref<1x128x128xf32, #tpu.memory_space<vmem>> -> memref<128x128xf32, #tpu.memory_space<vmem>>
        %get3A_233 = arith.index_cast %add3A_133 : i32 to index
        %get3A_234 = arith.constant 64 : index
        %get3A_235 = tpu.vector_load %get3A_232[%get3A_233, %get3A_234] {strides = array<i32>} : memref<128x128xf32, #tpu.memory_space<vmem>>, vector<1x16xf32>,
        %get3A_236 = vector.shape_cast %get3A_235 : vector<1x16xf32> to vector<16xf32>
        %get3A_237 = arith.constant 0 : i32
        %get3A_238 = arith.constant 0 : i32
        %get3A_239 = arith.constant 0 : i32
        %get3A_240 = tpu.memref_slice %arg9[%get3A_237, %get3A_238, %get3A_239] : memref<2x128x128xf32, #tpu.memory_space<vmem>> -> memref<1x128x128xf32, #tpu.memory_space<vmem>>
        %get3A_241 = tpu.memref_squeeze %get3A_240 : memref<1x128x128xf32, #tpu.memory_space<vmem>> -> memref<128x128xf32, #tpu.memory_space<vmem>>
        %get3A_242 = arith.index_cast %add3A_133 : i32 to index
        %get3A_243 = arith.constant 64 : index
        %get3A_244 = tpu.vector_load %get3A_241[%get3A_242, %get3A_243] {strides = array<i32>} : memref<128x128xf32, #tpu.memory_space<vmem>>, vector<1x16xf32>,
        %get3A_245 = vector.shape_cast %get3A_244 : vector<1x16xf32> to vector<16xf32>
        %add3A_246 = arith.addf %get3A_236, %get3A_245 : vector<16xf32>
        %swap3A_247 = arith.index_cast %add3A_133 : i32 to index
        %swap3A_248 = arith.constant 64 : index
        %swap3A_249 = tpu.vector_load %arg10[%swap3A_247, %swap3A_248] {strides = array<i32>} : memref<128x128xf32, #tpu.memory_space<vmem>>, vector<1x16xf32>,
        %swap3A_250 = vector.shape_cast %swap3A_249 : vector<1x16xf32> to vector<16xf32>
        %swap3A_251 = vector.shape_cast %add3A_246 : vector<16xf32> to vector<1x16xf32>
        tpu.vector_store %arg10[%swap3A_247, %swap3A_248], %swap3A_251 {strides = array<i32>} : memref<128x128xf32, #tpu.memory_space<vmem>>, vector<1x16xf32>,
        %get3A_252 = arith.constant 0 : i32
        %get3A_253 = arith.constant 0 : i32
        %get3A_254 = arith.constant 0 : i32
        %get3A_255 = tpu.memref_slice %arg8[%get3A_252, %get3A_253, %get3A_254] : memref<2x128x128xf32, #tpu.memory_space<vmem>> -> memref<1x128x128xf32, #tpu.memory_space<vmem>>
        %get3A_256 = tpu.memref_squeeze %get3A_255 : memref<1x128x128xf32, #tpu.memory_space<vmem>> -> memref<128x128xf32, #tpu.memory_space<vmem>>
        %get3A_257 = arith.index_cast %add3A_133 : i32 to index
        %get3A_258 = arith.constant 80 : index
        %get3A_259 = tpu.vector_load %get3A_256[%get3A_257, %get3A_258] {strides = array<i32>} : memref<128x128xf32, #tpu.memory_space<vmem>>, vector<1x16xf32>,
        %get3A_260 = vector.shape_cast %get3A_259 : vector<1x16xf32> to vector<16xf32>
        %get3A_261 = arith.constant 0 : i32
        %get3A_262 = arith.constant 0 : i32
        %get3A_263 = arith.constant 0 : i32
        %get3A_264 = tpu.memref_slice %arg9[%get3A_261, %get3A_262, %get3A_263] : memref<2x128x128xf32, #tpu.memory_space<vmem>> -> memref<1x128x128xf32, #tpu.memory_space<vmem>>
        %get3A_265 = tpu.memref_squeeze %get3A_264 : memref<1x128x128xf32, #tpu.memory_space<vmem>> -> memref<128x128xf32, #tpu.memory_space<vmem>>
        %get3A_266 = arith.index_cast %add3A_133 : i32 to index
        %get3A_267 = arith.constant 80 : index
        %get3A_268 = tpu.vector_load %get3A_265[%get3A_266, %get3A_267] {strides = array<i32>} : memref<128x128xf32, #tpu.memory_space<vmem>>, vector<1x16xf32>,
        %get3A_269 = vector.shape_cast %get3A_268 : vector<1x16xf32> to vector<16xf32>
        %add3A_270 = arith.addf %get3A_260, %get3A_269 : vector<16xf32>
        %swap3A_271 = arith.index_cast %add3A_133 : i32 to index
        %swap3A_272 = arith.constant 80 : index
        %swap3A_273 = tpu.vector_load %arg10[%swap3A_271, %swap3A_272] {strides = array<i32>} : memref<128x128xf32, #tpu.memory_space<vmem>>, vector<1x16xf32>,
        %swap3A_274 = vector.shape_cast %swap3A_273 : vector<1x16xf32> to vector<16xf32>
        %swap3A_275 = vector.shape_cast %add3A_270 : vector<16xf32> to vector<1x16xf32>
        tpu.vector_store %arg10[%swap3A_271, %swap3A_272], %swap3A_275 {strides = array<i32>} : memref<128x128xf32, #tpu.memory_space<vmem>>, vector<1x16xf32>,
        %get3A_276 = arith.constant 0 : i32
        %get3A_277 = arith.constant 0 : i32
        %get3A_278 = arith.constant 0 : i32
        %get3A_279 = tpu.memref_slice %arg8[%get3A_276, %get3A_277, %get3A_278] : memref<2x128x128xf32, #tpu.memory_space<vmem>> -> memref<1x128x128xf32, #tpu.memory_space<vmem>>
        %get3A_280 = tpu.memref_squeeze %get3A_279 : memref<1x128x128xf32, #tpu.memory_space<vmem>> -> memref<128x128xf32, #tpu.memory_space<vmem>>
        %get3A_281 = arith.index_cast %add3A_133 : i32 to index
        %get3A_282 = arith.constant 96 : index
        %get3A_283 = tpu.vector_load %get3A_280[%get3A_281, %get3A_282] {strides = array<i32>} : memref<128x128xf32, #tpu.memory_space<vmem>>, vector<1x16xf32>,
        %get3A_284 = vector.shape_cast %get3A_283 : vector<1x16xf32> to vector<16xf32>
        %get3A_285 = arith.constant 0 : i32
        %get3A_286 = arith.constant 0 : i32
        %get3A_287 = arith.constant 0 : i32
        %get3A_288 = tpu.memref_slice %arg9[%get3A_285, %get3A_286, %get3A_287] : memref<2x128x128xf32, #tpu.memory_space<vmem>> -> memref<1x128x128xf32, #tpu.memory_space<vmem>>
        %get3A_289 = tpu.memref_squeeze %get3A_288 : memref<1x128x128xf32, #tpu.memory_space<vmem>> -> memref<128x128xf32, #tpu.memory_space<vmem>>
        %get3A_290 = arith.index_cast %add3A_133 : i32 to index
        %get3A_291 = arith.constant 96 : index
        %get3A_292 = tpu.vector_load %get3A_289[%get3A_290, %get3A_291] {strides = array<i32>} : memref<128x128xf32, #tpu.memory_space<vmem>>, vector<1x16xf32>,
        %get3A_293 = vector.shape_cast %get3A_292 : vector<1x16xf32> to vector<16xf32>
        %add3A_294 = arith.addf %get3A_284, %get3A_293 : vector<16xf32>
        %swap3A_295 = arith.index_cast %add3A_133 : i32 to index
        %swap3A_296 = arith.constant 96 : index
        %swap3A_297 = tpu.vector_load %arg10[%swap3A_295, %swap3A_296] {strides = array<i32>} : memref<128x128xf32, #tpu.memory_space<vmem>>, vector<1x16xf32>,
        %swap3A_298 = vector.shape_cast %swap3A_297 : vector<1x16xf32> to vector<16xf32>
        %swap3A_299 = vector.shape_cast %add3A_294 : vector<16xf32> to vector<1x16xf32>
        tpu.vector_store %arg10[%swap3A_295, %swap3A_296], %swap3A_299 {strides = array<i32>} : memref<128x128xf32, #tpu.memory_space<vmem>>, vector<1x16xf32>,
        %get3A_300 = arith.constant 0 : i32
        %get3A_301 = arith.constant 0 : i32
        %get3A_302 = arith.constant 0 : i32
        %get3A_303 = tpu.memref_slice %arg8[%get3A_300, %get3A_301, %get3A_302] : memref<2x128x128xf32, #tpu.memory_space<vmem>> -> memref<1x128x128xf32, #tpu.memory_space<vmem>>
        %get3A_304 = tpu.memref_squeeze %get3A_303 : memref<1x128x128xf32, #tpu.memory_space<vmem>> -> memref<128x128xf32, #tpu.memory_space<vmem>>
        %get3A_305 = arith.index_cast %add3A_133 : i32 to index
        %get3A_306 = arith.constant 112 : index
        %get3A_307 = tpu.vector_load %get3A_304[%get3A_305, %get3A_306] {strides = array<i32>} : memref<128x128xf32, #tpu.memory_space<vmem>>, vector<1x16xf32>,
        %get3A_308 = vector.shape_cast %get3A_307 : vector<1x16xf32> to vector<16xf32>
        %get3A_309 = arith.constant 0 : i32
        %get3A_310 = arith.constant 0 : i32
        %get3A_311 = arith.constant 0 : i32
        %get3A_312 = tpu.memref_slice %arg9[%get3A_309, %get3A_310, %get3A_311] : memref<2x128x128xf32, #tpu.memory_space<vmem>> -> memref<1x128x128xf32, #tpu.memory_space<vmem>>
        %get3A_313 = tpu.memref_squeeze %get3A_312 : memref<1x128x128xf32, #tpu.memory_space<vmem>> -> memref<128x128xf32, #tpu.memory_space<vmem>>
        %get3A_314 = arith.index_cast %add3A_133 : i32 to index
        %get3A_315 = arith.constant 112 : index
        %get3A_316 = tpu.vector_load %get3A_313[%get3A_314, %get3A_315] {strides = array<i32>} : memref<128x128xf32, #tpu.memory_space<vmem>>, vector<1x16xf32>,
        %get3A_317 = vector.shape_cast %get3A_316 : vector<1x16xf32> to vector<16xf32>
        %add3A_318 = arith.addf %get3A_308, %get3A_317 : vector<16xf32>
        %swap3A_319 = arith.index_cast %add3A_133 : i32 to index
        %swap3A_320 = arith.constant 112 : index
        %swap3A_321 = tpu.vector_load %arg10[%swap3A_319, %swap3A_320] {strides = array<i32>} : memref<128x128xf32, #tpu.memory_space<vmem>>, vector<1x16xf32>,
        %swap3A_322 = vector.shape_cast %swap3A_321 : vector<1x16xf32> to vector<16xf32>
        %swap3A_323 = vector.shape_cast %add3A_318 : vector<16xf32> to vector<1x16xf32>
        tpu.vector_store %arg10[%swap3A_319, %swap3A_320], %swap3A_323 {strides = array<i32>} : memref<128x128xf32, #tpu.memory_space<vmem>>, vector<1x16xf32>,
      }
      %scan3A_70 = arith.constant 128 : i32
      %add3A_71 = arith.constant 2 : i32
      %add3A_72 = arith.addi %add3A_41, %add3A_71 : i32
      %lt3A = arith.cmpi slt, %add3A_72, %select_n3A : i32
      %convert_element_type3A_73 = arith.extui %lt3A : i1 to i32
      %cond3A_74 = arith.constant 0 : i32
      %cond3A_75 = arith.cmpi ne, %convert_element_type3A_73, %cond3A_74 : i32
      scf.if %cond3A_75 {
        %add3A_129 = arith.constant 2 : i32
        %add3A_130 = arith.addi %add3A_41, %add3A_129 : i32
        %dma_start3A_131 = arith.constant 0 : i32
        %dma_start3A_132 = arith.constant 0 : i32
        %dma_start3A_133 = arith.constant 0 : i32
        %dma_start3A_134 = tpu.memref_slice %arg8[%dma_start3A_131, %dma_start3A_132, %dma_start3A_133] : memref<2x128x128xf32, #tpu.memory_space<vmem>> -> memref<1x128x128xf32, #tpu.memory_space<vmem>>
        %dma_start3A_135 = tpu.memref_squeeze %dma_start3A_134 : memref<1x128x128xf32, #tpu.memory_space<vmem>> -> memref<128x128xf32, #tpu.memory_space<vmem>>
        %dma_start3A_136 = arith.constant 0 : i32
        %dma_start3A_137 = tpu.memref_slice %arg6[%add3A_130, %dma_start3A_136] : memref<152x128xi32, #tpu.memory_space<vmem>> -> memref<1x128xi32, #tpu.memory_space<vmem>>
        %dma_start3A_138 = tpu.memref_squeeze %dma_start3A_137 : memref<1x128xi32, #tpu.memory_space<vmem>> -> memref<128xi32, #tpu.memory_space<vmem>>
        %dma_start3A_139 = arith.constant 0 : i32
        %dma_start3A_140 = arith.constant 0 : i32
        %dma_start3A_141 = tpu.memref_slice %arg2[%dma_start3A_139, %dma_start3A_140] : memref<10000x128xf32, #tpu.memory_space<hbm>> -> memref<10000x128xf32, #tpu.memory_space<hbm>>
        tpu.enqueue_indirect_dma source(%dma_start3A_141 : memref<10000x128xf32, #tpu.memory_space<hbm>>) target(%dma_start3A_135 : memref<128x128xf32, #tpu.memory_space<vmem>>) offsets(%dma_start3A_138 : memref<128xi32, #tpu.memory_space<vmem>>) semaphore(%arg11 : memref<!tpu.dma_semaphore, #tpu.memory_space<semaphore_mem>>)
        %dma_start3A_142 = arith.constant 0 : i32
        %dma_start3A_143 = arith.constant 0 : i32
        %dma_start3A_144 = arith.constant 0 : i32
        %dma_start3A_145 = tpu.memref_slice %arg9[%dma_start3A_142, %dma_start3A_143, %dma_start3A_144] : memref<2x128x128xf32, #tpu.memory_space<vmem>> -> memref<1x128x128xf32, #tpu.memory_space<vmem>>
        %dma_start3A_146 = tpu.memref_squeeze %dma_start3A_145 : memref<1x128x128xf32, #tpu.memory_space<vmem>> -> memref<128x128xf32, #tpu.memory_space<vmem>>
        %dma_start3A_147 = arith.constant 0 : i32
        %dma_start3A_148 = tpu.memref_slice %arg7[%add3A_130, %dma_start3A_147] : memref<152x128xi32, #tpu.memory_space<vmem>> -> memref<1x128xi32, #tpu.memory_space<vmem>>
        %dma_start3A_149 = tpu.memref_squeeze %dma_start3A_148 : memref<1x128xi32, #tpu.memory_space<vmem>> -> memref<128xi32, #tpu.memory_space<vmem>>
        %dma_start3A_150 = arith.constant 0 : i32
        %dma_start3A_151 = arith.constant 0 : i32
        %dma_start3A_152 = tpu.memref_slice %arg2[%dma_start3A_150, %dma_start3A_151] : memref<10000x128xf32, #tpu.memory_space<hbm>> -> memref<10000x128xf32, #tpu.memory_space<hbm>>
        tpu.enqueue_indirect_dma source(%dma_start3A_152 : memref<10000x128xf32, #tpu.memory_space<hbm>>) target(%dma_start3A_146 : memref<128x128xf32, #tpu.memory_space<vmem>>) offsets(%dma_start3A_149 : memref<128xi32, #tpu.memory_space<vmem>>) semaphore(%arg11 : memref<!tpu.dma_semaphore, #tpu.memory_space<semaphore_mem>>)
      } else {
      }
      %add3A_76 = arith.addi %select_n3A_8, %add3A_41 : i32
      %mul3A_77 = arith.constant 128 : i32
      %mul3A_78 = arith.muli %add3A_76, %mul3A_77 : i32
      %dma_start3A = arith.constant 0 : i32
      %dma_start3A_79 = tpu.memref_slice %arg5[%mul3A_78, %dma_start3A] : memref<327680x128xf32, #tpu.memory_space<hbm>> -> memref<128x128xf32, #tpu.memory_space<hbm>>
      %dma_start3A_80 = arith.constant 0 : i32
      %dma_start3A_81 = tpu.memref_slice %arg5[%mul3A_78, %dma_start3A_80] : memref<327680x128xf32, #tpu.memory_space<hbm>> -> memref<128x128xf32, #tpu.memory_space<hbm>>
      tpu.enqueue_dma source(%arg10 : memref<128x128xf32, #tpu.memory_space<vmem>>) target(%dma_start3A_81 : memref<128x128xf32, #tpu.memory_space<hbm>>) target_semaphore(%arg13 : memref<!tpu.dma_semaphore, #tpu.memory_space<semaphore_mem>>)
      %add3A_82 = arith.constant 1 : i32
      %add3A_83 = arith.addi %add3A_39, %add3A_82 : i32
      %dma_wait3A_84 = arith.constant 1 : i32
      %dma_wait3A_85 = arith.constant 0 : i32
      %dma_wait3A_86 = arith.constant 0 : i32
      %dma_wait3A_87 = tpu.memref_slice %arg8[%dma_wait3A_84, %dma_wait3A_85, %dma_wait3A_86] : memref<2x128x128xf32, #tpu.memory_space<vmem>> -> memref<1x128x128xf32, #tpu.memory_space<vmem>>
      %dma_wait3A_88 = tpu.memref_squeeze %dma_wait3A_87 : memref<1x128x128xf32, #tpu.memory_space<vmem>> -> memref<128x128xf32, #tpu.memory_space<vmem>>
      %dma_wait3A_89 = arith.constant 0 : i32
      %dma_wait3A_90 = tpu.memref_slice %arg6[%add3A_83, %dma_wait3A_89] : memref<152x128xi32, #tpu.memory_space<vmem>> -> memref<1x128xi32, #tpu.memory_space<vmem>>
      %dma_wait3A_91 = tpu.memref_squeeze %dma_wait3A_90 : memref<1x128xi32, #tpu.memory_space<vmem>> -> memref<128xi32, #tpu.memory_space<vmem>>
      %dma_wait3A_92 = arith.constant 0 : i32
      %dma_wait3A_93 = arith.constant 0 : i32
      %dma_wait3A_94 = tpu.memref_slice %arg2[%dma_wait3A_92, %dma_wait3A_93] : memref<10000x128xf32, #tpu.memory_space<hbm>> -> memref<10000x128xf32, #tpu.memory_space<hbm>>
      tpu.wait_indirect_dma semaphore(%arg12 : memref<!tpu.dma_semaphore, #tpu.memory_space<semaphore_mem>>) src(%dma_wait3A_94 : memref<10000x128xf32, #tpu.memory_space<hbm>>) dst(%dma_wait3A_88 : memref<128x128xf32, #tpu.memory_space<vmem>>)
      %dma_wait3A_95 = arith.constant 1 : i32
      %dma_wait3A_96 = arith.constant 0 : i32
      %dma_wait3A_97 = arith.constant 0 : i32
      %dma_wait3A_98 = tpu.memref_slice %arg9[%dma_wait3A_95, %dma_wait3A_96, %dma_wait3A_97] : memref<2x128x128xf32, #tpu.memory_space<vmem>> -> memref<1x128x128xf32, #tpu.memory_space<vmem>>
      %dma_wait3A_99 = tpu.memref_squeeze %dma_wait3A_98 : memref<1x128x128xf32, #tpu.memory_space<vmem>> -> memref<128x128xf32, #tpu.memory_space<vmem>>
      %dma_wait3A_100 = arith.constant 0 : i32
      %dma_wait3A_101 = tpu.memref_slice %arg7[%add3A_83, %dma_wait3A_100] : memref<152x128xi32, #tpu.memory_space<vmem>> -> memref<1x128xi32, #tpu.memory_space<vmem>>
      %dma_wait3A_102 = tpu.memref_squeeze %dma_wait3A_101 : memref<1x128xi32, #tpu.memory_space<vmem>> -> memref<128xi32, #tpu.memory_space<vmem>>
      %dma_wait3A_103 = arith.constant 0 : i32
      %dma_wait3A_104 = arith.constant 0 : i32
      %dma_wait3A_105 = tpu.memref_slice %arg2[%dma_wait3A_103, %dma_wait3A_104] : memref<10000x128xf32, #tpu.memory_space<hbm>> -> memref<10000x128xf32, #tpu.memory_space<hbm>>
      tpu.wait_indirect_dma semaphore(%arg12 : memref<!tpu.dma_semaphore, #tpu.memory_space<semaphore_mem>>) src(%dma_wait3A_105 : memref<10000x128xf32, #tpu.memory_space<hbm>>) dst(%dma_wait3A_99 : memref<128x128xf32, #tpu.memory_space<vmem>>)
      %ge3A_106 = arith.constant 1 : i32
      %ge3A_107 = arith.cmpi sge, %add3A_83, %ge3A_106 : i32
      %convert_element_type3A_108 = arith.extui %ge3A_107 : i1 to i32
      %cond3A_109 = arith.constant 0 : i32
      %cond3A_110 = arith.cmpi ne, %convert_element_type3A_108, %cond3A_109 : i32
      scf.if %cond3A_110 {
        %sub3A_129 = arith.constant 1 : i32
        %sub3A_130 = arith.subi %add3A_83, %sub3A_129 : i32
        %add3A_131 = arith.addi %select_n3A_8, %sub3A_130 : i32
        %mul3A_132 = arith.constant 128 : i32
        %mul3A_133 = arith.muli %add3A_131, %mul3A_132 : i32
        %dma_wait3A_134 = arith.constant 0 : i32
        %dma_wait3A_135 = tpu.memref_slice %arg5[%mul3A_133, %dma_wait3A_134] : memref<327680x128xf32, #tpu.memory_space<hbm>> -> memref<128x128xf32, #tpu.memory_space<hbm>>
        %dma_wait3A_136 = arith.constant 0 : i32
        %dma_wait3A_137 = tpu.memref_slice %arg5[%mul3A_133, %dma_wait3A_136] : memref<327680x128xf32, #tpu.memory_space<hbm>> -> memref<128x128xf32, #tpu.memory_space<hbm>>
        tpu.wait_dma2 semaphore(%arg13 : memref<!tpu.dma_semaphore, #tpu.memory_space<semaphore_mem>>) src(%arg10 : memref<128x128xf32, #tpu.memory_space<vmem>>) dst(%dma_wait3A_137 : memref<128x128xf32, #tpu.memory_space<hbm>>)
      } else {
      }
      %scan3A_111 = arith.constant 0 : i32
      %scan3A_112 = arith.constant 128 : i32
      %scan3A_113 = arith.addi %scan3A_111, %scan3A_112 : i32
      %scan3A_114 = arith.constant 1 : i32
      scf.for %scan3A_129 = %scan3A_111 to %scan3A_113 step %scan3A_114  : i32 {
        %mul3A_130 = arith.constant 1 : i32
        %mul3A_131 = arith.muli %scan3A_129, %mul3A_130 : i32
        %add3A_132 = arith.constant 0 : i32
        %add3A_133 = arith.addi %add3A_132, %mul3A_131 : i32
        %get3A = arith.constant 1 : i32
        %get3A_134 = arith.constant 0 : i32
        %get3A_135 = arith.constant 0 : i32
        %get3A_136 = tpu.memref_slice %arg8[%get3A, %get3A_134, %get3A_135] : memref<2x128x128xf32, #tpu.memory_space<vmem>> -> memref<1x128x128xf32, #tpu.memory_space<vmem>>
        %get3A_137 = tpu.memref_squeeze %get3A_136 : memref<1x128x128xf32, #tpu.memory_space<vmem>> -> memref<128x128xf32, #tpu.memory_space<vmem>>
        %get3A_138 = arith.index_cast %add3A_133 : i32 to index
        %get3A_139 = arith.constant 0 : index
        %get3A_140 = tpu.vector_load %get3A_137[%get3A_138, %get3A_139] {strides = array<i32>} : memref<128x128xf32, #tpu.memory_space<vmem>>, vector<1x16xf32>,
        %get3A_141 = vector.shape_cast %get3A_140 : vector<1x16xf32> to vector<16xf32>
        %get3A_142 = arith.constant 1 : i32
        %get3A_143 = arith.constant 0 : i32
        %get3A_144 = arith.constant 0 : i32
        %get3A_145 = tpu.memref_slice %arg9[%get3A_142, %get3A_143, %get3A_144] : memref<2x128x128xf32, #tpu.memory_space<vmem>> -> memref<1x128x128xf32, #tpu.memory_space<vmem>>
        %get3A_146 = tpu.memref_squeeze %get3A_145 : memref<1x128x128xf32, #tpu.memory_space<vmem>> -> memref<128x128xf32, #tpu.memory_space<vmem>>
        %get3A_147 = arith.index_cast %add3A_133 : i32 to index
        %get3A_148 = arith.constant 0 : index
        %get3A_149 = tpu.vector_load %get3A_146[%get3A_147, %get3A_148] {strides = array<i32>} : memref<128x128xf32, #tpu.memory_space<vmem>>, vector<1x16xf32>,
        %get3A_150 = vector.shape_cast %get3A_149 : vector<1x16xf32> to vector<16xf32>
        %add3A_151 = arith.addf %get3A_141, %get3A_150 : vector<16xf32>
        %swap3A = arith.index_cast %add3A_133 : i32 to index
        %swap3A_152 = arith.constant 0 : index
        %swap3A_153 = tpu.vector_load %arg10[%swap3A, %swap3A_152] {strides = array<i32>} : memref<128x128xf32, #tpu.memory_space<vmem>>, vector<1x16xf32>,
        %swap3A_154 = vector.shape_cast %swap3A_153 : vector<1x16xf32> to vector<16xf32>
        %swap3A_155 = vector.shape_cast %add3A_151 : vector<16xf32> to vector<1x16xf32>
        tpu.vector_store %arg10[%swap3A, %swap3A_152], %swap3A_155 {strides = array<i32>} : memref<128x128xf32, #tpu.memory_space<vmem>>, vector<1x16xf32>,
        %get3A_156 = arith.constant 1 : i32
        %get3A_157 = arith.constant 0 : i32
        %get3A_158 = arith.constant 0 : i32
        %get3A_159 = tpu.memref_slice %arg8[%get3A_156, %get3A_157, %get3A_158] : memref<2x128x128xf32, #tpu.memory_space<vmem>> -> memref<1x128x128xf32, #tpu.memory_space<vmem>>
        %get3A_160 = tpu.memref_squeeze %get3A_159 : memref<1x128x128xf32, #tpu.memory_space<vmem>> -> memref<128x128xf32, #tpu.memory_space<vmem>>
        %get3A_161 = arith.index_cast %add3A_133 : i32 to index
        %get3A_162 = arith.constant 16 : index
        %get3A_163 = tpu.vector_load %get3A_160[%get3A_161, %get3A_162] {strides = array<i32>} : memref<128x128xf32, #tpu.memory_space<vmem>>, vector<1x16xf32>,
        %get3A_164 = vector.shape_cast %get3A_163 : vector<1x16xf32> to vector<16xf32>
        %get3A_165 = arith.constant 1 : i32
        %get3A_166 = arith.constant 0 : i32
        %get3A_167 = arith.constant 0 : i32
        %get3A_168 = tpu.memref_slice %arg9[%get3A_165, %get3A_166, %get3A_167] : memref<2x128x128xf32, #tpu.memory_space<vmem>> -> memref<1x128x128xf32, #tpu.memory_space<vmem>>
        %get3A_169 = tpu.memref_squeeze %get3A_168 : memref<1x128x128xf32, #tpu.memory_space<vmem>> -> memref<128x128xf32, #tpu.memory_space<vmem>>
        %get3A_170 = arith.index_cast %add3A_133 : i32 to index
        %get3A_171 = arith.constant 16 : index
        %get3A_172 = tpu.vector_load %get3A_169[%get3A_170, %get3A_171] {strides = array<i32>} : memref<128x128xf32, #tpu.memory_space<vmem>>, vector<1x16xf32>,
        %get3A_173 = vector.shape_cast %get3A_172 : vector<1x16xf32> to vector<16xf32>
        %add3A_174 = arith.addf %get3A_164, %get3A_173 : vector<16xf32>
        %swap3A_175 = arith.index_cast %add3A_133 : i32 to index
        %swap3A_176 = arith.constant 16 : index
        %swap3A_177 = tpu.vector_load %arg10[%swap3A_175, %swap3A_176] {strides = array<i32>} : memref<128x128xf32, #tpu.memory_space<vmem>>, vector<1x16xf32>,
        %swap3A_178 = vector.shape_cast %swap3A_177 : vector<1x16xf32> to vector<16xf32>
        %swap3A_179 = vector.shape_cast %add3A_174 : vector<16xf32> to vector<1x16xf32>
        tpu.vector_store %arg10[%swap3A_175, %swap3A_176], %swap3A_179 {strides = array<i32>} : memref<128x128xf32, #tpu.memory_space<vmem>>, vector<1x16xf32>,
        %get3A_180 = arith.constant 1 : i32
        %get3A_181 = arith.constant 0 : i32
        %get3A_182 = arith.constant 0 : i32
        %get3A_183 = tpu.memref_slice %arg8[%get3A_180, %get3A_181, %get3A_182] : memref<2x128x128xf32, #tpu.memory_space<vmem>> -> memref<1x128x128xf32, #tpu.memory_space<vmem>>
        %get3A_184 = tpu.memref_squeeze %get3A_183 : memref<1x128x128xf32, #tpu.memory_space<vmem>> -> memref<128x128xf32, #tpu.memory_space<vmem>>
        %get3A_185 = arith.index_cast %add3A_133 : i32 to index
        %get3A_186 = arith.constant 32 : index
        %get3A_187 = tpu.vector_load %get3A_184[%get3A_185, %get3A_186] {strides = array<i32>} : memref<128x128xf32, #tpu.memory_space<vmem>>, vector<1x16xf32>,
        %get3A_188 = vector.shape_cast %get3A_187 : vector<1x16xf32> to vector<16xf32>
        %get3A_189 = arith.constant 1 : i32
        %get3A_190 = arith.constant 0 : i32
        %get3A_191 = arith.constant 0 : i32
        %get3A_192 = tpu.memref_slice %arg9[%get3A_189, %get3A_190, %get3A_191] : memref<2x128x128xf32, #tpu.memory_space<vmem>> -> memref<1x128x128xf32, #tpu.memory_space<vmem>>
        %get3A_193 = tpu.memref_squeeze %get3A_192 : memref<1x128x128xf32, #tpu.memory_space<vmem>> -> memref<128x128xf32, #tpu.memory_space<vmem>>
        %get3A_194 = arith.index_cast %add3A_133 : i32 to index
        %get3A_195 = arith.constant 32 : index
        %get3A_196 = tpu.vector_load %get3A_193[%get3A_194, %get3A_195] {strides = array<i32>} : memref<128x128xf32, #tpu.memory_space<vmem>>, vector<1x16xf32>,
        %get3A_197 = vector.shape_cast %get3A_196 : vector<1x16xf32> to vector<16xf32>
        %add3A_198 = arith.addf %get3A_188, %get3A_197 : vector<16xf32>
        %swap3A_199 = arith.index_cast %add3A_133 : i32 to index
        %swap3A_200 = arith.constant 32 : index
        %swap3A_201 = tpu.vector_load %arg10[%swap3A_199, %swap3A_200] {strides = array<i32>} : memref<128x128xf32, #tpu.memory_space<vmem>>, vector<1x16xf32>,
        %swap3A_202 = vector.shape_cast %swap3A_201 : vector<1x16xf32> to vector<16xf32>
        %swap3A_203 = vector.shape_cast %add3A_198 : vector<16xf32> to vector<1x16xf32>
        tpu.vector_store %arg10[%swap3A_199, %swap3A_200], %swap3A_203 {strides = array<i32>} : memref<128x128xf32, #tpu.memory_space<vmem>>, vector<1x16xf32>,
        %get3A_204 = arith.constant 1 : i32
        %get3A_205 = arith.constant 0 : i32
        %get3A_206 = arith.constant 0 : i32
        %get3A_207 = tpu.memref_slice %arg8[%get3A_204, %get3A_205, %get3A_206] : memref<2x128x128xf32, #tpu.memory_space<vmem>> -> memref<1x128x128xf32, #tpu.memory_space<vmem>>
        %get3A_208 = tpu.memref_squeeze %get3A_207 : memref<1x128x128xf32, #tpu.memory_space<vmem>> -> memref<128x128xf32, #tpu.memory_space<vmem>>
        %get3A_209 = arith.index_cast %add3A_133 : i32 to index
        %get3A_210 = arith.constant 48 : index
        %get3A_211 = tpu.vector_load %get3A_208[%get3A_209, %get3A_210] {strides = array<i32>} : memref<128x128xf32, #tpu.memory_space<vmem>>, vector<1x16xf32>,
        %get3A_212 = vector.shape_cast %get3A_211 : vector<1x16xf32> to vector<16xf32>
        %get3A_213 = arith.constant 1 : i32
        %get3A_214 = arith.constant 0 : i32
        %get3A_215 = arith.constant 0 : i32
        %get3A_216 = tpu.memref_slice %arg9[%get3A_213, %get3A_214, %get3A_215] : memref<2x128x128xf32, #tpu.memory_space<vmem>> -> memref<1x128x128xf32, #tpu.memory_space<vmem>>
        %get3A_217 = tpu.memref_squeeze %get3A_216 : memref<1x128x128xf32, #tpu.memory_space<vmem>> -> memref<128x128xf32, #tpu.memory_space<vmem>>
        %get3A_218 = arith.index_cast %add3A_133 : i32 to index
        %get3A_219 = arith.constant 48 : index
        %get3A_220 = tpu.vector_load %get3A_217[%get3A_218, %get3A_219] {strides = array<i32>} : memref<128x128xf32, #tpu.memory_space<vmem>>, vector<1x16xf32>,
        %get3A_221 = vector.shape_cast %get3A_220 : vector<1x16xf32> to vector<16xf32>
        %add3A_222 = arith.addf %get3A_212, %get3A_221 : vector<16xf32>
        %swap3A_223 = arith.index_cast %add3A_133 : i32 to index
        %swap3A_224 = arith.constant 48 : index
        %swap3A_225 = tpu.vector_load %arg10[%swap3A_223, %swap3A_224] {strides = array<i32>} : memref<128x128xf32, #tpu.memory_space<vmem>>, vector<1x16xf32>,
        %swap3A_226 = vector.shape_cast %swap3A_225 : vector<1x16xf32> to vector<16xf32>
        %swap3A_227 = vector.shape_cast %add3A_222 : vector<16xf32> to vector<1x16xf32>
        tpu.vector_store %arg10[%swap3A_223, %swap3A_224], %swap3A_227 {strides = array<i32>} : memref<128x128xf32, #tpu.memory_space<vmem>>, vector<1x16xf32>,
        %get3A_228 = arith.constant 1 : i32
        %get3A_229 = arith.constant 0 : i32
        %get3A_230 = arith.constant 0 : i32
        %get3A_231 = tpu.memref_slice %arg8[%get3A_228, %get3A_229, %get3A_230] : memref<2x128x128xf32, #tpu.memory_space<vmem>> -> memref<1x128x128xf32, #tpu.memory_space<vmem>>
        %get3A_232 = tpu.memref_squeeze %get3A_231 : memref<1x128x128xf32, #tpu.memory_space<vmem>> -> memref<128x128xf32, #tpu.memory_space<vmem>>
        %get3A_233 = arith.index_cast %add3A_133 : i32 to index
        %get3A_234 = arith.constant 64 : index
        %get3A_235 = tpu.vector_load %get3A_232[%get3A_233, %get3A_234] {strides = array<i32>} : memref<128x128xf32, #tpu.memory_space<vmem>>, vector<1x16xf32>,
        %get3A_236 = vector.shape_cast %get3A_235 : vector<1x16xf32> to vector<16xf32>
        %get3A_237 = arith.constant 1 : i32
        %get3A_238 = arith.constant 0 : i32
        %get3A_239 = arith.constant 0 : i32
        %get3A_240 = tpu.memref_slice %arg9[%get3A_237, %get3A_238, %get3A_239] : memref<2x128x128xf32, #tpu.memory_space<vmem>> -> memref<1x128x128xf32, #tpu.memory_space<vmem>>
        %get3A_241 = tpu.memref_squeeze %get3A_240 : memref<1x128x128xf32, #tpu.memory_space<vmem>> -> memref<128x128xf32, #tpu.memory_space<vmem>>
        %get3A_242 = arith.index_cast %add3A_133 : i32 to index
        %get3A_243 = arith.constant 64 : index
        %get3A_244 = tpu.vector_load %get3A_241[%get3A_242, %get3A_243] {strides = array<i32>} : memref<128x128xf32, #tpu.memory_space<vmem>>, vector<1x16xf32>,
        %get3A_245 = vector.shape_cast %get3A_244 : vector<1x16xf32> to vector<16xf32>
        %add3A_246 = arith.addf %get3A_236, %get3A_245 : vector<16xf32>
        %swap3A_247 = arith.index_cast %add3A_133 : i32 to index
        %swap3A_248 = arith.constant 64 : index
        %swap3A_249 = tpu.vector_load %arg10[%swap3A_247, %swap3A_248] {strides = array<i32>} : memref<128x128xf32, #tpu.memory_space<vmem>>, vector<1x16xf32>,
        %swap3A_250 = vector.shape_cast %swap3A_249 : vector<1x16xf32> to vector<16xf32>
        %swap3A_251 = vector.shape_cast %add3A_246 : vector<16xf32> to vector<1x16xf32>
        tpu.vector_store %arg10[%swap3A_247, %swap3A_248], %swap3A_251 {strides = array<i32>} : memref<128x128xf32, #tpu.memory_space<vmem>>, vector<1x16xf32>,
        %get3A_252 = arith.constant 1 : i32
        %get3A_253 = arith.constant 0 : i32
        %get3A_254 = arith.constant 0 : i32
        %get3A_255 = tpu.memref_slice %arg8[%get3A_252, %get3A_253, %get3A_254] : memref<2x128x128xf32, #tpu.memory_space<vmem>> -> memref<1x128x128xf32, #tpu.memory_space<vmem>>
        %get3A_256 = tpu.memref_squeeze %get3A_255 : memref<1x128x128xf32, #tpu.memory_space<vmem>> -> memref<128x128xf32, #tpu.memory_space<vmem>>
        %get3A_257 = arith.index_cast %add3A_133 : i32 to index
        %get3A_258 = arith.constant 80 : index
        %get3A_259 = tpu.vector_load %get3A_256[%get3A_257, %get3A_258] {strides = array<i32>} : memref<128x128xf32, #tpu.memory_space<vmem>>, vector<1x16xf32>,
        %get3A_260 = vector.shape_cast %get3A_259 : vector<1x16xf32> to vector<16xf32>
        %get3A_261 = arith.constant 1 : i32
        %get3A_262 = arith.constant 0 : i32
        %get3A_263 = arith.constant 0 : i32
        %get3A_264 = tpu.memref_slice %arg9[%get3A_261, %get3A_262, %get3A_263] : memref<2x128x128xf32, #tpu.memory_space<vmem>> -> memref<1x128x128xf32, #tpu.memory_space<vmem>>
        %get3A_265 = tpu.memref_squeeze %get3A_264 : memref<1x128x128xf32, #tpu.memory_space<vmem>> -> memref<128x128xf32, #tpu.memory_space<vmem>>
        %get3A_266 = arith.index_cast %add3A_133 : i32 to index
        %get3A_267 = arith.constant 80 : index
        %get3A_268 = tpu.vector_load %get3A_265[%get3A_266, %get3A_267] {strides = array<i32>} : memref<128x128xf32, #tpu.memory_space<vmem>>, vector<1x16xf32>,
        %get3A_269 = vector.shape_cast %get3A_268 : vector<1x16xf32> to vector<16xf32>
        %add3A_270 = arith.addf %get3A_260, %get3A_269 : vector<16xf32>
        %swap3A_271 = arith.index_cast %add3A_133 : i32 to index
        %swap3A_272 = arith.constant 80 : index
        %swap3A_273 = tpu.vector_load %arg10[%swap3A_271, %swap3A_272] {strides = array<i32>} : memref<128x128xf32, #tpu.memory_space<vmem>>, vector<1x16xf32>,
        %swap3A_274 = vector.shape_cast %swap3A_273 : vector<1x16xf32> to vector<16xf32>
        %swap3A_275 = vector.shape_cast %add3A_270 : vector<16xf32> to vector<1x16xf32>
        tpu.vector_store %arg10[%swap3A_271, %swap3A_272], %swap3A_275 {strides = array<i32>} : memref<128x128xf32, #tpu.memory_space<vmem>>, vector<1x16xf32>,
        %get3A_276 = arith.constant 1 : i32
        %get3A_277 = arith.constant 0 : i32
        %get3A_278 = arith.constant 0 : i32
        %get3A_279 = tpu.memref_slice %arg8[%get3A_276, %get3A_277, %get3A_278] : memref<2x128x128xf32, #tpu.memory_space<vmem>> -> memref<1x128x128xf32, #tpu.memory_space<vmem>>
        %get3A_280 = tpu.memref_squeeze %get3A_279 : memref<1x128x128xf32, #tpu.memory_space<vmem>> -> memref<128x128xf32, #tpu.memory_space<vmem>>
        %get3A_281 = arith.index_cast %add3A_133 : i32 to index
        %get3A_282 = arith.constant 96 : index
        %get3A_283 = tpu.vector_load %get3A_280[%get3A_281, %get3A_282] {strides = array<i32>} : memref<128x128xf32, #tpu.memory_space<vmem>>, vector<1x16xf32>,
        %get3A_284 = vector.shape_cast %get3A_283 : vector<1x16xf32> to vector<16xf32>
        %get3A_285 = arith.constant 1 : i32
        %get3A_286 = arith.constant 0 : i32
        %get3A_287 = arith.constant 0 : i32
        %get3A_288 = tpu.memref_slice %arg9[%get3A_285, %get3A_286, %get3A_287] : memref<2x128x128xf32, #tpu.memory_space<vmem>> -> memref<1x128x128xf32, #tpu.memory_space<vmem>>
        %get3A_289 = tpu.memref_squeeze %get3A_288 : memref<1x128x128xf32, #tpu.memory_space<vmem>> -> memref<128x128xf32, #tpu.memory_space<vmem>>
        %get3A_290 = arith.index_cast %add3A_133 : i32 to index
        %get3A_291 = arith.constant 96 : index
        %get3A_292 = tpu.vector_load %get3A_289[%get3A_290, %get3A_291] {strides = array<i32>} : memref<128x128xf32, #tpu.memory_space<vmem>>, vector<1x16xf32>,
        %get3A_293 = vector.shape_cast %get3A_292 : vector<1x16xf32> to vector<16xf32>
        %add3A_294 = arith.addf %get3A_284, %get3A_293 : vector<16xf32>
        %swap3A_295 = arith.index_cast %add3A_133 : i32 to index
        %swap3A_296 = arith.constant 96 : index
        %swap3A_297 = tpu.vector_load %arg10[%swap3A_295, %swap3A_296] {strides = array<i32>} : memref<128x128xf32, #tpu.memory_space<vmem>>, vector<1x16xf32>,
        %swap3A_298 = vector.shape_cast %swap3A_297 : vector<1x16xf32> to vector<16xf32>
        %swap3A_299 = vector.shape_cast %add3A_294 : vector<16xf32> to vector<1x16xf32>
        tpu.vector_store %arg10[%swap3A_295, %swap3A_296], %swap3A_299 {strides = array<i32>} : memref<128x128xf32, #tpu.memory_space<vmem>>, vector<1x16xf32>,
        %get3A_300 = arith.constant 1 : i32
        %get3A_301 = arith.constant 0 : i32
        %get3A_302 = arith.constant 0 : i32
        %get3A_303 = tpu.memref_slice %arg8[%get3A_300, %get3A_301, %get3A_302] : memref<2x128x128xf32, #tpu.memory_space<vmem>> -> memref<1x128x128xf32, #tpu.memory_space<vmem>>
        %get3A_304 = tpu.memref_squeeze %get3A_303 : memref<1x128x128xf32, #tpu.memory_space<vmem>> -> memref<128x128xf32, #tpu.memory_space<vmem>>
        %get3A_305 = arith.index_cast %add3A_133 : i32 to index
        %get3A_306 = arith.constant 112 : index
        %get3A_307 = tpu.vector_load %get3A_304[%get3A_305, %get3A_306] {strides = array<i32>} : memref<128x128xf32, #tpu.memory_space<vmem>>, vector<1x16xf32>,
        %get3A_308 = vector.shape_cast %get3A_307 : vector<1x16xf32> to vector<16xf32>
        %get3A_309 = arith.constant 1 : i32
        %get3A_310 = arith.constant 0 : i32
        %get3A_311 = arith.constant 0 : i32
        %get3A_312 = tpu.memref_slice %arg9[%get3A_309, %get3A_310, %get3A_311] : memref<2x128x128xf32, #tpu.memory_space<vmem>> -> memref<1x128x128xf32, #tpu.memory_space<vmem>>
        %get3A_313 = tpu.memref_squeeze %get3A_312 : memref<1x128x128xf32, #tpu.memory_space<vmem>> -> memref<128x128xf32, #tpu.memory_space<vmem>>
        %get3A_314 = arith.index_cast %add3A_133 : i32 to index
        %get3A_315 = arith.constant 112 : index
        %get3A_316 = tpu.vector_load %get3A_313[%get3A_314, %get3A_315] {strides = array<i32>} : memref<128x128xf32, #tpu.memory_space<vmem>>, vector<1x16xf32>,
        %get3A_317 = vector.shape_cast %get3A_316 : vector<1x16xf32> to vector<16xf32>
        %add3A_318 = arith.addf %get3A_308, %get3A_317 : vector<16xf32>
        %swap3A_319 = arith.index_cast %add3A_133 : i32 to index
        %swap3A_320 = arith.constant 112 : index
        %swap3A_321 = tpu.vector_load %arg10[%swap3A_319, %swap3A_320] {strides = array<i32>} : memref<128x128xf32, #tpu.memory_space<vmem>>, vector<1x16xf32>,
        %swap3A_322 = vector.shape_cast %swap3A_321 : vector<1x16xf32> to vector<16xf32>
        %swap3A_323 = vector.shape_cast %add3A_318 : vector<16xf32> to vector<1x16xf32>
        tpu.vector_store %arg10[%swap3A_319, %swap3A_320], %swap3A_323 {strides = array<i32>} : memref<128x128xf32, #tpu.memory_space<vmem>>, vector<1x16xf32>,
      }
      %scan3A_115 = arith.constant 128 : i32
      %add3A_116 = arith.constant 2 : i32
      %add3A_117 = arith.addi %add3A_83, %add3A_116 : i32
      %lt3A_118 = arith.cmpi slt, %add3A_117, %select_n3A : i32
      %convert_element_type3A_119 = arith.extui %lt3A_118 : i1 to i32
      %cond3A_120 = arith.constant 0 : i32
      %cond3A_121 = arith.cmpi ne, %convert_element_type3A_119, %cond3A_120 : i32
      scf.if %cond3A_121 {
        %add3A_129 = arith.constant 2 : i32
        %add3A_130 = arith.addi %add3A_83, %add3A_129 : i32
        %dma_start3A_131 = arith.constant 1 : i32
        %dma_start3A_132 = arith.constant 0 : i32
        %dma_start3A_133 = arith.constant 0 : i32
        %dma_start3A_134 = tpu.memref_slice %arg8[%dma_start3A_131, %dma_start3A_132, %dma_start3A_133] : memref<2x128x128xf32, #tpu.memory_space<vmem>> -> memref<1x128x128xf32, #tpu.memory_space<vmem>>
        %dma_start3A_135 = tpu.memref_squeeze %dma_start3A_134 : memref<1x128x128xf32, #tpu.memory_space<vmem>> -> memref<128x128xf32, #tpu.memory_space<vmem>>
        %dma_start3A_136 = arith.constant 0 : i32
        %dma_start3A_137 = tpu.memref_slice %arg6[%add3A_130, %dma_start3A_136] : memref<152x128xi32, #tpu.memory_space<vmem>> -> memref<1x128xi32, #tpu.memory_space<vmem>>
        %dma_start3A_138 = tpu.memref_squeeze %dma_start3A_137 : memref<1x128xi32, #tpu.memory_space<vmem>> -> memref<128xi32, #tpu.memory_space<vmem>>
        %dma_start3A_139 = arith.constant 0 : i32
        %dma_start3A_140 = arith.constant 0 : i32
        %dma_start3A_141 = tpu.memref_slice %arg2[%dma_start3A_139, %dma_start3A_140] : memref<10000x128xf32, #tpu.memory_space<hbm>> -> memref<10000x128xf32, #tpu.memory_space<hbm>>
        tpu.enqueue_indirect_dma source(%dma_start3A_141 : memref<10000x128xf32, #tpu.memory_space<hbm>>) target(%dma_start3A_135 : memref<128x128xf32, #tpu.memory_space<vmem>>) offsets(%dma_start3A_138 : memref<128xi32, #tpu.memory_space<vmem>>) semaphore(%arg12 : memref<!tpu.dma_semaphore, #tpu.memory_space<semaphore_mem>>)
        %dma_start3A_142 = arith.constant 1 : i32
        %dma_start3A_143 = arith.constant 0 : i32
        %dma_start3A_144 = arith.constant 0 : i32
        %dma_start3A_145 = tpu.memref_slice %arg9[%dma_start3A_142, %dma_start3A_143, %dma_start3A_144] : memref<2x128x128xf32, #tpu.memory_space<vmem>> -> memref<1x128x128xf32, #tpu.memory_space<vmem>>
        %dma_start3A_146 = tpu.memref_squeeze %dma_start3A_145 : memref<1x128x128xf32, #tpu.memory_space<vmem>> -> memref<128x128xf32, #tpu.memory_space<vmem>>
        %dma_start3A_147 = arith.constant 0 : i32
        %dma_start3A_148 = tpu.memref_slice %arg7[%add3A_130, %dma_start3A_147] : memref<152x128xi32, #tpu.memory_space<vmem>> -> memref<1x128xi32, #tpu.memory_space<vmem>>
        %dma_start3A_149 = tpu.memref_squeeze %dma_start3A_148 : memref<1x128xi32, #tpu.memory_space<vmem>> -> memref<128xi32, #tpu.memory_space<vmem>>
        %dma_start3A_150 = arith.constant 0 : i32
        %dma_start3A_151 = arith.constant 0 : i32
        %dma_start3A_152 = tpu.memref_slice %arg2[%dma_start3A_150, %dma_start3A_151] : memref<10000x128xf32, #tpu.memory_space<hbm>> -> memref<10000x128xf32, #tpu.memory_space<hbm>>
        tpu.enqueue_indirect_dma source(%dma_start3A_152 : memref<10000x128xf32, #tpu.memory_space<hbm>>) target(%dma_start3A_146 : memref<128x128xf32, #tpu.memory_space<vmem>>) offsets(%dma_start3A_149 : memref<128xi32, #tpu.memory_space<vmem>>) semaphore(%arg12 : memref<!tpu.dma_semaphore, #tpu.memory_space<semaphore_mem>>)
      } else {
      }
      %add3A_122 = arith.addi %select_n3A_8, %add3A_83 : i32
      %mul3A_123 = arith.constant 128 : i32
      %mul3A_124 = arith.muli %add3A_122, %mul3A_123 : i32
      %dma_start3A_125 = arith.constant 0 : i32
      %dma_start3A_126 = tpu.memref_slice %arg5[%mul3A_124, %dma_start3A_125] : memref<327680x128xf32, #tpu.memory_space<hbm>> -> memref<128x128xf32, #tpu.memory_space<hbm>>
      %dma_start3A_127 = arith.constant 0 : i32
      %dma_start3A_128 = tpu.memref_slice %arg5[%mul3A_124, %dma_start3A_127] : memref<327680x128xf32, #tpu.memory_space<hbm>> -> memref<128x128xf32, #tpu.memory_space<hbm>>
      tpu.enqueue_dma source(%arg10 : memref<128x128xf32, #tpu.memory_space<vmem>>) target(%dma_start3A_128 : memref<128x128xf32, #tpu.memory_space<hbm>>) target_semaphore(%arg13 : memref<!tpu.dma_semaphore, #tpu.memory_space<semaphore_mem>>)
    }
    %gt3A_32 = arith.constant 0 : i32
    %gt3A_33 = arith.cmpi sgt, %select_n3A, %gt3A_32 : i32
    %convert_element_type3A_34 = arith.extui %gt3A_33 : i1 to i32
    %cond3A_35 = arith.constant 0 : i32
    %cond3A_36 = arith.cmpi ne, %convert_element_type3A_34, %cond3A_35 : i32
    scf.if %cond3A_36 {
      %sub3A_37 = arith.constant 1 : i32
      %sub3A_38 = arith.subi %select_n3A, %sub3A_37 : i32
      %add3A_39 = arith.addi %select_n3A_8, %sub3A_38 : i32
      %mul3A_40 = arith.constant 128 : i32
      %mul3A_41 = arith.muli %add3A_39, %mul3A_40 : i32
      %dma_wait3A = arith.constant 0 : i32
      %dma_wait3A_42 = tpu.memref_slice %arg5[%mul3A_41, %dma_wait3A] : memref<327680x128xf32, #tpu.memory_space<hbm>> -> memref<128x128xf32, #tpu.memory_space<hbm>>
      %dma_wait3A_43 = arith.constant 0 : i32
      %dma_wait3A_44 = tpu.memref_slice %arg5[%mul3A_41, %dma_wait3A_43] : memref<327680x128xf32, #tpu.memory_space<hbm>> -> memref<128x128xf32, #tpu.memory_space<hbm>>
      tpu.wait_dma2 semaphore(%arg13 : memref<!tpu.dma_semaphore, #tpu.memory_space<semaphore_mem>>) src(%arg10 : memref<128x128xf32, #tpu.memory_space<vmem>>) dst(%dma_wait3A_44 : memref<128x128xf32, #tpu.memory_space<hbm>>)
    } else {
    }
    return
  }
}

#map = affine_map<(d0, d1) -> (0, 0)>
#map1 = affine_map<(d0, d1) -> (0, 0, 0)>
module attributes {stable_mosaic.version = 14 : i64} {
  func.func @k(%arg0: i32, %arg1: i32, %arg2: memref<327680x128xf32, #tpu.memory_space<hbm>>, %arg3: memref<1x327680xi32, #tpu.memory_space<hbm>>, %arg4: memref<10112x128xf32, #tpu.memory_space<hbm>>, %arg5: memref<2x10112x128xf32, #tpu.memory_space<hbm>>, %arg6: memref<10112x128xf32, #tpu.memory_space<vmem_shared>>) attributes {dimension_semantics = [#tpu.dimension_semantics<core_parallel>, #tpu.dimension_semantics<subcore_parallel>], iteration_bounds = array<i64: 2, 16>, scalar_prefetch = 0 : i64, scratch_operands = 1 : i64, tpu.core_type = #tpu.core_type<sc_vector_subcore>, window_params = [{transform_indices = #map}, {transform_indices = #map}, {transform_indices = #map}, {transform_indices = #map1}]} {
    %mul3A = arith.constant 632 : i32
    %mul3A_0 = arith.muli %arg1, %mul3A : i32
    %mul3A_1 = arith.constant 632 : i32
    %mul3A_2 = arith.muli %arg1, %mul3A_1 : i32
    "tpu.region"() ({
      %run_scoped3A = tpu.sem_alloc : memref<!tpu.dma_semaphore, #tpu.memory_space<semaphore_mem>>
      %dma_start3A = arith.constant 0 : i32
      %dma_start3A_10 = tpu.memref_slice %arg6[%mul3A_2, %dma_start3A] : memref<10112x128xf32, #tpu.memory_space<vmem_shared>> -> memref<632x128xf32, #tpu.memory_space<vmem_shared>>
      %dma_start3A_11 = arith.constant 0 : i32
      %dma_start3A_12 = tpu.memref_slice %arg4[%mul3A_0, %dma_start3A_11] : memref<10112x128xf32, #tpu.memory_space<hbm>> -> memref<632x128xf32, #tpu.memory_space<hbm>>
      tpu.enqueue_dma source(%dma_start3A_12 : memref<632x128xf32, #tpu.memory_space<hbm>>) target(%dma_start3A_10 : memref<632x128xf32, #tpu.memory_space<vmem_shared>>) target_semaphore(%run_scoped3A : memref<!tpu.dma_semaphore, #tpu.memory_space<semaphore_mem>>)
      %dma_wait3A = arith.constant 0 : i32
      %dma_wait3A_13 = tpu.memref_slice %arg6[%mul3A_2, %dma_wait3A] : memref<10112x128xf32, #tpu.memory_space<vmem_shared>> -> memref<632x128xf32, #tpu.memory_space<vmem_shared>>
      %dma_wait3A_14 = arith.constant 0 : i32
      %dma_wait3A_15 = tpu.memref_slice %arg4[%mul3A_0, %dma_wait3A_14] : memref<10112x128xf32, #tpu.memory_space<hbm>> -> memref<632x128xf32, #tpu.memory_space<hbm>>
      tpu.wait_dma2 semaphore(%run_scoped3A : memref<!tpu.dma_semaphore, #tpu.memory_space<semaphore_mem>>) src(%dma_wait3A_15 : memref<632x128xf32, #tpu.memory_space<hbm>>) dst(%dma_wait3A_13 : memref<632x128xf32, #tpu.memory_space<vmem_shared>>)
      tpu.yield
    }) : () -> ()
    %barrier3A = arith.constant 0 : index
    tpu.barrier barrier_id(%barrier3A)
    %mul3A_3 = arith.constant 80 : i32
    %mul3A_4 = arith.muli %arg1, %mul3A_3 : i32
    "tpu.region"() ({
      %run_scoped3A = memref.alloca() : memref<2x128x128xf32, #tpu.memory_space<vmem>>
      %run_scoped3A_10 = tpu.sem_alloc : memref<2x!tpu.dma_semaphore, #tpu.memory_space<semaphore_mem>>
      %run_scoped3A_11 = memref.alloca() : memref<2x1x128xi32, #tpu.memory_space<vmem>>
      %run_scoped3A_12 = tpu.sem_alloc : memref<2x!tpu.dma_semaphore, #tpu.memory_space<semaphore_mem>>
      %add3A = arith.constant 0 : i32
      %add3A_13 = arith.addi %add3A, %mul3A_4 : i32
      %select_n3A = arith.constant true
      %select_n3A_14 = arith.constant 0 : i32
      %select_n3A_15 = arith.constant -1 : i32
      %select_n3A_16 = arith.select %select_n3A, %select_n3A_15, %select_n3A_14 : i32
      %eq3A = arith.constant -1 : i32
      %eq3A_17 = arith.cmpi eq, %select_n3A_16, %eq3A : i32
      %select_n3A_18 = arith.constant 79 : i32
      %select_n3A_19 = arith.select %eq3A_17, %select_n3A_18, %select_n3A_16 : i32
      %add3A_20 = arith.addi %select_n3A_19, %mul3A_4 : i32
      %select_n3A_21 = arith.constant true
      %select_n3A_22 = arith.constant 0 : i32
      %select_n3A_23 = arith.constant 1 : i32
      %select_n3A_24 = arith.select %select_n3A_21, %select_n3A_23, %select_n3A_22 : i32
      %eq3A_25 = arith.constant 80 : i32
      %eq3A_26 = arith.cmpi eq, %select_n3A_24, %eq3A_25 : i32
      %select_n3A_27 = arith.constant 0 : i32
      %select_n3A_28 = arith.select %eq3A_26, %select_n3A_27, %select_n3A_24 : i32
      %add3A_29 = arith.addi %select_n3A_28, %mul3A_4 : i32
      %add3A_30 = arith.constant 1 : i32
      %add3A_31 = arith.addi %select_n3A_28, %add3A_30 : i32
      %select_n3A_32 = arith.constant true
      %select_n3A_33 = arith.select %select_n3A_32, %add3A_31, %select_n3A_28 : i32
      %eq3A_34 = arith.constant 80 : i32
      %eq3A_35 = arith.cmpi eq, %select_n3A_33, %eq3A_34 : i32
      %select_n3A_36 = arith.constant 0 : i32
      %select_n3A_37 = arith.select %eq3A_35, %select_n3A_36, %select_n3A_33 : i32
      %add3A_38 = arith.addi %select_n3A_37, %mul3A_4 : i32
      "tpu.trace_start"() <{level = 10 : i32, message = "ep_initialize_0"}> : () -> ()
      %rem3A = arith.constant 0 : i32
      %rem3A_39 = arith.constant 2 : i32
      %rem3A_40 = arith.remui %rem3A, %rem3A_39 : i32
      %mul3A_41 = arith.constant 1280 : i32
      %mul3A_42 = arith.muli %arg0, %mul3A_41 : i32
      %add3A_43 = arith.addi %add3A_13, %mul3A_42 : i32
      %mul3A_44 = arith.constant 128 : i32
      %mul3A_45 = arith.muli %mul3A_44, %add3A_43 : i32
      %dma_start3A = arith.constant 0 : i32
      %dma_start3A_46 = arith.constant 0 : i32
      %dma_start3A_47 = tpu.memref_slice %run_scoped3A[%rem3A_40, %dma_start3A, %dma_start3A_46] : memref<2x128x128xf32, #tpu.memory_space<vmem>> -> memref<1x128x128xf32, #tpu.memory_space<vmem>>
      %dma_start3A_48 = tpu.memref_squeeze %dma_start3A_47 : memref<1x128x128xf32, #tpu.memory_space<vmem>> -> memref<128x128xf32, #tpu.memory_space<vmem>>
      %dma_start3A_49 = arith.constant 0 : i32
      %dma_start3A_50 = tpu.memref_slice %arg2[%mul3A_45, %dma_start3A_49] : memref<327680x128xf32, #tpu.memory_space<hbm>> -> memref<128x128xf32, #tpu.memory_space<hbm>>
      %dma_start3A_51 = tpu.memref_slice %run_scoped3A_10[%rem3A_40] : memref<2x!tpu.dma_semaphore, #tpu.memory_space<semaphore_mem>> -> memref<1x!tpu.dma_semaphore, #tpu.memory_space<semaphore_mem>>
      %dma_start3A_52 = tpu.memref_squeeze %dma_start3A_51 : memref<1x!tpu.dma_semaphore, #tpu.memory_space<semaphore_mem>> -> memref<!tpu.dma_semaphore, #tpu.memory_space<semaphore_mem>>
      %dma_start3A_53 = arith.constant 0 : i32
      %dma_start3A_54 = arith.constant 0 : i32
      %dma_start3A_55 = tpu.memref_slice %run_scoped3A[%rem3A_40, %dma_start3A_53, %dma_start3A_54] : memref<2x128x128xf32, #tpu.memory_space<vmem>> -> memref<1x128x128xf32, #tpu.memory_space<vmem>>
      %dma_start3A_56 = tpu.memref_squeeze %dma_start3A_55 : memref<1x128x128xf32, #tpu.memory_space<vmem>> -> memref<128x128xf32, #tpu.memory_space<vmem>>
      %dma_start3A_57 = arith.constant 0 : i32
      %dma_start3A_58 = tpu.memref_slice %arg2[%mul3A_45, %dma_start3A_57] : memref<327680x128xf32, #tpu.memory_space<hbm>> -> memref<128x128xf32, #tpu.memory_space<hbm>>
      tpu.enqueue_dma source(%dma_start3A_58 : memref<128x128xf32, #tpu.memory_space<hbm>>) target(%dma_start3A_56 : memref<128x128xf32, #tpu.memory_space<vmem>>) target_semaphore(%dma_start3A_52 : memref<!tpu.dma_semaphore, #tpu.memory_space<semaphore_mem>>)
      %add3A_59 = arith.constant 0 : i32
      %add3A_60 = arith.constant 1 : i32
      %add3A_61 = arith.addi %add3A_59, %add3A_60 : i32
      %select_n3A_62 = arith.constant true
      %select_n3A_63 = arith.constant 0 : i32
      %select_n3A_64 = arith.select %select_n3A_62, %add3A_61, %select_n3A_63 : i32
      %rem3A_65 = arith.constant 0 : i32
      %rem3A_66 = arith.constant 2 : i32
      %rem3A_67 = arith.remui %rem3A_65, %rem3A_66 : i32
      %mul3A_68 = arith.constant 1280 : i32
      %mul3A_69 = arith.muli %arg0, %mul3A_68 : i32
      %add3A_70 = arith.addi %add3A_13, %mul3A_69 : i32
      %mul3A_71 = arith.constant 128 : i32
      %mul3A_72 = arith.muli %mul3A_71, %add3A_70 : i32
      %dma_start3A_73 = arith.constant 0 : i32
      %dma_start3A_74 = arith.constant 0 : i32
      %dma_start3A_75 = tpu.memref_slice %run_scoped3A_11[%rem3A_67, %dma_start3A_73, %dma_start3A_74] : memref<2x1x128xi32, #tpu.memory_space<vmem>> -> memref<1x1x128xi32, #tpu.memory_space<vmem>>
      %dma_start3A_76 = tpu.memref_squeeze %dma_start3A_75 : memref<1x1x128xi32, #tpu.memory_space<vmem>> -> memref<1x128xi32, #tpu.memory_space<vmem>>
      %dma_start3A_77 = arith.constant 0 : i32
      %dma_start3A_78 = tpu.memref_slice %arg3[%dma_start3A_77, %mul3A_72] : memref<1x327680xi32, #tpu.memory_space<hbm>> -> memref<1x128xi32, #tpu.memory_space<hbm>>
      %dma_start3A_79 = tpu.memref_slice %run_scoped3A_12[%rem3A_67] : memref<2x!tpu.dma_semaphore, #tpu.memory_space<semaphore_mem>> -> memref<1x!tpu.dma_semaphore, #tpu.memory_space<semaphore_mem>>
      %dma_start3A_80 = tpu.memref_squeeze %dma_start3A_79 : memref<1x!tpu.dma_semaphore, #tpu.memory_space<semaphore_mem>> -> memref<!tpu.dma_semaphore, #tpu.memory_space<semaphore_mem>>
      %dma_start3A_81 = arith.constant 0 : i32
      %dma_start3A_82 = arith.constant 0 : i32
      %dma_start3A_83 = tpu.memref_slice %run_scoped3A_11[%rem3A_67, %dma_start3A_81, %dma_start3A_82] : memref<2x1x128xi32, #tpu.memory_space<vmem>> -> memref<1x1x128xi32, #tpu.memory_space<vmem>>
      %dma_start3A_84 = tpu.memref_squeeze %dma_start3A_83 : memref<1x1x128xi32, #tpu.memory_space<vmem>> -> memref<1x128xi32, #tpu.memory_space<vmem>>
      %dma_start3A_85 = arith.constant 0 : i32
      %dma_start3A_86 = tpu.memref_slice %arg3[%dma_start3A_85, %mul3A_72] : memref<1x327680xi32, #tpu.memory_space<hbm>> -> memref<1x128xi32, #tpu.memory_space<hbm>>
      tpu.enqueue_dma source(%dma_start3A_86 : memref<1x128xi32, #tpu.memory_space<hbm>>) target(%dma_start3A_84 : memref<1x128xi32, #tpu.memory_space<vmem>>) target_semaphore(%dma_start3A_80 : memref<!tpu.dma_semaphore, #tpu.memory_space<semaphore_mem>>)
      %add3A_87 = arith.constant 0 : i32
      %add3A_88 = arith.constant 1 : i32
      %add3A_89 = arith.addi %add3A_87, %add3A_88 : i32
      %select_n3A_90 = arith.constant true
      %select_n3A_91 = arith.constant 0 : i32
      %select_n3A_92 = arith.select %select_n3A_90, %add3A_89, %select_n3A_91 : i32
      "tpu.trace_stop"() : () -> ()
      %scan3A = arith.constant 0 : i32
      %scan3A_93 = arith.constant 0 : i32
      %scan3A_94 = arith.constant 0 : i32
      %scan3A_95 = arith.constant 0 : i32
      %scan3A_96 = arith.constant 80 : i32
      %scan3A_97 = arith.addi %scan3A_95, %scan3A_96 : i32
      %scan3A_98 = arith.constant 1 : i32
      %scan3A_99:5 = scf.for %scan3A_136 = %scan3A_95 to %scan3A_97 step %scan3A_98 iter_args(%scan3A_137 = %select_n3A_64, %scan3A_138 = %scan3A, %scan3A_139 = %select_n3A_92, %scan3A_140 = %scan3A_93, %scan3A_141 = %scan3A_94) -> (i32, i32, i32, i32, i32)  : i32 {
        %eq3A_142 = arith.constant 0 : i32
        %eq3A_143 = arith.cmpi eq, %scan3A_136, %eq3A_142 : i32
        %eq3A_144 = arith.constant 79 : i32
        %eq3A_145 = arith.cmpi eq, %scan3A_136, %eq3A_144 : i32
        %add3A_146 = arith.addi %scan3A_141, %mul3A_4 : i32
        %sub3A_147 = arith.constant 1 : i32
        %sub3A_148 = arith.subi %scan3A_141, %sub3A_147 : i32
        %select_n3A_149 = arith.constant true
        %select_n3A_150 = arith.select %select_n3A_149, %sub3A_148, %scan3A_141 : i32
        %eq3A_151 = arith.constant -1 : i32
        %eq3A_152 = arith.cmpi eq, %select_n3A_150, %eq3A_151 : i32
        %select_n3A_153 = arith.constant 79 : i32
        %select_n3A_154 = arith.select %eq3A_152, %select_n3A_153, %select_n3A_150 : i32
        %add3A_155 = arith.addi %select_n3A_154, %mul3A_4 : i32
        %add3A_156 = arith.constant 1 : i32
        %add3A_157 = arith.addi %scan3A_141, %add3A_156 : i32
        %select_n3A_158 = arith.constant true
        %select_n3A_159 = arith.select %select_n3A_158, %add3A_157, %scan3A_141 : i32
        %eq3A_160 = arith.constant 80 : i32
        %eq3A_161 = arith.cmpi eq, %select_n3A_159, %eq3A_160 : i32
        %select_n3A_162 = arith.constant 0 : i32
        %select_n3A_163 = arith.select %eq3A_161, %select_n3A_162, %select_n3A_159 : i32
        %add3A_164 = arith.addi %select_n3A_163, %mul3A_4 : i32
        %add3A_165 = arith.constant 1 : i32
        %add3A_166 = arith.addi %select_n3A_163, %add3A_165 : i32
        %select_n3A_167 = arith.constant true
        %select_n3A_168 = arith.select %select_n3A_167, %add3A_166, %select_n3A_163 : i32
        %eq3A_169 = arith.constant 80 : i32
        %eq3A_170 = arith.cmpi eq, %select_n3A_168, %eq3A_169 : i32
        %select_n3A_171 = arith.constant 0 : i32
        %select_n3A_172 = arith.select %eq3A_170, %select_n3A_171, %select_n3A_168 : i32
        %add3A_173 = arith.addi %select_n3A_172, %mul3A_4 : i32
        %mul3A_174 = arith.constant 1280 : i32
        %mul3A_175 = arith.muli %arg0, %mul3A_174 : i32
        %add3A_176 = arith.addi %add3A_146, %mul3A_175 : i32
        %mul3A_177 = arith.constant 1280 : i32
        %mul3A_178 = arith.muli %arg0, %mul3A_177 : i32
        %add3A_179 = arith.addi %add3A_164, %mul3A_178 : i32
        %ne3A = arith.cmpi ne, %add3A_176, %add3A_179 : i32
        %or3A = arith.constant false
        %or3A_180 = arith.ori %or3A, %ne3A : i1
        %or3A_181 = arith.constant false
        %or3A_182 = arith.ori %or3A_180, %or3A_181 : i1
        %ge3A = arith.constant 79 : i32
        %ge3A_183 = arith.cmpi sge, %scan3A_136, %ge3A : i32
        %not3A = arith.constant true
        %not3A_184 = arith.xori %ge3A_183, %not3A : i1
        %and3A = arith.andi %or3A_182, %not3A_184 : i1
        %convert_element_type3A = arith.extui %and3A : i1 to i32
        %cond3A = arith.constant 0 : i32
        %cond3A_185 = arith.cmpi ne, %convert_element_type3A, %cond3A : i32
        scf.if %cond3A_185 {
          "tpu.trace_start"() <{level = 10 : i32, message = "ep_copy_in"}> : () -> ()
          %rem3A_350 = arith.constant 2 : i32
          %rem3A_351 = arith.remui %scan3A_137, %rem3A_350 : i32
          %mul3A_352 = arith.constant 1280 : i32
          %mul3A_353 = arith.muli %arg0, %mul3A_352 : i32
          %add3A_354 = arith.addi %add3A_164, %mul3A_353 : i32
          %mul3A_355 = arith.constant 128 : i32
          %mul3A_356 = arith.muli %mul3A_355, %add3A_354 : i32
          %dma_start3A_357 = arith.constant 0 : i32
          %dma_start3A_358 = arith.constant 0 : i32
          %dma_start3A_359 = tpu.memref_slice %run_scoped3A[%rem3A_351, %dma_start3A_357, %dma_start3A_358] : memref<2x128x128xf32, #tpu.memory_space<vmem>> -> memref<1x128x128xf32, #tpu.memory_space<vmem>>
          %dma_start3A_360 = tpu.memref_squeeze %dma_start3A_359 : memref<1x128x128xf32, #tpu.memory_space<vmem>> -> memref<128x128xf32, #tpu.memory_space<vmem>>
          %dma_start3A_361 = arith.constant 0 : i32
          %dma_start3A_362 = tpu.memref_slice %arg2[%mul3A_356, %dma_start3A_361] : memref<327680x128xf32, #tpu.memory_space<hbm>> -> memref<128x128xf32, #tpu.memory_space<hbm>>
          %dma_start3A_363 = tpu.memref_slice %run_scoped3A_10[%rem3A_351] : memref<2x!tpu.dma_semaphore, #tpu.memory_space<semaphore_mem>> -> memref<1x!tpu.dma_semaphore, #tpu.memory_space<semaphore_mem>>
          %dma_start3A_364 = tpu.memref_squeeze %dma_start3A_363 : memref<1x!tpu.dma_semaphore, #tpu.memory_space<semaphore_mem>> -> memref<!tpu.dma_semaphore, #tpu.memory_space<semaphore_mem>>
          %dma_start3A_365 = arith.constant 0 : i32
          %dma_start3A_366 = arith.constant 0 : i32
          %dma_start3A_367 = tpu.memref_slice %run_scoped3A[%rem3A_351, %dma_start3A_365, %dma_start3A_366] : memref<2x128x128xf32, #tpu.memory_space<vmem>> -> memref<1x128x128xf32, #tpu.memory_space<vmem>>
          %dma_start3A_368 = tpu.memref_squeeze %dma_start3A_367 : memref<1x128x128xf32, #tpu.memory_space<vmem>> -> memref<128x128xf32, #tpu.memory_space<vmem>>
          %dma_start3A_369 = arith.constant 0 : i32
          %dma_start3A_370 = tpu.memref_slice %arg2[%mul3A_356, %dma_start3A_369] : memref<327680x128xf32, #tpu.memory_space<hbm>> -> memref<128x128xf32, #tpu.memory_space<hbm>>
          tpu.enqueue_dma source(%dma_start3A_370 : memref<128x128xf32, #tpu.memory_space<hbm>>) target(%dma_start3A_368 : memref<128x128xf32, #tpu.memory_space<vmem>>) target_semaphore(%dma_start3A_364 : memref<!tpu.dma_semaphore, #tpu.memory_space<semaphore_mem>>)
          "tpu.trace_stop"() : () -> ()
        } else {
        }
        %and3A_186 = arith.constant true
        %and3A_187 = arith.andi %and3A, %and3A_186 : i1
        %add3A_188 = arith.constant 1 : i32
        %add3A_189 = arith.addi %scan3A_137, %add3A_188 : i32
        %select_n3A_190 = arith.select %and3A_187, %add3A_189, %scan3A_137 : i32
        %mul3A_191 = arith.constant 1280 : i32
        %mul3A_192 = arith.muli %arg0, %mul3A_191 : i32
        %add3A_193 = arith.addi %add3A_146, %mul3A_192 : i32
        %mul3A_194 = arith.constant 1280 : i32
        %mul3A_195 = arith.muli %arg0, %mul3A_194 : i32
        %add3A_196 = arith.addi %add3A_164, %mul3A_195 : i32
        %ne3A_197 = arith.cmpi ne, %add3A_193, %add3A_196 : i32
        %or3A_198 = arith.constant false
        %or3A_199 = arith.ori %or3A_198, %ne3A_197 : i1
        %ge3A_200 = arith.constant 79 : i32
        %ge3A_201 = arith.cmpi sge, %scan3A_136, %ge3A_200 : i32
        %not3A_202 = arith.constant true
        %not3A_203 = arith.xori %ge3A_201, %not3A_202 : i1
        %and3A_204 = arith.andi %or3A_199, %not3A_203 : i1
        %convert_element_type3A_205 = arith.extui %and3A_204 : i1 to i32
        %cond3A_206 = arith.constant 0 : i32
        %cond3A_207 = arith.cmpi ne, %convert_element_type3A_205, %cond3A_206 : i32
        scf.if %cond3A_207 {
          "tpu.trace_start"() <{level = 10 : i32, message = "ep_copy_in"}> : () -> ()
          %rem3A_350 = arith.constant 2 : i32
          %rem3A_351 = arith.remui %scan3A_139, %rem3A_350 : i32
          %mul3A_352 = arith.constant 1280 : i32
          %mul3A_353 = arith.muli %arg0, %mul3A_352 : i32
          %add3A_354 = arith.addi %add3A_164, %mul3A_353 : i32
          %mul3A_355 = arith.constant 128 : i32
          %mul3A_356 = arith.muli %mul3A_355, %add3A_354 : i32
          %dma_start3A_357 = arith.constant 0 : i32
          %dma_start3A_358 = arith.constant 0 : i32
          %dma_start3A_359 = tpu.memref_slice %run_scoped3A_11[%rem3A_351, %dma_start3A_357, %dma_start3A_358] : memref<2x1x128xi32, #tpu.memory_space<vmem>> -> memref<1x1x128xi32, #tpu.memory_space<vmem>>
          %dma_start3A_360 = tpu.memref_squeeze %dma_start3A_359 : memref<1x1x128xi32, #tpu.memory_space<vmem>> -> memref<1x128xi32, #tpu.memory_space<vmem>>
          %dma_start3A_361 = arith.constant 0 : i32
          %dma_start3A_362 = tpu.memref_slice %arg3[%dma_start3A_361, %mul3A_356] : memref<1x327680xi32, #tpu.memory_space<hbm>> -> memref<1x128xi32, #tpu.memory_space<hbm>>
          %dma_start3A_363 = tpu.memref_slice %run_scoped3A_12[%rem3A_351] : memref<2x!tpu.dma_semaphore, #tpu.memory_space<semaphore_mem>> -> memref<1x!tpu.dma_semaphore, #tpu.memory_space<semaphore_mem>>
          %dma_start3A_364 = tpu.memref_squeeze %dma_start3A_363 : memref<1x!tpu.dma_semaphore, #tpu.memory_space<semaphore_mem>> -> memref<!tpu.dma_semaphore, #tpu.memory_space<semaphore_mem>>
          %dma_start3A_365 = arith.constant 0 : i32
          %dma_start3A_366 = arith.constant 0 : i32
          %dma_start3A_367 = tpu.memref_slice %run_scoped3A_11[%rem3A_351, %dma_start3A_365, %dma_start3A_366] : memref<2x1x128xi32, #tpu.memory_space<vmem>> -> memref<1x1x128xi32, #tpu.memory_space<vmem>>
          %dma_start3A_368 = tpu.memref_squeeze %dma_start3A_367 : memref<1x1x128xi32, #tpu.memory_space<vmem>> -> memref<1x128xi32, #tpu.memory_space<vmem>>
          %dma_start3A_369 = arith.constant 0 : i32
          %dma_start3A_370 = tpu.memref_slice %arg3[%dma_start3A_369, %mul3A_356] : memref<1x327680xi32, #tpu.memory_space<hbm>> -> memref<1x128xi32, #tpu.memory_space<hbm>>
          tpu.enqueue_dma source(%dma_start3A_370 : memref<1x128xi32, #tpu.memory_space<hbm>>) target(%dma_start3A_368 : memref<1x128xi32, #tpu.memory_space<vmem>>) target_semaphore(%dma_start3A_364 : memref<!tpu.dma_semaphore, #tpu.memory_space<semaphore_mem>>)
          "tpu.trace_stop"() : () -> ()
        } else {
        }
        %and3A_208 = arith.constant true
        %and3A_209 = arith.andi %and3A_204, %and3A_208 : i1
        %add3A_210 = arith.constant 1 : i32
        %add3A_211 = arith.addi %scan3A_139, %add3A_210 : i32
        %select_n3A_212 = arith.select %and3A_209, %add3A_211, %scan3A_139 : i32
        %mul3A_213 = arith.constant 1280 : i32
        %mul3A_214 = arith.muli %arg0, %mul3A_213 : i32
        %add3A_215 = arith.addi %add3A_146, %mul3A_214 : i32
        %mul3A_216 = arith.constant 1280 : i32
        %mul3A_217 = arith.muli %arg0, %mul3A_216 : i32
        %add3A_218 = arith.addi %add3A_155, %mul3A_217 : i32
        %ne3A_219 = arith.cmpi ne, %add3A_215, %add3A_218 : i32
        %or3A_220 = arith.constant false
        %or3A_221 = arith.ori %or3A_220, %ne3A_219 : i1
        %or3A_222 = arith.constant false
        %or3A_223 = arith.ori %or3A_221, %or3A_222 : i1
        %or3A_224 = arith.ori %or3A_223, %eq3A_143 : i1
        %convert_element_type3A_225 = arith.extui %or3A_224 : i1 to i32
        %cond3A_226 = arith.constant 0 : i32
        %cond3A_227 = arith.cmpi ne, %convert_element_type3A_225, %cond3A_226 : i32
        scf.if %cond3A_227 {
          "tpu.trace_start"() <{level = 10 : i32, message = "ep_wait_in"}> : () -> ()
          %mul3A_350 = arith.constant 1280 : i32
          %mul3A_351 = arith.muli %arg0, %mul3A_350 : i32
          %add3A_352 = arith.addi %add3A_146, %mul3A_351 : i32
          %mul3A_353 = arith.constant 128 : i32
          %mul3A_354 = arith.muli %mul3A_353, %add3A_352 : i32
          %rem3A_355 = arith.constant 2 : i32
          %rem3A_356 = arith.remui %scan3A_138, %rem3A_355 : i32
          %dma_wait3A = arith.constant 0 : i32
          %dma_wait3A_357 = arith.constant 0 : i32
          %dma_wait3A_358 = tpu.memref_slice %run_scoped3A[%rem3A_356, %dma_wait3A, %dma_wait3A_357] : memref<2x128x128xf32, #tpu.memory_space<vmem>> -> memref<1x128x128xf32, #tpu.memory_space<vmem>>
          %dma_wait3A_359 = tpu.memref_squeeze %dma_wait3A_358 : memref<1x128x128xf32, #tpu.memory_space<vmem>> -> memref<128x128xf32, #tpu.memory_space<vmem>>
          %dma_wait3A_360 = arith.constant 0 : i32
          %dma_wait3A_361 = tpu.memref_slice %arg2[%mul3A_354, %dma_wait3A_360] : memref<327680x128xf32, #tpu.memory_space<hbm>> -> memref<128x128xf32, #tpu.memory_space<hbm>>
          %dma_wait3A_362 = tpu.memref_slice %run_scoped3A_10[%rem3A_356] : memref<2x!tpu.dma_semaphore, #tpu.memory_space<semaphore_mem>> -> memref<1x!tpu.dma_semaphore, #tpu.memory_space<semaphore_mem>>
          %dma_wait3A_363 = tpu.memref_squeeze %dma_wait3A_362 : memref<1x!tpu.dma_semaphore, #tpu.memory_space<semaphore_mem>> -> memref<!tpu.dma_semaphore, #tpu.memory_space<semaphore_mem>>
          %dma_wait3A_364 = arith.constant 0 : i32
          %dma_wait3A_365 = arith.constant 0 : i32
          %dma_wait3A_366 = tpu.memref_slice %run_scoped3A[%rem3A_356, %dma_wait3A_364, %dma_wait3A_365] : memref<2x128x128xf32, #tpu.memory_space<vmem>> -> memref<1x128x128xf32, #tpu.memory_space<vmem>>
          %dma_wait3A_367 = tpu.memref_squeeze %dma_wait3A_366 : memref<1x128x128xf32, #tpu.memory_space<vmem>> -> memref<128x128xf32, #tpu.memory_space<vmem>>
          %dma_wait3A_368 = arith.constant 0 : i32
          %dma_wait3A_369 = tpu.memref_slice %arg2[%mul3A_354, %dma_wait3A_368] : memref<327680x128xf32, #tpu.memory_space<hbm>> -> memref<128x128xf32, #tpu.memory_space<hbm>>
          tpu.wait_dma2 semaphore(%dma_wait3A_363 : memref<!tpu.dma_semaphore, #tpu.memory_space<semaphore_mem>>) src(%dma_wait3A_369 : memref<128x128xf32, #tpu.memory_space<hbm>>) dst(%dma_wait3A_367 : memref<128x128xf32, #tpu.memory_space<vmem>>)
          "tpu.trace_stop"() : () -> ()
        } else {
        }
        %mul3A_228 = arith.constant 1280 : i32
        %mul3A_229 = arith.muli %arg0, %mul3A_228 : i32
        %add3A_230 = arith.addi %add3A_146, %mul3A_229 : i32
        %mul3A_231 = arith.constant 1280 : i32
        %mul3A_232 = arith.muli %arg0, %mul3A_231 : i32
        %add3A_233 = arith.addi %add3A_155, %mul3A_232 : i32
        %ne3A_234 = arith.cmpi ne, %add3A_230, %add3A_233 : i32
        %or3A_235 = arith.constant false
        %or3A_236 = arith.ori %or3A_235, %ne3A_234 : i1
        %or3A_237 = arith.ori %or3A_236, %eq3A_143 : i1
        %convert_element_type3A_238 = arith.extui %or3A_237 : i1 to i32
        %cond3A_239 = arith.constant 0 : i32
        %cond3A_240 = arith.cmpi ne, %convert_element_type3A_238, %cond3A_239 : i32
        scf.if %cond3A_240 {
          "tpu.trace_start"() <{level = 10 : i32, message = "ep_wait_in"}> : () -> ()
          %mul3A_350 = arith.constant 1280 : i32
          %mul3A_351 = arith.muli %arg0, %mul3A_350 : i32
          %add3A_352 = arith.addi %add3A_146, %mul3A_351 : i32
          %mul3A_353 = arith.constant 128 : i32
          %mul3A_354 = arith.muli %mul3A_353, %add3A_352 : i32
          %rem3A_355 = arith.constant 2 : i32
          %rem3A_356 = arith.remui %scan3A_140, %rem3A_355 : i32
          %dma_wait3A = arith.constant 0 : i32
          %dma_wait3A_357 = arith.constant 0 : i32
          %dma_wait3A_358 = tpu.memref_slice %run_scoped3A_11[%rem3A_356, %dma_wait3A, %dma_wait3A_357] : memref<2x1x128xi32, #tpu.memory_space<vmem>> -> memref<1x1x128xi32, #tpu.memory_space<vmem>>
          %dma_wait3A_359 = tpu.memref_squeeze %dma_wait3A_358 : memref<1x1x128xi32, #tpu.memory_space<vmem>> -> memref<1x128xi32, #tpu.memory_space<vmem>>
          %dma_wait3A_360 = arith.constant 0 : i32
          %dma_wait3A_361 = tpu.memref_slice %arg3[%dma_wait3A_360, %mul3A_354] : memref<1x327680xi32, #tpu.memory_space<hbm>> -> memref<1x128xi32, #tpu.memory_space<hbm>>
          %dma_wait3A_362 = tpu.memref_slice %run_scoped3A_12[%rem3A_356] : memref<2x!tpu.dma_semaphore, #tpu.memory_space<semaphore_mem>> -> memref<1x!tpu.dma_semaphore, #tpu.memory_space<semaphore_mem>>
          %dma_wait3A_363 = tpu.memref_squeeze %dma_wait3A_362 : memref<1x!tpu.dma_semaphore, #tpu.memory_space<semaphore_mem>> -> memref<!tpu.dma_semaphore, #tpu.memory_space<semaphore_mem>>
          %dma_wait3A_364 = arith.constant 0 : i32
          %dma_wait3A_365 = arith.constant 0 : i32
          %dma_wait3A_366 = tpu.memref_slice %run_scoped3A_11[%rem3A_356, %dma_wait3A_364, %dma_wait3A_365] : memref<2x1x128xi32, #tpu.memory_space<vmem>> -> memref<1x1x128xi32, #tpu.memory_space<vmem>>
          %dma_wait3A_367 = tpu.memref_squeeze %dma_wait3A_366 : memref<1x1x128xi32, #tpu.memory_space<vmem>> -> memref<1x128xi32, #tpu.memory_space<vmem>>
          %dma_wait3A_368 = arith.constant 0 : i32
          %dma_wait3A_369 = tpu.memref_slice %arg3[%dma_wait3A_368, %mul3A_354] : memref<1x327680xi32, #tpu.memory_space<hbm>> -> memref<1x128xi32, #tpu.memory_space<hbm>>
          tpu.wait_dma2 semaphore(%dma_wait3A_363 : memref<!tpu.dma_semaphore, #tpu.memory_space<semaphore_mem>>) src(%dma_wait3A_369 : memref<1x128xi32, #tpu.memory_space<hbm>>) dst(%dma_wait3A_367 : memref<1x128xi32, #tpu.memory_space<vmem>>)
          "tpu.trace_stop"() : () -> ()
        } else {
        }
        %rem3A_241 = arith.constant 2 : i32
        %rem3A_242 = arith.remui %scan3A_138, %rem3A_241 : i32
        %rem3A_243 = arith.constant 2 : i32
        %rem3A_244 = arith.remui %scan3A_140, %rem3A_243 : i32
        %run_scoped3A_245 = arith.constant 0 : i32
        "tpu.trace_start"() <{level = 10 : i32, message = "ep_run_kernel"}> : () -> ()
        "tpu.region"() ({
          %run_scoped3A_350 = tpu.sem_alloc : memref<!tpu.dma_semaphore, #tpu.memory_space<semaphore_mem>>
          %dma_start3A_351 = arith.constant 0 : i32
          %dma_start3A_352 = arith.constant 0 : i32
          %dma_start3A_353 = tpu.memref_slice %run_scoped3A[%rem3A_242, %dma_start3A_351, %dma_start3A_352] : memref<2x128x128xf32, #tpu.memory_space<vmem>> -> memref<1x128x128xf32, #tpu.memory_space<vmem>>
          %dma_start3A_354 = tpu.memref_squeeze %dma_start3A_353 : memref<1x128x128xf32, #tpu.memory_space<vmem>> -> memref<128x128xf32, #tpu.memory_space<vmem>>
          %dma_start3A_355 = arith.constant 0 : i32
          %dma_start3A_356 = arith.constant 0 : i32
          %dma_start3A_357 = tpu.memref_slice %run_scoped3A_11[%rem3A_244, %dma_start3A_355, %dma_start3A_356] : memref<2x1x128xi32, #tpu.memory_space<vmem>> -> memref<1x1x128xi32, #tpu.memory_space<vmem>>
          %dma_start3A_358 = tpu.memref_squeeze %dma_start3A_357 : memref<1x1x128xi32, #tpu.memory_space<vmem>> -> memref<1x128xi32, #tpu.memory_space<vmem>>
          %dma_start3A_359 = arith.constant 0 : i32
          %dma_start3A_360 = tpu.memref_slice %dma_start3A_358[%run_scoped3A_245, %dma_start3A_359] : memref<1x128xi32, #tpu.memory_space<vmem>> -> memref<1x128xi32, #tpu.memory_space<vmem>>
          %dma_start3A_361 = tpu.memref_squeeze %dma_start3A_360 : memref<1x128xi32, #tpu.memory_space<vmem>> -> memref<128xi32, #tpu.memory_space<vmem>>
          %dma_start3A_362 = arith.constant 0 : i32
          %dma_start3A_363 = arith.constant 0 : i32
          %dma_start3A_364 = tpu.memref_slice %arg6[%dma_start3A_362, %dma_start3A_363] : memref<10112x128xf32, #tpu.memory_space<vmem_shared>> -> memref<10112x128xf32, #tpu.memory_space<vmem_shared>>
          tpu.enqueue_indirect_dma source(%dma_start3A_354 : memref<128x128xf32, #tpu.memory_space<vmem>>) target(%dma_start3A_364 : memref<10112x128xf32, #tpu.memory_space<vmem_shared>>) offsets(%dma_start3A_361 : memref<128xi32, #tpu.memory_space<vmem>>) semaphore(%run_scoped3A_350 : memref<!tpu.dma_semaphore, #tpu.memory_space<semaphore_mem>>) {add = true}
          %dma_wait3A = arith.constant 0 : i32
          %dma_wait3A_365 = arith.constant 0 : i32
          %dma_wait3A_366 = tpu.memref_slice %run_scoped3A[%rem3A_242, %dma_wait3A, %dma_wait3A_365] : memref<2x128x128xf32, #tpu.memory_space<vmem>> -> memref<1x128x128xf32, #tpu.memory_space<vmem>>
          %dma_wait3A_367 = tpu.memref_squeeze %dma_wait3A_366 : memref<1x128x128xf32, #tpu.memory_space<vmem>> -> memref<128x128xf32, #tpu.memory_space<vmem>>
          %dma_wait3A_368 = arith.constant 0 : i32
          %dma_wait3A_369 = arith.constant 0 : i32
          %dma_wait3A_370 = tpu.memref_slice %run_scoped3A_11[%rem3A_244, %dma_wait3A_368, %dma_wait3A_369] : memref<2x1x128xi32, #tpu.memory_space<vmem>> -> memref<1x1x128xi32, #tpu.memory_space<vmem>>
          %dma_wait3A_371 = tpu.memref_squeeze %dma_wait3A_370 : memref<1x1x128xi32, #tpu.memory_space<vmem>> -> memref<1x128xi32, #tpu.memory_space<vmem>>
          %dma_wait3A_372 = arith.constant 0 : i32
          %dma_wait3A_373 = tpu.memref_slice %dma_wait3A_371[%run_scoped3A_245, %dma_wait3A_372] : memref<1x128xi32, #tpu.memory_space<vmem>> -> memref<1x128xi32, #tpu.memory_space<vmem>>
          %dma_wait3A_374 = tpu.memref_squeeze %dma_wait3A_373 : memref<1x128xi32, #tpu.memory_space<vmem>> -> memref<128xi32, #tpu.memory_space<vmem>>
          %dma_wait3A_375 = arith.constant 0 : i32
          %dma_wait3A_376 = arith.constant 0 : i32
          %dma_wait3A_377 = tpu.memref_slice %arg6[%dma_wait3A_375, %dma_wait3A_376] : memref<10112x128xf32, #tpu.memory_space<vmem_shared>> -> memref<10112x128xf32, #tpu.memory_space<vmem_shared>>
          tpu.wait_indirect_dma semaphore(%run_scoped3A_350 : memref<!tpu.dma_semaphore, #tpu.memory_space<semaphore_mem>>) src(%dma_wait3A_367 : memref<128x128xf32, #tpu.memory_space<vmem>>) dst(%dma_wait3A_377 : memref<10112x128xf32, #tpu.memory_space<vmem_shared>>)
          tpu.yield
        }) : () -> ()
        "tpu.trace_stop"() : () -> ()
        %mul3A_246 = arith.constant 1280 : i32
        %mul3A_247 = arith.muli %arg0, %mul3A_246 : i32
        %add3A_248 = arith.addi %add3A_146, %mul3A_247 : i32
        %mul3A_249 = arith.constant 1280 : i32
        %mul3A_250 = arith.muli %arg0, %mul3A_249 : i32
        %add3A_251 = arith.addi %add3A_164, %mul3A_250 : i32
        %ne3A_252 = arith.cmpi ne, %add3A_248, %add3A_251 : i32
        %or3A_253 = arith.constant false
        %or3A_254 = arith.ori %or3A_253, %ne3A_252 : i1
        %or3A_255 = arith.constant false
        %or3A_256 = arith.ori %or3A_254, %or3A_255 : i1
        %or3A_257 = arith.ori %or3A_256, %eq3A_145 : i1
        %convert_element_type3A_258 = arith.extui %or3A_257 : i1 to i32
        %cond3A_259 = arith.constant 0 : i32
        %cond3A_260 = arith.cmpi ne, %convert_element_type3A_258, %cond3A_259 : i32
        scf.if %cond3A_260 {
        } else {
        }
        %and3A_261 = arith.constant false
        %and3A_262 = arith.andi %or3A_257, %and3A_261 : i1
        %mul3A_263 = arith.constant 1280 : i32
        %mul3A_264 = arith.muli %arg0, %mul3A_263 : i32
        %add3A_265 = arith.addi %add3A_146, %mul3A_264 : i32
        %mul3A_266 = arith.constant 1280 : i32
        %mul3A_267 = arith.muli %arg0, %mul3A_266 : i32
        %add3A_268 = arith.addi %add3A_164, %mul3A_267 : i32
        %ne3A_269 = arith.cmpi ne, %add3A_265, %add3A_268 : i32
        %or3A_270 = arith.constant false
        %or3A_271 = arith.ori %or3A_270, %ne3A_269 : i1
        %or3A_272 = arith.ori %or3A_271, %eq3A_145 : i1
        %convert_element_type3A_273 = arith.extui %or3A_272 : i1 to i32
        %cond3A_274 = arith.constant 0 : i32
        %cond3A_275 = arith.cmpi ne, %convert_element_type3A_273, %cond3A_274 : i32
        scf.if %cond3A_275 {
        } else {
        }
        %and3A_276 = arith.constant false
        %and3A_277 = arith.andi %or3A_272, %and3A_276 : i1
        %mul3A_278 = arith.constant 1280 : i32
        %mul3A_279 = arith.muli %arg0, %mul3A_278 : i32
        %add3A_280 = arith.addi %add3A_146, %mul3A_279 : i32
        %mul3A_281 = arith.constant 1280 : i32
        %mul3A_282 = arith.muli %arg0, %mul3A_281 : i32
        %add3A_283 = arith.addi %add3A_155, %mul3A_282 : i32
        %ne3A_284 = arith.cmpi ne, %add3A_280, %add3A_283 : i32
        %or3A_285 = arith.constant false
        %or3A_286 = arith.ori %or3A_285, %ne3A_284 : i1
        %or3A_287 = arith.constant false
        %or3A_288 = arith.ori %or3A_286, %or3A_287 : i1
        %not3A_289 = arith.constant true
        %not3A_290 = arith.xori %eq3A_143, %not3A_289 : i1
        %and3A_291 = arith.andi %or3A_288, %not3A_290 : i1
        %convert_element_type3A_292 = arith.extui %and3A_291 : i1 to i32
        %cond3A_293 = arith.constant 0 : i32
        %cond3A_294 = arith.cmpi ne, %convert_element_type3A_292, %cond3A_293 : i32
        scf.if %cond3A_294 {
        } else {
        }
        %and3A_295 = arith.constant false
        %and3A_296 = arith.andi %and3A_291, %and3A_295 : i1
        %mul3A_297 = arith.constant 1280 : i32
        %mul3A_298 = arith.muli %arg0, %mul3A_297 : i32
        %add3A_299 = arith.addi %add3A_146, %mul3A_298 : i32
        %mul3A_300 = arith.constant 1280 : i32
        %mul3A_301 = arith.muli %arg0, %mul3A_300 : i32
        %add3A_302 = arith.addi %add3A_155, %mul3A_301 : i32
        %ne3A_303 = arith.cmpi ne, %add3A_299, %add3A_302 : i32
        %or3A_304 = arith.constant false
        %or3A_305 = arith.ori %or3A_304, %ne3A_303 : i1
        %not3A_306 = arith.constant true
        %not3A_307 = arith.xori %eq3A_143, %not3A_306 : i1
        %and3A_308 = arith.andi %or3A_305, %not3A_307 : i1
        %convert_element_type3A_309 = arith.extui %and3A_308 : i1 to i32
        %cond3A_310 = arith.constant 0 : i32
        %cond3A_311 = arith.cmpi ne, %convert_element_type3A_309, %cond3A_310 : i32
        scf.if %cond3A_311 {
        } else {
        }
        %and3A_312 = arith.constant false
        %and3A_313 = arith.andi %and3A_308, %and3A_312 : i1
        %mul3A_314 = arith.constant 1280 : i32
        %mul3A_315 = arith.muli %arg0, %mul3A_314 : i32
        %add3A_316 = arith.addi %add3A_146, %mul3A_315 : i32
        %mul3A_317 = arith.constant 1280 : i32
        %mul3A_318 = arith.muli %arg0, %mul3A_317 : i32
        %add3A_319 = arith.addi %add3A_164, %mul3A_318 : i32
        %ne3A_320 = arith.cmpi ne, %add3A_316, %add3A_319 : i32
        %or3A_321 = arith.constant false
        %or3A_322 = arith.ori %or3A_321, %ne3A_320 : i1
        %or3A_323 = arith.constant false
        %or3A_324 = arith.ori %or3A_322, %or3A_323 : i1
        %or3A_325 = arith.ori %or3A_324, %eq3A_145 : i1
        %add3A_326 = arith.constant 1 : i32
        %add3A_327 = arith.addi %scan3A_138, %add3A_326 : i32
        %select_n3A_328 = arith.select %or3A_325, %add3A_327, %scan3A_138 : i32
        %mul3A_329 = arith.constant 1280 : i32
        %mul3A_330 = arith.muli %arg0, %mul3A_329 : i32
        %add3A_331 = arith.addi %add3A_146, %mul3A_330 : i32
        %mul3A_332 = arith.constant 1280 : i32
        %mul3A_333 = arith.muli %arg0, %mul3A_332 : i32
        %add3A_334 = arith.addi %add3A_164, %mul3A_333 : i32
        %ne3A_335 = arith.cmpi ne, %add3A_331, %add3A_334 : i32
        %or3A_336 = arith.constant false
        %or3A_337 = arith.ori %or3A_336, %ne3A_335 : i1
        %or3A_338 = arith.ori %or3A_337, %eq3A_145 : i1
        %add3A_339 = arith.constant 1 : i32
        %add3A_340 = arith.addi %scan3A_140, %add3A_339 : i32
        %select_n3A_341 = arith.select %or3A_338, %add3A_340, %scan3A_140 : i32
        %add3A_342 = arith.constant 1 : i32
        %add3A_343 = arith.addi %scan3A_141, %add3A_342 : i32
        %select_n3A_344 = arith.constant true
        %select_n3A_345 = arith.select %select_n3A_344, %add3A_343, %scan3A_141 : i32
        %eq3A_346 = arith.constant 80 : i32
        %eq3A_347 = arith.cmpi eq, %select_n3A_345, %eq3A_346 : i32
        %select_n3A_348 = arith.constant 0 : i32
        %select_n3A_349 = arith.select %eq3A_347, %select_n3A_348, %select_n3A_345 : i32
        scf.yield %select_n3A_190, %select_n3A_328, %select_n3A_212, %select_n3A_341, %select_n3A_349 : i32, i32, i32, i32, i32
      }
      %scan3A_100 = arith.constant 80 : i32
      %sub3A = arith.constant 1 : i32
      %sub3A_101 = arith.subi %scan3A_99#4, %sub3A : i32
      %select_n3A_102 = arith.constant true
      %select_n3A_103 = arith.select %select_n3A_102, %sub3A_101, %scan3A_99#4 : i32
      %eq3A_104 = arith.constant -1 : i32
      %eq3A_105 = arith.cmpi eq, %select_n3A_103, %eq3A_104 : i32
      %select_n3A_106 = arith.constant 79 : i32
      %select_n3A_107 = arith.select %eq3A_105, %select_n3A_106, %select_n3A_103 : i32
      %add3A_108 = arith.addi %select_n3A_107, %mul3A_4 : i32
      %sub3A_109 = arith.constant 1 : i32
      %sub3A_110 = arith.subi %select_n3A_107, %sub3A_109 : i32
      %select_n3A_111 = arith.constant true
      %select_n3A_112 = arith.select %select_n3A_111, %sub3A_110, %select_n3A_107 : i32
      %eq3A_113 = arith.constant -1 : i32
      %eq3A_114 = arith.cmpi eq, %select_n3A_112, %eq3A_113 : i32
      %select_n3A_115 = arith.constant 79 : i32
      %select_n3A_116 = arith.select %eq3A_114, %select_n3A_115, %select_n3A_112 : i32
      %add3A_117 = arith.addi %select_n3A_116, %mul3A_4 : i32
      %add3A_118 = arith.constant 1 : i32
      %add3A_119 = arith.addi %select_n3A_107, %add3A_118 : i32
      %select_n3A_120 = arith.constant true
      %select_n3A_121 = arith.select %select_n3A_120, %add3A_119, %select_n3A_107 : i32
      %eq3A_122 = arith.constant 80 : i32
      %eq3A_123 = arith.cmpi eq, %select_n3A_121, %eq3A_122 : i32
      %select_n3A_124 = arith.constant 0 : i32
      %select_n3A_125 = arith.select %eq3A_123, %select_n3A_124, %select_n3A_121 : i32
      %add3A_126 = arith.addi %select_n3A_125, %mul3A_4 : i32
      %add3A_127 = arith.constant 1 : i32
      %add3A_128 = arith.addi %select_n3A_125, %add3A_127 : i32
      %select_n3A_129 = arith.constant true
      %select_n3A_130 = arith.select %select_n3A_129, %add3A_128, %select_n3A_125 : i32
      %eq3A_131 = arith.constant 80 : i32
      %eq3A_132 = arith.cmpi eq, %select_n3A_130, %eq3A_131 : i32
      %select_n3A_133 = arith.constant 0 : i32
      %select_n3A_134 = arith.select %eq3A_132, %select_n3A_133, %select_n3A_130 : i32
      %add3A_135 = arith.addi %select_n3A_134, %mul3A_4 : i32
      tpu.yield
    }) : () -> ()
    %barrier3A_5 = arith.constant 0 : index
    tpu.barrier barrier_id(%barrier3A_5)
    %mul3A_6 = arith.constant 632 : i32
    %mul3A_7 = arith.muli %arg1, %mul3A_6 : i32
    %mul3A_8 = arith.constant 632 : i32
    %mul3A_9 = arith.muli %arg1, %mul3A_8 : i32
    "tpu.region"() ({
      %run_scoped3A = tpu.sem_alloc : memref<!tpu.dma_semaphore, #tpu.memory_space<semaphore_mem>>
      %dma_start3A = arith.constant 0 : i32
      %dma_start3A_10 = tpu.memref_slice %arg5[%arg0, %mul3A_9, %dma_start3A] : memref<2x10112x128xf32, #tpu.memory_space<hbm>> -> memref<1x632x128xf32, #tpu.memory_space<hbm>>
      %dma_start3A_11 = tpu.memref_squeeze %dma_start3A_10 : memref<1x632x128xf32, #tpu.memory_space<hbm>> -> memref<632x128xf32, #tpu.memory_space<hbm>>
      %dma_start3A_12 = arith.constant 0 : i32
      %dma_start3A_13 = tpu.memref_slice %arg6[%mul3A_7, %dma_start3A_12] : memref<10112x128xf32, #tpu.memory_space<vmem_shared>> -> memref<632x128xf32, #tpu.memory_space<vmem_shared>>
      tpu.enqueue_dma source(%dma_start3A_13 : memref<632x128xf32, #tpu.memory_space<vmem_shared>>) target(%dma_start3A_11 : memref<632x128xf32, #tpu.memory_space<hbm>>) target_semaphore(%run_scoped3A : memref<!tpu.dma_semaphore, #tpu.memory_space<semaphore_mem>>)
      %dma_wait3A = arith.constant 0 : i32
      %dma_wait3A_14 = tpu.memref_slice %arg5[%arg0, %mul3A_9, %dma_wait3A] : memref<2x10112x128xf32, #tpu.memory_space<hbm>> -> memref<1x632x128xf32, #tpu.memory_space<hbm>>
      %dma_wait3A_15 = tpu.memref_squeeze %dma_wait3A_14 : memref<1x632x128xf32, #tpu.memory_space<hbm>> -> memref<632x128xf32, #tpu.memory_space<hbm>>
      %dma_wait3A_16 = arith.constant 0 : i32
      %dma_wait3A_17 = tpu.memref_slice %arg6[%mul3A_7, %dma_wait3A_16] : memref<10112x128xf32, #tpu.memory_space<vmem_shared>> -> memref<632x128xf32, #tpu.memory_space<vmem_shared>>
      tpu.wait_dma2 semaphore(%run_scoped3A : memref<!tpu.dma_semaphore, #tpu.memory_space<semaphore_mem>>) src(%dma_wait3A_17 : memref<632x128xf32, #tpu.memory_space<vmem_shared>>) dst(%dma_wait3A_15 : memref<632x128xf32, #tpu.memory_space<hbm>>)
      tpu.yield
    }) : () -> ()
    return
  }
}

module attributes {stable_mosaic.version = 14 : i64} {
  func.func @body(%arg0: i32, %arg1: memref<512x128xf32, #tpu.memory_space<vmem>>, %arg2: memref<512x16xf32, #tpu.memory_space<vmem>>, %arg3: memref<128x2048xbf16, #tpu.memory_space<vmem>>, %arg4: memref<128x128xbf16, #tpu.memory_space<vmem>>, %arg5: memref<512x128xf32, #tpu.memory_space<vmem>>) attributes {dimension_semantics = [#tpu.dimension_semantics<arbitrary>], iteration_bounds = array<i64: 640>, scalar_prefetch = 0 : i64, scratch_operands = 0 : i64, tpu.core_type = #tpu.core_type<tc>, window_params = [{transform_indices = @transform_0, window_bounds = array<i64: 512, 128>}, {transform_indices = @transform_1, window_bounds = array<i64: 512, 16>}, {pipeline_mode = #tpu.pipeline_mode<synchronous>, transform_indices = @transform_2, window_bounds = array<i64: 128, 2048>}, {pipeline_mode = #tpu.pipeline_mode<synchronous>, transform_indices = @transform_3, window_bounds = array<i64: 128, 128>}, {transform_indices = @transform_4, window_bounds = array<i64: 512, 128>}]} {
    %get3A = arith.constant 0 : index
    %get3A_0 = arith.constant 0 : index
    %get3A_1 = vector.load %arg1[%get3A, %get3A_0] : memref<512x128xf32, #tpu.memory_space<vmem>>, vector<512x128xf32>
    %convert_element_type3A = arith.truncf %get3A_1 : vector<512x128xf32> to vector<512x128xbf16>
    %broadcast_in_dim3A = arith.constant 0.000000e+00 : f32
    %broadcast_in_dim3A_2 = vector.broadcast %broadcast_in_dim3A : f32 to vector<512x128xf32>
    %get3A_3 = arith.constant 0 : index
    %get3A_4 = arith.constant 0 : index
    %get3A_5 = vector.load %arg3[%get3A_3, %get3A_4] : memref<128x2048xbf16, #tpu.memory_space<vmem>>, vector<128x128xbf16>
    %dot_general3A = arith.constant dense<0.000000e+00> : vector<512x128xf32>
    %dot_general3A_6 = tpu.matmul %convert_element_type3A, %get3A_5, %dot_general3A {dimension_numbers = #tpu.dot_dimension_numbers<[1], [0], [0], [1], [0, 0, 1, 1], [], []>, transpose_lhs_hint = false} : vector<512x128xbf16>, vector<128x128xbf16>, vector<512x128xf32> -> vector<512x128xf32>
    %tanh3A = math.tanh %dot_general3A_6 : vector<512x128xf32>
    %get3A_7 = arith.constant 0 : index
    %get3A_8 = arith.constant 0 : index
    %get3A_9 = vector.load %arg2[%get3A_7, %get3A_8] : memref<512x16xf32, #tpu.memory_space<vmem>>, vector<512x1xf32>
    %mul3A = vector.broadcast %get3A_9 : vector<512x1xf32> to vector<512x128xf32>
    %mul3A_10 = arith.mulf %tanh3A, %mul3A : vector<512x128xf32>
    %add3A = arith.addf %broadcast_in_dim3A_2, %mul3A_10 : vector<512x128xf32>
    %get3A_11 = arith.constant 0 : index
    %get3A_12 = arith.constant 128 : index
    %get3A_13 = vector.load %arg3[%get3A_11, %get3A_12] : memref<128x2048xbf16, #tpu.memory_space<vmem>>, vector<128x128xbf16>
    %dot_general3A_14 = arith.constant dense<0.000000e+00> : vector<512x128xf32>
    %dot_general3A_15 = tpu.matmul %convert_element_type3A, %get3A_13, %dot_general3A_14 {dimension_numbers = #tpu.dot_dimension_numbers<[1], [0], [0], [1], [0, 0, 1, 1], [], []>, transpose_lhs_hint = false} : vector<512x128xbf16>, vector<128x128xbf16>, vector<512x128xf32> -> vector<512x128xf32>
    %tanh3A_16 = math.tanh %dot_general3A_15 : vector<512x128xf32>
    %get3A_17 = arith.constant 0 : index
    %get3A_18 = arith.constant 1 : index
    %get3A_19 = vector.load %arg2[%get3A_17, %get3A_18] : memref<512x16xf32, #tpu.memory_space<vmem>>, vector<512x1xf32>
    %mul3A_20 = vector.broadcast %get3A_19 : vector<512x1xf32> to vector<512x128xf32>
    %mul3A_21 = arith.mulf %tanh3A_16, %mul3A_20 : vector<512x128xf32>
    %add3A_22 = arith.addf %add3A, %mul3A_21 : vector<512x128xf32>
    %get3A_23 = arith.constant 0 : index
    %get3A_24 = arith.constant 256 : index
    %get3A_25 = vector.load %arg3[%get3A_23, %get3A_24] : memref<128x2048xbf16, #tpu.memory_space<vmem>>, vector<128x128xbf16>
    %dot_general3A_26 = arith.constant dense<0.000000e+00> : vector<512x128xf32>
    %dot_general3A_27 = tpu.matmul %convert_element_type3A, %get3A_25, %dot_general3A_26 {dimension_numbers = #tpu.dot_dimension_numbers<[1], [0], [0], [1], [0, 0, 1, 1], [], []>, transpose_lhs_hint = false} : vector<512x128xbf16>, vector<128x128xbf16>, vector<512x128xf32> -> vector<512x128xf32>
    %tanh3A_28 = math.tanh %dot_general3A_27 : vector<512x128xf32>
    %get3A_29 = arith.constant 0 : index
    %get3A_30 = arith.constant 2 : index
    %get3A_31 = vector.load %arg2[%get3A_29, %get3A_30] : memref<512x16xf32, #tpu.memory_space<vmem>>, vector<512x1xf32>
    %mul3A_32 = vector.broadcast %get3A_31 : vector<512x1xf32> to vector<512x128xf32>
    %mul3A_33 = arith.mulf %tanh3A_28, %mul3A_32 : vector<512x128xf32>
    %add3A_34 = arith.addf %add3A_22, %mul3A_33 : vector<512x128xf32>
    %get3A_35 = arith.constant 0 : index
    %get3A_36 = arith.constant 384 : index
    %get3A_37 = vector.load %arg3[%get3A_35, %get3A_36] : memref<128x2048xbf16, #tpu.memory_space<vmem>>, vector<128x128xbf16>
    %dot_general3A_38 = arith.constant dense<0.000000e+00> : vector<512x128xf32>
    %dot_general3A_39 = tpu.matmul %convert_element_type3A, %get3A_37, %dot_general3A_38 {dimension_numbers = #tpu.dot_dimension_numbers<[1], [0], [0], [1], [0, 0, 1, 1], [], []>, transpose_lhs_hint = false} : vector<512x128xbf16>, vector<128x128xbf16>, vector<512x128xf32> -> vector<512x128xf32>
    %tanh3A_40 = math.tanh %dot_general3A_39 : vector<512x128xf32>
    %get3A_41 = arith.constant 0 : index
    %get3A_42 = arith.constant 3 : index
    %get3A_43 = vector.load %arg2[%get3A_41, %get3A_42] : memref<512x16xf32, #tpu.memory_space<vmem>>, vector<512x1xf32>
    %mul3A_44 = vector.broadcast %get3A_43 : vector<512x1xf32> to vector<512x128xf32>
    %mul3A_45 = arith.mulf %tanh3A_40, %mul3A_44 : vector<512x128xf32>
    %add3A_46 = arith.addf %add3A_34, %mul3A_45 : vector<512x128xf32>
    %get3A_47 = arith.constant 0 : index
    %get3A_48 = arith.constant 512 : index
    %get3A_49 = vector.load %arg3[%get3A_47, %get3A_48] : memref<128x2048xbf16, #tpu.memory_space<vmem>>, vector<128x128xbf16>
    %dot_general3A_50 = arith.constant dense<0.000000e+00> : vector<512x128xf32>
    %dot_general3A_51 = tpu.matmul %convert_element_type3A, %get3A_49, %dot_general3A_50 {dimension_numbers = #tpu.dot_dimension_numbers<[1], [0], [0], [1], [0, 0, 1, 1], [], []>, transpose_lhs_hint = false} : vector<512x128xbf16>, vector<128x128xbf16>, vector<512x128xf32> -> vector<512x128xf32>
    %tanh3A_52 = math.tanh %dot_general3A_51 : vector<512x128xf32>
    %get3A_53 = arith.constant 0 : index
    %get3A_54 = arith.constant 4 : index
    %get3A_55 = vector.load %arg2[%get3A_53, %get3A_54] : memref<512x16xf32, #tpu.memory_space<vmem>>, vector<512x1xf32>
    %mul3A_56 = vector.broadcast %get3A_55 : vector<512x1xf32> to vector<512x128xf32>
    %mul3A_57 = arith.mulf %tanh3A_52, %mul3A_56 : vector<512x128xf32>
    %add3A_58 = arith.addf %add3A_46, %mul3A_57 : vector<512x128xf32>
    %get3A_59 = arith.constant 0 : index
    %get3A_60 = arith.constant 640 : index
    %get3A_61 = vector.load %arg3[%get3A_59, %get3A_60] : memref<128x2048xbf16, #tpu.memory_space<vmem>>, vector<128x128xbf16>
    %dot_general3A_62 = arith.constant dense<0.000000e+00> : vector<512x128xf32>
    %dot_general3A_63 = tpu.matmul %convert_element_type3A, %get3A_61, %dot_general3A_62 {dimension_numbers = #tpu.dot_dimension_numbers<[1], [0], [0], [1], [0, 0, 1, 1], [], []>, transpose_lhs_hint = false} : vector<512x128xbf16>, vector<128x128xbf16>, vector<512x128xf32> -> vector<512x128xf32>
    %tanh3A_64 = math.tanh %dot_general3A_63 : vector<512x128xf32>
    %get3A_65 = arith.constant 0 : index
    %get3A_66 = arith.constant 5 : index
    %get3A_67 = vector.load %arg2[%get3A_65, %get3A_66] : memref<512x16xf32, #tpu.memory_space<vmem>>, vector<512x1xf32>
    %mul3A_68 = vector.broadcast %get3A_67 : vector<512x1xf32> to vector<512x128xf32>
    %mul3A_69 = arith.mulf %tanh3A_64, %mul3A_68 : vector<512x128xf32>
    %add3A_70 = arith.addf %add3A_58, %mul3A_69 : vector<512x128xf32>
    %get3A_71 = arith.constant 0 : index
    %get3A_72 = arith.constant 768 : index
    %get3A_73 = vector.load %arg3[%get3A_71, %get3A_72] : memref<128x2048xbf16, #tpu.memory_space<vmem>>, vector<128x128xbf16>
    %dot_general3A_74 = arith.constant dense<0.000000e+00> : vector<512x128xf32>
    %dot_general3A_75 = tpu.matmul %convert_element_type3A, %get3A_73, %dot_general3A_74 {dimension_numbers = #tpu.dot_dimension_numbers<[1], [0], [0], [1], [0, 0, 1, 1], [], []>, transpose_lhs_hint = false} : vector<512x128xbf16>, vector<128x128xbf16>, vector<512x128xf32> -> vector<512x128xf32>
    %tanh3A_76 = math.tanh %dot_general3A_75 : vector<512x128xf32>
    %get3A_77 = arith.constant 0 : index
    %get3A_78 = arith.constant 6 : index
    %get3A_79 = vector.load %arg2[%get3A_77, %get3A_78] : memref<512x16xf32, #tpu.memory_space<vmem>>, vector<512x1xf32>
    %mul3A_80 = vector.broadcast %get3A_79 : vector<512x1xf32> to vector<512x128xf32>
    %mul3A_81 = arith.mulf %tanh3A_76, %mul3A_80 : vector<512x128xf32>
    %add3A_82 = arith.addf %add3A_70, %mul3A_81 : vector<512x128xf32>
    %get3A_83 = arith.constant 0 : index
    %get3A_84 = arith.constant 896 : index
    %get3A_85 = vector.load %arg3[%get3A_83, %get3A_84] : memref<128x2048xbf16, #tpu.memory_space<vmem>>, vector<128x128xbf16>
    %dot_general3A_86 = arith.constant dense<0.000000e+00> : vector<512x128xf32>
    %dot_general3A_87 = tpu.matmul %convert_element_type3A, %get3A_85, %dot_general3A_86 {dimension_numbers = #tpu.dot_dimension_numbers<[1], [0], [0], [1], [0, 0, 1, 1], [], []>, transpose_lhs_hint = false} : vector<512x128xbf16>, vector<128x128xbf16>, vector<512x128xf32> -> vector<512x128xf32>
    %tanh3A_88 = math.tanh %dot_general3A_87 : vector<512x128xf32>
    %get3A_89 = arith.constant 0 : index
    %get3A_90 = arith.constant 7 : index
    %get3A_91 = vector.load %arg2[%get3A_89, %get3A_90] : memref<512x16xf32, #tpu.memory_space<vmem>>, vector<512x1xf32>
    %mul3A_92 = vector.broadcast %get3A_91 : vector<512x1xf32> to vector<512x128xf32>
    %mul3A_93 = arith.mulf %tanh3A_88, %mul3A_92 : vector<512x128xf32>
    %add3A_94 = arith.addf %add3A_82, %mul3A_93 : vector<512x128xf32>
    %get3A_95 = arith.constant 0 : index
    %get3A_96 = arith.constant 1024 : index
    %get3A_97 = vector.load %arg3[%get3A_95, %get3A_96] : memref<128x2048xbf16, #tpu.memory_space<vmem>>, vector<128x128xbf16>
    %dot_general3A_98 = arith.constant dense<0.000000e+00> : vector<512x128xf32>
    %dot_general3A_99 = tpu.matmul %convert_element_type3A, %get3A_97, %dot_general3A_98 {dimension_numbers = #tpu.dot_dimension_numbers<[1], [0], [0], [1], [0, 0, 1, 1], [], []>, transpose_lhs_hint = false} : vector<512x128xbf16>, vector<128x128xbf16>, vector<512x128xf32> -> vector<512x128xf32>
    %tanh3A_100 = math.tanh %dot_general3A_99 : vector<512x128xf32>
    %get3A_101 = arith.constant 0 : index
    %get3A_102 = arith.constant 8 : index
    %get3A_103 = vector.load %arg2[%get3A_101, %get3A_102] : memref<512x16xf32, #tpu.memory_space<vmem>>, vector<512x1xf32>
    %mul3A_104 = vector.broadcast %get3A_103 : vector<512x1xf32> to vector<512x128xf32>
    %mul3A_105 = arith.mulf %tanh3A_100, %mul3A_104 : vector<512x128xf32>
    %add3A_106 = arith.addf %add3A_94, %mul3A_105 : vector<512x128xf32>
    %get3A_107 = arith.constant 0 : index
    %get3A_108 = arith.constant 1152 : index
    %get3A_109 = vector.load %arg3[%get3A_107, %get3A_108] : memref<128x2048xbf16, #tpu.memory_space<vmem>>, vector<128x128xbf16>
    %dot_general3A_110 = arith.constant dense<0.000000e+00> : vector<512x128xf32>
    %dot_general3A_111 = tpu.matmul %convert_element_type3A, %get3A_109, %dot_general3A_110 {dimension_numbers = #tpu.dot_dimension_numbers<[1], [0], [0], [1], [0, 0, 1, 1], [], []>, transpose_lhs_hint = false} : vector<512x128xbf16>, vector<128x128xbf16>, vector<512x128xf32> -> vector<512x128xf32>
    %tanh3A_112 = math.tanh %dot_general3A_111 : vector<512x128xf32>
    %get3A_113 = arith.constant 0 : index
    %get3A_114 = arith.constant 9 : index
    %get3A_115 = vector.load %arg2[%get3A_113, %get3A_114] : memref<512x16xf32, #tpu.memory_space<vmem>>, vector<512x1xf32>
    %mul3A_116 = vector.broadcast %get3A_115 : vector<512x1xf32> to vector<512x128xf32>
    %mul3A_117 = arith.mulf %tanh3A_112, %mul3A_116 : vector<512x128xf32>
    %add3A_118 = arith.addf %add3A_106, %mul3A_117 : vector<512x128xf32>
    %get3A_119 = arith.constant 0 : index
    %get3A_120 = arith.constant 1280 : index
    %get3A_121 = vector.load %arg3[%get3A_119, %get3A_120] : memref<128x2048xbf16, #tpu.memory_space<vmem>>, vector<128x128xbf16>
    %dot_general3A_122 = arith.constant dense<0.000000e+00> : vector<512x128xf32>
    %dot_general3A_123 = tpu.matmul %convert_element_type3A, %get3A_121, %dot_general3A_122 {dimension_numbers = #tpu.dot_dimension_numbers<[1], [0], [0], [1], [0, 0, 1, 1], [], []>, transpose_lhs_hint = false} : vector<512x128xbf16>, vector<128x128xbf16>, vector<512x128xf32> -> vector<512x128xf32>
    %tanh3A_124 = math.tanh %dot_general3A_123 : vector<512x128xf32>
    %get3A_125 = arith.constant 0 : index
    %get3A_126 = arith.constant 10 : index
    %get3A_127 = vector.load %arg2[%get3A_125, %get3A_126] : memref<512x16xf32, #tpu.memory_space<vmem>>, vector<512x1xf32>
    %mul3A_128 = vector.broadcast %get3A_127 : vector<512x1xf32> to vector<512x128xf32>
    %mul3A_129 = arith.mulf %tanh3A_124, %mul3A_128 : vector<512x128xf32>
    %add3A_130 = arith.addf %add3A_118, %mul3A_129 : vector<512x128xf32>
    %get3A_131 = arith.constant 0 : index
    %get3A_132 = arith.constant 1408 : index
    %get3A_133 = vector.load %arg3[%get3A_131, %get3A_132] : memref<128x2048xbf16, #tpu.memory_space<vmem>>, vector<128x128xbf16>
    %dot_general3A_134 = arith.constant dense<0.000000e+00> : vector<512x128xf32>
    %dot_general3A_135 = tpu.matmul %convert_element_type3A, %get3A_133, %dot_general3A_134 {dimension_numbers = #tpu.dot_dimension_numbers<[1], [0], [0], [1], [0, 0, 1, 1], [], []>, transpose_lhs_hint = false} : vector<512x128xbf16>, vector<128x128xbf16>, vector<512x128xf32> -> vector<512x128xf32>
    %tanh3A_136 = math.tanh %dot_general3A_135 : vector<512x128xf32>
    %get3A_137 = arith.constant 0 : index
    %get3A_138 = arith.constant 11 : index
    %get3A_139 = vector.load %arg2[%get3A_137, %get3A_138] : memref<512x16xf32, #tpu.memory_space<vmem>>, vector<512x1xf32>
    %mul3A_140 = vector.broadcast %get3A_139 : vector<512x1xf32> to vector<512x128xf32>
    %mul3A_141 = arith.mulf %tanh3A_136, %mul3A_140 : vector<512x128xf32>
    %add3A_142 = arith.addf %add3A_130, %mul3A_141 : vector<512x128xf32>
    %get3A_143 = arith.constant 0 : index
    %get3A_144 = arith.constant 1536 : index
    %get3A_145 = vector.load %arg3[%get3A_143, %get3A_144] : memref<128x2048xbf16, #tpu.memory_space<vmem>>, vector<128x128xbf16>
    %dot_general3A_146 = arith.constant dense<0.000000e+00> : vector<512x128xf32>
    %dot_general3A_147 = tpu.matmul %convert_element_type3A, %get3A_145, %dot_general3A_146 {dimension_numbers = #tpu.dot_dimension_numbers<[1], [0], [0], [1], [0, 0, 1, 1], [], []>, transpose_lhs_hint = false} : vector<512x128xbf16>, vector<128x128xbf16>, vector<512x128xf32> -> vector<512x128xf32>
    %tanh3A_148 = math.tanh %dot_general3A_147 : vector<512x128xf32>
    %get3A_149 = arith.constant 0 : index
    %get3A_150 = arith.constant 12 : index
    %get3A_151 = vector.load %arg2[%get3A_149, %get3A_150] : memref<512x16xf32, #tpu.memory_space<vmem>>, vector<512x1xf32>
    %mul3A_152 = vector.broadcast %get3A_151 : vector<512x1xf32> to vector<512x128xf32>
    %mul3A_153 = arith.mulf %tanh3A_148, %mul3A_152 : vector<512x128xf32>
    %add3A_154 = arith.addf %add3A_142, %mul3A_153 : vector<512x128xf32>
    %get3A_155 = arith.constant 0 : index
    %get3A_156 = arith.constant 1664 : index
    %get3A_157 = vector.load %arg3[%get3A_155, %get3A_156] : memref<128x2048xbf16, #tpu.memory_space<vmem>>, vector<128x128xbf16>
    %dot_general3A_158 = arith.constant dense<0.000000e+00> : vector<512x128xf32>
    %dot_general3A_159 = tpu.matmul %convert_element_type3A, %get3A_157, %dot_general3A_158 {dimension_numbers = #tpu.dot_dimension_numbers<[1], [0], [0], [1], [0, 0, 1, 1], [], []>, transpose_lhs_hint = false} : vector<512x128xbf16>, vector<128x128xbf16>, vector<512x128xf32> -> vector<512x128xf32>
    %tanh3A_160 = math.tanh %dot_general3A_159 : vector<512x128xf32>
    %get3A_161 = arith.constant 0 : index
    %get3A_162 = arith.constant 13 : index
    %get3A_163 = vector.load %arg2[%get3A_161, %get3A_162] : memref<512x16xf32, #tpu.memory_space<vmem>>, vector<512x1xf32>
    %mul3A_164 = vector.broadcast %get3A_163 : vector<512x1xf32> to vector<512x128xf32>
    %mul3A_165 = arith.mulf %tanh3A_160, %mul3A_164 : vector<512x128xf32>
    %add3A_166 = arith.addf %add3A_154, %mul3A_165 : vector<512x128xf32>
    %get3A_167 = arith.constant 0 : index
    %get3A_168 = arith.constant 1792 : index
    %get3A_169 = vector.load %arg3[%get3A_167, %get3A_168] : memref<128x2048xbf16, #tpu.memory_space<vmem>>, vector<128x128xbf16>
    %dot_general3A_170 = arith.constant dense<0.000000e+00> : vector<512x128xf32>
    %dot_general3A_171 = tpu.matmul %convert_element_type3A, %get3A_169, %dot_general3A_170 {dimension_numbers = #tpu.dot_dimension_numbers<[1], [0], [0], [1], [0, 0, 1, 1], [], []>, transpose_lhs_hint = false} : vector<512x128xbf16>, vector<128x128xbf16>, vector<512x128xf32> -> vector<512x128xf32>
    %tanh3A_172 = math.tanh %dot_general3A_171 : vector<512x128xf32>
    %get3A_173 = arith.constant 0 : index
    %get3A_174 = arith.constant 14 : index
    %get3A_175 = vector.load %arg2[%get3A_173, %get3A_174] : memref<512x16xf32, #tpu.memory_space<vmem>>, vector<512x1xf32>
    %mul3A_176 = vector.broadcast %get3A_175 : vector<512x1xf32> to vector<512x128xf32>
    %mul3A_177 = arith.mulf %tanh3A_172, %mul3A_176 : vector<512x128xf32>
    %add3A_178 = arith.addf %add3A_166, %mul3A_177 : vector<512x128xf32>
    %get3A_179 = arith.constant 0 : index
    %get3A_180 = arith.constant 1920 : index
    %get3A_181 = vector.load %arg3[%get3A_179, %get3A_180] : memref<128x2048xbf16, #tpu.memory_space<vmem>>, vector<128x128xbf16>
    %dot_general3A_182 = arith.constant dense<0.000000e+00> : vector<512x128xf32>
    %dot_general3A_183 = tpu.matmul %convert_element_type3A, %get3A_181, %dot_general3A_182 {dimension_numbers = #tpu.dot_dimension_numbers<[1], [0], [0], [1], [0, 0, 1, 1], [], []>, transpose_lhs_hint = false} : vector<512x128xbf16>, vector<128x128xbf16>, vector<512x128xf32> -> vector<512x128xf32>
    %tanh3A_184 = math.tanh %dot_general3A_183 : vector<512x128xf32>
    %get3A_185 = arith.constant 0 : index
    %get3A_186 = arith.constant 15 : index
    %get3A_187 = vector.load %arg2[%get3A_185, %get3A_186] : memref<512x16xf32, #tpu.memory_space<vmem>>, vector<512x1xf32>
    %mul3A_188 = vector.broadcast %get3A_187 : vector<512x1xf32> to vector<512x128xf32>
    %mul3A_189 = arith.mulf %tanh3A_184, %mul3A_188 : vector<512x128xf32>
    %add3A_190 = arith.addf %add3A_178, %mul3A_189 : vector<512x128xf32>
    %convert_element_type3A_191 = arith.truncf %add3A_190 : vector<512x128xf32> to vector<512x128xbf16>
    %get3A_192 = arith.constant 0 : index
    %get3A_193 = arith.constant 0 : index
    %get3A_194 = vector.load %arg4[%get3A_192, %get3A_193] : memref<128x128xbf16, #tpu.memory_space<vmem>>, vector<128x128xbf16>
    %dot_general3A_195 = arith.constant dense<0.000000e+00> : vector<512x128xf32>
    %dot_general3A_196 = tpu.matmul %convert_element_type3A_191, %get3A_194, %dot_general3A_195 {dimension_numbers = #tpu.dot_dimension_numbers<[1], [0], [0], [1], [0, 0, 1, 1], [], []>, transpose_lhs_hint = false} : vector<512x128xbf16>, vector<128x128xbf16>, vector<512x128xf32> -> vector<512x128xf32>
    %tanh3A_197 = math.tanh %dot_general3A_196 : vector<512x128xf32>
    %swap3A = arith.constant 0 : index
    %swap3A_198 = arith.constant 0 : index
    %swap3A_199 = vector.load %arg5[%swap3A, %swap3A_198] : memref<512x128xf32, #tpu.memory_space<vmem>>, vector<512x128xf32>
    tpu.vector_store %arg5[%swap3A, %swap3A_198], %tanh3A_197 {strides = array<i32>} : memref<512x128xf32, #tpu.memory_space<vmem>>, vector<512x128xf32>,
    return
  }
  func.func @transform_0(%arg0: i32) -> (i32, i32) {
    %c0_i32 = arith.constant 0 : i32
    %c0_i32_0 = arith.constant 0 : i32
    return %arg0, %c0_i32 : i32, i32
  }
  func.func @transform_1(%arg0: i32) -> (i32, i32) {
    %c0_i32 = arith.constant 0 : i32
    %c0_i32_0 = arith.constant 0 : i32
    return %arg0, %c0_i32 : i32, i32
  }
  func.func @transform_2(%arg0: i32) -> (i32, i32) {
    %c0_i32 = arith.constant 0 : i32
    %c0_i32_0 = arith.constant 0 : i32
    %c0_i32_1 = arith.constant 0 : i32
    return %c0_i32, %c0_i32_0 : i32, i32
  }
  func.func @transform_3(%arg0: i32) -> (i32, i32) {
    %c0_i32 = arith.constant 0 : i32
    %c0_i32_0 = arith.constant 0 : i32
    %c0_i32_1 = arith.constant 0 : i32
    return %c0_i32, %c0_i32_0 : i32, i32
  }
  func.func @transform_4(%arg0: i32) -> (i32, i32) {
    %c0_i32 = arith.constant 0 : i32
    %c0_i32_0 = arith.constant 0 : i32
    return %arg0, %c0_i32 : i32, i32
  }
}

module attributes {stable_mosaic.version = 14 : i64} {
  func.func @body(%arg0: i32, %arg1: memref<2x400x128xf32, #tpu.memory_space<vmem>>, %arg2: memref<128x128xf32, #tpu.memory_space<vmem>>, %arg3: memref<1x128xf32, #tpu.memory_space<vmem>>, %arg4: memref<400x128xf32, #tpu.memory_space<vmem>>) attributes {dimension_semantics = [#tpu.dimension_semantics<arbitrary>], iteration_bounds = array<i64: 25>, scalar_prefetch = 0 : i64, scratch_operands = 0 : i64, tpu.core_type = #tpu.core_type<tc>, window_params = [{transform_indices = @transform_0, window_bounds = array<i64: 2, 400, 128>}, {pipeline_mode = #tpu.pipeline_mode<synchronous>, transform_indices = @transform_1, window_bounds = array<i64: 128, 128>}, {pipeline_mode = #tpu.pipeline_mode<synchronous>, transform_indices = @transform_2, window_bounds = array<i64: 1, 128>}, {transform_indices = @transform_3, window_bounds = array<i64: 400, 128>}]} {
    %get3A = arith.constant 0 : index
    %get3A_0 = arith.constant 0 : index
    %get3A_1 = arith.constant 0 : index
    %get3A_2 = vector.load %arg1[%get3A, %get3A_0, %get3A_1] : memref<2x400x128xf32, #tpu.memory_space<vmem>>, vector<1x400x128xf32>
    %get3A_3 = vector.shape_cast %get3A_2 : vector<1x400x128xf32> to vector<400x128xf32>
    %get3A_4 = arith.constant 1 : index
    %get3A_5 = arith.constant 0 : index
    %get3A_6 = arith.constant 0 : index
    %get3A_7 = vector.load %arg1[%get3A_4, %get3A_5, %get3A_6] : memref<2x400x128xf32, #tpu.memory_space<vmem>>, vector<1x400x128xf32>
    %get3A_8 = vector.shape_cast %get3A_7 : vector<1x400x128xf32> to vector<400x128xf32>
    %add3A = arith.addf %get3A_3, %get3A_8 : vector<400x128xf32>
    %get3A_9 = arith.constant 0 : index
    %get3A_10 = arith.constant 0 : index
    %get3A_11 = vector.load %arg2[%get3A_9, %get3A_10] : memref<128x128xf32, #tpu.memory_space<vmem>>, vector<128x128xf32>
    %dot_general3A = arith.constant dense<0.000000e+00> : vector<400x128xf32>
    %dot_general3A_12 = tpu.matmul %add3A, %get3A_11, %dot_general3A {dimension_numbers = #tpu.dot_dimension_numbers<[1], [0], [0], [1], [0, 0, 1, 1], [], []>, transpose_lhs_hint = false} : vector<400x128xf32>, vector<128x128xf32>, vector<400x128xf32> -> vector<400x128xf32>
    %get3A_13 = arith.constant 0 : index
    %get3A_14 = arith.constant 0 : index
    %get3A_15 = vector.load %arg3[%get3A_13, %get3A_14] : memref<1x128xf32, #tpu.memory_space<vmem>>, vector<1x128xf32>
    %add3A_16 = vector.broadcast %get3A_15 : vector<1x128xf32> to vector<400x128xf32>
    %add3A_17 = arith.addf %dot_general3A_12, %add3A_16 : vector<400x128xf32>
    %tanh3A = math.tanh %add3A_17 : vector<400x128xf32>
    %swap3A = arith.constant 0 : index
    %swap3A_18 = arith.constant 0 : index
    %swap3A_19 = vector.load %arg4[%swap3A, %swap3A_18] : memref<400x128xf32, #tpu.memory_space<vmem>>, vector<400x128xf32>
    tpu.vector_store %arg4[%swap3A, %swap3A_18], %tanh3A {strides = array<i32>} : memref<400x128xf32, #tpu.memory_space<vmem>>, vector<400x128xf32>,
    return
  }
  func.func @transform_0(%arg0: i32) -> (i32, i32, i32) {
    %c0_i32 = arith.constant 0 : i32
    %c0_i32_0 = arith.constant 0 : i32
    %c0_i32_1 = arith.constant 0 : i32
    return %c0_i32, %arg0, %c0_i32_0 : i32, i32, i32
  }
  func.func @transform_1(%arg0: i32) -> (i32, i32) {
    %c0_i32 = arith.constant 0 : i32
    %c0_i32_0 = arith.constant 0 : i32
    %c0_i32_1 = arith.constant 0 : i32
    return %c0_i32, %c0_i32_0 : i32, i32
  }
  func.func @transform_2(%arg0: i32) -> (i32, i32) {
    %c0_i32 = arith.constant 0 : i32
    %c0_i32_0 = arith.constant 0 : i32
    %c0_i32_1 = arith.constant 0 : i32
    return %c0_i32, %c0_i32_0 : i32, i32
  }
  func.func @transform_3(%arg0: i32) -> (i32, i32) {
    %c0_i32 = arith.constant 0 : i32
    %c0_i32_0 = arith.constant 0 : i32
    return %arg0, %c0_i32 : i32, i32
  }
}

</mosaic_0001>

<sc_bundles>
// kernel: kernel.6.cloned.1.call-start
scs
__scs_entry_jumppad:
0x0: {  	(pc) =	sbr.rel $0x88, $3  }
0x1: {  	(tag) =	ssettag $0x0;
	lr =	simm.s32 $0x1  }
0x2: {  	[smem:$0x3F99] =	sst lr;
	_ =	strace $0xD0000000  }
0x3: {  	_ = 	snop  }
0x4: {  	_ = 	snop  }
0x5: {  	_ = 	snop  }
0x6: {  	_ = 	snop  }
0x7: {  	_ = 	snop  }
__scs_overlays_trampoline_lowered:
0x8: {  	[smem:$0x3FA8] =	sst s0  }
0x9: {  	[smem:$0x3FA9] =	sst s1  }
0xa: {  	[smem:$0x3FAA] =	sst s2  }
0xb: {  	[smem:$0x3FAB] =	sst s3  }
0xc: {  	[smem:$0x3FAC] =	sst s4  }
0xd: {  	[smem:$0x3FAD] =	sst s5  }
0xe: {  	[smem:$0x3FAE] =	sst s6  }
0xf: {  	[smem:$0x3FAF] =	sst s7  }
0x10: {  	[smem:$0x3FB0] =	sst s8  }
0x11: {  	[smem:$0x3FB1] =	sst s9;
	s0 =	simm.s32 @!p0 $0x0  }
0x12: {  	s1 =	sld [smem:$0x3F97];
	s0 =	simm.s32 @p0 $0x1  }
0x13: {  	[smem:$0x3FB2] =	sst s0;
	s0 =	simm.s32 @!p1 $0x0  }
0x14: {  	s2 =	sld [smem:$0x3F96];
	s0 =	simm.s32 @p1 $0x1  }
0x15: {  	[smem:$0x3FB3] =	sst s0;
	s0 =	simm.s32 @!p2 $0x0  }
0x16: {  	s3 =	sld [smem:$0x3FDB];
	s0 =	simm.s32 @p2 $0x1  }
0x17: {  	s4 =	simm.s32 $0x1BF5;
	[smem:$0x3FB5] =	sst s0  }
0x18: {  	s0 =	sld [smem:$0x3F98];
	_ =	swait.ge [sflag:s4], $0x0  }
0x19: {  	s7 =	sld [smem:$0x3F99]  }
0x1a: {  	s8 =	sadd.s32 $0xFFFFE003, lr  }
0x1b: {  	s9 =	sadd.s32 $0xFFFFFEF7, lr;
	s5 =	simm.s32 $0xFFFFFFFF;
	p2 =	slt.u32 s8, $0xFFFFF086  }
0x1c: {  	p1 =	slt.u32 s9, $0xF7A;
	s5 =	simm.s32 @!p2 $0x0  }
0x1d: {  	s5 =	simm.s32 @p1 $0x1;
	p0 =	seq.s32 s7, s2  }
0x1e: {  	s7 =	smul.u32 @!p0 $0xF7A, s2;
	p2 =	seq.s32 @!p0 s5, $0x0  }
0x1f: {  	s9 =	smul.u32 $0xF7A, s1;
	s8 =	simm.s32 @!p0 $0x1BF5;
	p2 =	por !p2, p0  }
0x20: {  	[sflag:s8] =	ssyncset.s32 @!p0 $0xFFFFF086;
	s6 =	sadd.s32 @!p0 s3, s7;
	s7 =	simm.s32 @!p0 $0x108  }
0x21: {  	s3 =	sadd.s32 s3, s9;
	s6 =	sadd.s32 @!p0 $0x88, s6;
	s7 =	simm.s32 @p2 $0x1082  }
0x22: {  	[simem:s7], [sflag:s8] =	dma.local @!p0 [hbm:s6], $0xF7A  }
0x23: {  	s9 =	sor.u32 $0xD0000000, s2;
	s6 =	simm.s32 $0x108;
	_ =	swait.ge @!p0 [sflag:s8], $0x0  }
0x24: {  	s3 =	sadd.s32 $0x88, s3;
	s6 =	simm.s32 @!p1 $0x1082;
	[sflag:s4] =	ssyncset.s32 $0xFFFFF086  }
0x25: {  	[simem:s6], [sflag:s4] =	dma.local [hbm:s3], $0xF7A  }
0x26: {  	[smem:$0x3F99] =	sst s1;
	(tag) =	ssettag s2;
	_ =	strace s9  }
0x27: {  	s1 =	sld [smem:$0x3FA9]  }
0x28: {  	s2 =	sld [smem:$0x3FAA]  }
0x29: {  	s4 =	sld [smem:$0x3FAC]  }
0x2a: {  	p0 =	seq.s32 s5, $0x0;
	s5 =	sld [smem:$0x3FAD]  }
0x2b: {  	s6 =	sld [smem:$0x3FAE]  }
0x2c: {  	s7 =	sld [smem:$0x3FAF]  }
0x2d: {  	s3 =	simm.s32 $0x108;
	s8 =	sld [smem:$0x3FB0]  }
0x2e: {  	s3 =	simm.s32 @!p0 $0x1082;
	s9 =	sld [smem:$0x3FB1]  }
0x2f: {  	lr =	sadd.s32 s0, s3;
	s0 =	sld [smem:$0x3FA8]  }
0x30: {  	s3 =	sld [smem:$0x3FAB]  }
0x31: {  	[smem:$0x3FB4] =	sst s10  }
0x32: {  	s10 =	sld [smem:$0x3FB2];
	_ =	sdelay $0x3  }
0x33: {  	p0 =	seq.s32 s10, $0x1;
	s10 =	sld [smem:$0x3FB4];
	_ =	sdelay $0x3  }
0x34: {  	[smem:$0x3FB4] =	sst s10  }
0x35: {  	s10 =	sld [smem:$0x3FB3];
	_ =	sdelay $0x3  }
0x36: {  	p1 =	seq.s32 s10, $0x1;
	s10 =	sld [smem:$0x3FB4];
	_ =	sdelay $0x3  }
0x37: {  	[smem:$0x3FB4] =	sst s10  }
0x38: {  	s10 =	sld [smem:$0x3FB5]  }
0x39: {  	_ = 	snop;
	(pc) =	sbr.ind lr, $3  }
0x3a: {  	_ = 	snop  }
0x3b: {  	_ = 	snop  }
0x3c: {  	p2 =	seq.s32 s10, $0x1;
	s10 =	sld [smem:$0x3FB4]  }
0x3d: {  	_ =	shalt  }
0x3e: {  	_ =	shalt  }
0x3f: {  	_ =	shalt  }
0x40: {  	_ =	shalt  }
0x41: {  	_ =	shalt  }
0x42: {  	_ =	shalt  }
0x43: {  	_ =	shalt  }
0x44: {  	_ =	shalt  }
0x45: {  	_ =	shalt  }
0x46: {  	_ =	shalt  }
0x47: {  	_ =	shalt  }
0x48: {  	_ =	shalt  }
0x49: {  	_ =	shalt  }
0x4a: {  	_ =	shalt  }
0x4b: {  	_ =	shalt  }
0x4c: {  	_ =	shalt  }
0x4d: {  	_ =	shalt  }
0x4e: {  	_ =	shalt  }
0x4f: {  	_ =	shalt  }
0x50: {  	_ =	shalt  }
0x51: {  	_ =	shalt  }
0x52: {  	_ =	shalt  }
0x53: {  	_ =	shalt  }
0x54: {  	_ =	shalt  }
0x55: {  	_ =	shalt  }
0x56: {  	_ =	shalt  }
0x57: {  	_ =	shalt  }
0x58: {  	_ =	shalt  }
0x59: {  	_ =	shalt  }
0x5a: {  	_ =	shalt  }
0x5b: {  	_ =	shalt  }
0x5c: {  	_ =	shalt  }
0x5d: {  	_ =	shalt  }
0x5e: {  	_ =	shalt  }
0x5f: {  	_ =	shalt  }
0x60: {  	_ =	shalt  }
0x61: {  	_ =	shalt  }
0x62: {  	_ =	shalt  }
0x63: {  	_ =	shalt  }
0x64: {  	_ =	shalt  }
0x65: {  	_ =	shalt  }
0x66: {  	_ =	shalt  }
0x67: {  	_ =	shalt  }
0x68: {  	_ =	shalt  }
0x69: {  	_ =	shalt  }
0x6a: {  	_ =	shalt  }
0x6b: {  	_ =	shalt  }
0x6c: {  	_ =	shalt  }
0x6d: {  	_ =	shalt  }
0x6e: {  	_ =	shalt  }
0x6f: {  	_ =	shalt  }
0x70: {  	_ =	shalt  }
0x71: {  	_ =	shalt  }
0x72: {  	_ =	shalt  }
0x73: {  	_ =	shalt  }
0x74: {  	_ =	shalt  }
0x75: {  	_ =	shalt  }
0x76: {  	_ =	shalt  }
0x77: {  	_ =	shalt  }
0x78: {  	_ =	shalt  }
0x79: {  	_ =	shalt  }
0x7a: {  	_ =	shalt  }
0x7b: {  	_ =	shalt  }
0x7c: {  	_ =	shalt  }
0x7d: {  	_ =	shalt  }
0x7e: {  	_ =	shalt  }
0x7f: {  	_ =	shalt  }
0x80: {  	_ =	shalt  }
0x81: {  	_ =	shalt  }
0x82: {  	_ =	shalt  }
0x83: {  	_ =	shalt  }
0x84: {  	_ =	shalt  }
0x85: {  	_ =	shalt  }
0x86: {  	_ =	shalt  }
0x87: {  	_ =	shalt  }
.Lfunc_end0:
.L_simem_size_0:
called_computation_lowered:
.L_overlay_start_0:
0x88: {  	s2 =	sld [smem:$0x3FD9]  }
0x89: {  	s3 =	sld [smem:$0x3FFE];
	_ =	sdelay $0x1  }
0x8a: {  	s1 =	srdreg.scid  }
0x8b: {  	s0 =	sand.u32 $0x1, s1  }
0x8c: {  	s14 =	sshll.u32 s0, $0xA;
	s2 =	sadd.s32 s3, s2  }
0x8d: {  	s2 =	sadd.s32 s2, s14  }
0x8e: {  	[smem:$0x3FC0] =	sst s2  }
0x8f: {  	_ = 	snop  }
0x90: {  	s2 =	sld [smem:$0x3FD0];
	_ =	sdelay $0x2  }
0x91: {  	s4 =	simm.s32 $0xA;
	s5 =	simm.s32 $0x10;
	s15 =	sld [smem:$0x3FC9]  }
0x92: {  	[smem:s5], [sflag:s4] =	dma.local [hbm:s2], $0x1  }
0x93: {  	_ =	swait.eq [sflag:s4], $0x1  }
0x94: {  	[sflag:s4] =	ssyncset.done $0x0  }
0x95: {  	[sflag:s4] =	ssyncadd.s32 $0xFFFFFFFF  }
0x96: {  	s16 =	sld [smem:$0x10];
	(tm) =	ssettm $0x1  }
0x97: {  	s17 =	sld [smem:$0x3FFB];
	_ =	sdelay $0x3  }
0x98: {  	_ =	strace s17  }
0x99: {  	s4 =	sld [smem:$0x3FFC];
	_ =	sdelay $0x3  }
0x9a: {  	_ =	strace s4  }
0x9b: {  	s4 =	sld [smem:$0x3FFD];
	_ =	sdelay $0x3  }
0x9c: {  	_ =	strace s4  }
0x9d: {  	_ =	strace $0x8FFFFFFF  }
0x9e: {  	s18 =	sld [smem:$0x3FDB];
	_ =	sdelay $0x1  }
0x9f: {  	s19 =	simm.s32 $_scs_section_size  }
0xa0: {  	s6 =	simm.s32 $_size__tile_overlayer_lowered;
	s7 =	simm.s32 $_tile_overlayer_lowered  }
0xa1: {  	s22 =	simm.s32 $0x1BFF;
	s21 =	sshll.u32 s7, $0x1;
	s4 =	sadd.s32 s19, s18  }
0xa2: {  	s8 =	simm.s32 $0x0;
	s20 =	sshll.u32 s6, $0x1;
	s6 =	sadd.s32 s21, s4  }
0xa3: {  	[timem:s8], [sflag:s22] =	dma.local [hbm:s6], s20  }
0xa4: {  	_ =	swait.ge [sflag:s22], s20  }
0xa5: {  	s5 =	ssub.s32 $0x0, s20;
	[sflag:s22] =	ssyncset.done $0x0  }
0xa6: {  	[sflag:s22] =	ssyncadd.s32 s5;
	_ =	sdelay $0x1  }
0xa7: {  	s23 =	simm.s32 $0x1B8B  }
0xa8: {  	_ =	swait.ge [sflag:s23], $0x1  }
0xa9: {  	[sflag:s23] =	ssyncset.done $0x0  }
0xaa: {  	s25 =	simm.s32 $0x1B8E;
	s24 =	sld [smem:$0x3FFE];
	[sflag:s23] =	ssyncadd.s32 $0xFFFFFFFF  }
0xab: {  	s26 =	simm.s32 $execute0_lowered;
	[smem:$0x3FD2] =	sst s25  }
0xac: {  	s6 =	sshll.u32 s26, $0x1;
	_ =	strace $0x80000046;
	[dreg:$0x1] =	wrdreg $0xFFFFFFFF  }
0xad: {  	s28 =	simm.s32 $_size_execute0_lowered;
	s4 =	sadd.s32 s4, s6;
	[dreg:$0x0] =	wrdreg $0x0  }
0xae: {  	s6 =	sshll.u32 s28, $0x1;
	[dreg:$0x2] =	wrdreg s4  }
0xaf: {  	[dreg:$0x3] =	wrdreg s6  }
0xb0: {  	[dreg:$0x4] =	wrdreg $0xC0  }
0xb1: {  	_ =	task [dreg:s8], $0x5FFFF  }
0xb2: {  	[dreg:$0x1] =	wrdreg $0xFFFFFFFF  }
0xb3: {  	[dreg:$0x0] =	wrdreg $0x60  }
0xb4: {  	[dreg:$0x2] =	wrdreg s15  }
0xb5: {  	[dreg:$0x3] =	wrdreg s24  }
0xb6: {  	[dreg:$0x4] =	wrdreg s16  }
0xb7: {  	[dreg:$0x5] =	wrdreg $0x9  }
0xb8: {  	_ =	task.clear_ibuf [dreg:s8], $0x6FFFF;
	_ =	strace $0x90000046  }
0xb9: {  	s29 =	simm.s32 $0x9;
	_ =	strace $0x80000048  }
0xba: {  	_ =	swait.ge [sflag:s29], $0x1  }
0xbb: {  	[sflag:s29] =	ssyncadd.s32 $0xFFFFFFFF  }
0xbc: {  	_ =	strace $0x90000048  }
0xbd: {  	_ =	sfence  }
0xbe: {  	s30 =	sld [smem:$0x0];
	_ =	sdelay $0x2  }
0xbf: {  	s31 =	sshll.u32 s1, $0xD;
	s1 =	sshrl.u32 s1, $0x2  }
0xc0: {  	s3 =	sand.u32 $0x4000, s31;
	s1 =	sadd.s32 s1, s30  }
0xc1: {  	s0 =	sor.u32 s3, s0;
	s1 =	sshll.u32 s1, $0x11  }
0xc2: {  	s0 =	sor.u32 s1, s0  }
0xc3: {  	s0 =	sadd.s32 $0x8F2B, s0  }
0xc4: {  	[sflag:s0] =	ssyncadd.remote.s32 $0x1  }
0xc5: {  	_ =	sfence.sel $0xFFFF  }
0xc6: {  	[dreg:$0x0] =	wrdreg $0xFFFFFFFF;
	(pc) =	sbr.abs _section_cstart, $3  }
0xc7: {  	[dreg:$0x1] =	wrdreg $0xFFFFFFFF  }
0xc8: {  	_ =	task.clear_ibuf [dreg:s8], $0x2FFFF;
	_ =	strace $0x9FFFFFFF  }
0xc9: {  	(tm) =	ssettm $0x7FFFFFFF  }
tec
execute0_lowered:
.L_overlay_start_1:
0x0: {  	(tag) =	ssettag $0x1  }
0x1: {  	s1 =	rddreg [dreg:$0x0]  }
0x2: {  	s6 =	rddreg [dreg:$0x1]  }
0x3: {  	s8 =	rddreg [dreg:$0x2]  }
0x4: {  	s0 =	rddreg [dreg:$0x3];
	s3 =	srdreg.scid  }
0x5: {  	s2 =	stileid.u32;
	s12 =	simm.s32 $0x4;
	s13 =	simm.s32 $0x4C00  }
0x6: {  	s14 =	simm.s32 $0x80;
	s15 =	simm.s32 $0x9800;
	s16 =	simm.s32 $0x11800  }
0x7: {  	s17 =	simm.s32 $0xD800;
	s18 =	simm.s32 $0x4C80;
	s19 =	simm.s32 $0x15800  }
0x8: {  	s20 =	simm.s32 $0x1;
	s21 =	simm.s32 $0x19800;
	s22 =	simm.s32 $0x2  }
0x9: {  	s23 =	simm.s32 $0x3;
	s24 =	simm.s32 $0x0;
	s5 =	sand.u32 $0x1, s3  }
0xa: {  	s7 =	smul.u32 $0x98, s2;
	s4 =	sshll.u32 s2, $0x3;
	s3 =	simm.s32 $0x0  }
0xb: {  	p0 =	seq.s32 s5, $0x0;
	s4 =	sor.u32 $0x980, s4;
	[smem:$0x7FF] =	sst s3  }
0xc: {  	s31 =	ssub.s32 $0x2, s5;
	s5 =	simm.s32 $0x98;
	s4 =	smov.u32 @p0 s7  }
0xd: {  	_ =	strace $0x80000047;
	s11 =	sshrl.u32 s31, $0x1;
	s9 =	sshll.u32 s4, $0x4  }
0xe: {  	s5 =	simm.s32 @!p0 $0x8;
	s11 =	ssub.s32 s31, s11;
	s10 =	sadd.s32 s9, s6  }
0xf: {  	s6 =	sadd.s32 $0xC000, s6;
	s8 =	sadd.s32 s8, s9;
	s9 =	sshrl.u32 s5, $0x1  }
0x10: {  	s11 =	smax.u32 s11, $0x1;
	s7 =	sadd.s32 $0x1600, s10;
	s10 =	sor.u32 $0x1, s4  }
.LBB2_1:
0x11: {  	[tilespmem:s3], [sflag:$0x4] =	stream.linear.gather [hbm4b:s7+s3], $0x4C00, $0x38;
	[tilespmem:$0x1D800] =	vst v63  }
0x12: {  	_ =	swait.ge [sflag:s12], $0x4C00  }
0x13: {  	[sflag:s12] =	ssyncset.done $0x0  }
0x14: {  	[sflag:s12] =	ssyncadd.s32 $0xFFFFB400  }
0x15: {  	[tilespmem:s13], [sflag:$0x4] =	stream.linear.gather [hbm4b:s8+s3], $0x4C00, $0x38;
	[tilespmem:$0x1D800] =	vst v63  }
0x16: {  	_ =	swait.ge [sflag:s12], $0x4C00  }
0x17: {  	[sflag:s12] =	ssyncset.done $0x0  }
0x18: {  	[sflag:s12] =	ssyncadd.s32 $0xFFFFB400  }
0x19: {  	[tilespmem:s15], [sflag:$0x1] =	stream.indirect.gather [hbm4b:s1+s14], $0x80, s3, s14, $0xb8;
	[tilespmem:$0x1D800] =	vst v63  }
0x1a: {  	_ = 	snop  }
0x1b: {  	[tilespmem:s16], [sflag:$0x1] =	stream.indirect.gather [hbm4b:s1+s14], $0x80, s13, s14, $0xb8;
	[tilespmem:$0x1D800] =	vst v63  }
0x1c: {  	_ = 	snop  }
0x1d: {  	[tilespmem:s17], [sflag:$0x2] =	stream.indirect.gather [hbm4b:s1+s14], $0x80, s14, s14, $0xb8;
	[tilespmem:$0x1D800] =	vst v63  }
0x1e: {  	s25 =	simm.s32 $0x0  }
0x1f: {  	[tilespmem:s19], [sflag:$0x2] =	stream.indirect.gather [hbm4b:s1+s14], $0x80, s18, s14, $0xb8;
	[tilespmem:$0x1D800] =	vst v63  }
.LBB2_2:
0x20: {  	_ =	swait.ge [sflag:s20], $0x4000  }
0x21: {  	[sflag:s20] =	ssyncset.done $0x0  }
0x22: {  	[sflag:s20] =	ssyncadd.s32 $0xFFFFC000  }
0x23: {  	_ =	swait.ge [sflag:s20], $0x4000  }
0x24: {  	p0 =	seq.s32 s25, $0x0;
	[sflag:s20] =	ssyncset.done $0x0  }
0x25: {  	s26 =	simm.s32 @!p0 $0x3;
	[sflag:s20] =	ssyncadd.s32 $0xFFFFC000  }
0x26: {  	_ =	swait.ge @!p0 [sflag:s26], $0x4000  }
0x27: {  	[sflag:s26] =	ssyncset.done @!p0 $0x0  }
0x28: {  	s28 =	simm.s32 $0x0;
	[sflag:s26] =	ssyncadd.s32 @!p0 $0xFFFFC000  }
0x29: {  	v0 =	vld [tilespmem:s28+$0x9870]  }
0x2a: {  	v1 =	vld [tilespmem:s28+$0x11870]  }
0x2b: {  	v2 =	vld [tilespmem:s28+$0x9800]  }
0x2c: {  	v3 =	vld [tilespmem:s28+$0x11800]  }
0x2d: {  	v4 =	vld [tilespmem:s28+$0x9810]  }
0x2e: {  	v5 =	vld [tilespmem:s28+$0x11810]  }
0x2f: {  	v6 =	vld [tilespmem:s28+$0x9820]  }
0x30: {  	v7 =	vld [tilespmem:s28+$0x9830]  }
0x31: {  	v0 =	vadd.f32 v1, v0;
	v1 =	vld [tilespmem:s28+$0x11820]  }
0x32: {  	v8 =	vld [tilespmem:s28+$0x11830]  }
0x33: {  	v9 =	vld [tilespmem:s28+$0x11840];
	v2 =	vadd.f32 v3, v2  }
0x34: {  	[tilespmem:s28+$0x19870] =	vst v0;
	v0 =	vadd.f32 v5, v4;
	v5 =	vld [tilespmem:s28+$0x9840]  }
0x35: {  	v3 =	vld [tilespmem:s28+$0x11850];
	[tilespmem:s28+$0x19800] =	vst v2  }
0x36: {  	v2 =	vld [tilespmem:s28+$0x9850];
	[tilespmem:s28+$0x19810] =	vst v0;
	v0 =	vadd.f32 v1, v6  }
0x37: {  	v4 =	vld [tilespmem:s28+$0x11860];
	v6 =	vadd.f32 v8, v7  }
0x38: {  	s29 =	simm.s32 $0x80;
	[tilespmem:s28+$0x19820] =	vst v0;
	v0 =	vld [tilespmem:s28+$0x9860]  }
0x39: {  	s30 =	simm.s32 $0x400;
	s26 =	sshll.u32 s25, $0x1;
	v5 =	vadd.f32 v9, v5;
	v1 =	vld [tilespmem:s29+$0x9870];
	[tilespmem:s28+$0x19830] =	vst v6  }
.LBB2_3:
0x3a: {  	p0 =	sne.s32 s30, $0xFE00;
	v6 =	vld [tilespmem:s29+$0x11870]  }
0x3b: {  	v7 =	vld [tilespmem:s29+$0x9800];
	[tilespmem:s28+$0x19840] =	vst v5;
	v2 =	vadd.f32 v3, v2  }
0x3c: {  	v3 =	vld [tilespmem:s29+$0x11800]  }
0x3d: {  	v5 =	vld [tilespmem:s29+$0x9810];
	[tilespmem:s28+$0x19850] =	vst v2;
	v0 =	vadd.f32 v4, v0  }
0x3e: {  	v2 =	vld [tilespmem:s29+$0x11810]  }
0x3f: {  	v4 =	vld [tilespmem:s29+$0x9820];
	v1 =	vadd.f32 v6, v1;
	[tilespmem:s28+$0x19860] =	vst v0;
	s28 =	smov.u32 s29  }
0x40: {  	v0 =	vld [tilespmem:s28+$0x11820]  }
0x41: {  	v3 =	vadd.f32 v3, v7;
	v6 =	vld [tilespmem:s28+$0x9830];
	[tilespmem:s28+$0x19870] =	vst v1  }
0x42: {  	v1 =	vld [tilespmem:s28+$0x11830]  }
0x43: {  	[tilespmem:s28+$0x19800] =	vst v3;
	v2 =	vadd.f32 v2, v5;
	v5 =	vld [tilespmem:s28+$0x9840]  }
0x44: {  	v7 =	vld [tilespmem:s28+$0x11840]  }
.Ltmp0:
0x45: {  	[tilespmem:s28+$0x19810] =	vst v2;
	v0 =	vadd.f32 v0, v4;
	v2 =	vld [tilespmem:s28+$0x9850];
	(pc) =	sbr.rel @p0 .LBB2_3-.Ltmp0, $4  }
0x46: {  	v3 =	vld [tilespmem:s28+$0x11850]  }
0x47: {  	[tilespmem:s28+$0x19820] =	vst v0;
	v6 =	vadd.f32 v1, v6;
	v0 =	vld [tilespmem:s28+$0x9860]  }
0x48: {  	s29 =	sshra.s32 s30, $0x2;
	v4 =	vld [tilespmem:s28+$0x11860]  }
0x49: {  	s30 =	sadd.s32 $0x200, s30;
	v1 =	vld [tilespmem:s29+$0x9870];
	[tilespmem:s28+$0x19830] =	vst v6;
	v5 =	vadd.f32 v7, v5  }
0x4a: {  	v6 =	vld [tilespmem:s29+$0x11870]  }
0x4b: {  	v7 =	vld [tilespmem:s29+$0x9800];
	[tilespmem:s28+$0x19840] =	vst v5;
	v2 =	vadd.f32 v3, v2  }
0x4c: {  	v3 =	vld [tilespmem:s29+$0x11800]  }
0x4d: {  	v5 =	vld [tilespmem:s29+$0x9810];
	[tilespmem:s28+$0x19850] =	vst v2;
	v0 =	vadd.f32 v4, v0  }
0x4e: {  	v2 =	vld [tilespmem:s29+$0x11810]  }
0x4f: {  	v4 =	vld [tilespmem:s29+$0x9820];
	[tilespmem:s28+$0x19860] =	vst v0  }
0x50: {  	v0 =	vadd.f32 v6, v1;
	v1 =	vld [tilespmem:s29+$0x11820]  }
0x51: {  	v6 =	vld [tilespmem:s29+$0x9830]  }
0x52: {  	v3 =	vadd.f32 v3, v7;
	[tilespmem:s29+$0x19870] =	vst v0;
	v0 =	vld [tilespmem:s29+$0x11830]  }
0x53: {  	v7 =	vld [tilespmem:s29+$0x11860]  }
0x54: {  	[tilespmem:s29+$0x19800] =	vst v3;
	v2 =	vadd.f32 v2, v5;
	v3 =	vld [tilespmem:s29+$0x9840]  }
0x55: {  	v5 =	vld [tilespmem:s29+$0x11840]  }
0x56: {  	[tilespmem:s29+$0x19810] =	vst v2;
	v1 =	vadd.f32 v1, v4;
	v2 =	vld [tilespmem:s29+$0x9850]  }
0x57: {  	v4 =	vld [tilespmem:s29+$0x11850]  }
0x58: {  	[tilespmem:s29+$0x19820] =	vst v1;
	v1 =	vld [tilespmem:s29+$0x9860];
	_ =	sdelay $0x1  }
0x59: {  	v0 =	vadd.f32 v0, v6  }
0x5a: {  	v3 =	vadd.f32 v5, v3  }
0x5b: {  	[tilespmem:s29+$0x19830] =	vst v0;
	v0 =	vadd.f32 v4, v2  }
0x5c: {  	s28 =	sadd.s32 $0x2, s26;
	[tilespmem:s29+$0x19840] =	vst v3;
	v1 =	vadd.f32 v7, v1  }
0x5d: {  	p0 =	sge.u32 s28, s5;
	[tilespmem:s29+$0x19850] =	vst v0  }
0x5e: {  	s28 =	sshll.u32 @!p0 s28, $0x7;
	s30 =	simm.s32 @!p0 $0x9800;
	[tilespmem:s29+$0x19860] =	vst v1;
	s29 =	simm.s32 @!p0 $0x80  }
0x5f: {  	[tilespmem:s30], [sflag:$0x1] =	stream.indirect.gather @!p0 [hbm4b:s1+s29], $0x80, s28, s29, $0xb8;
	[tilespmem:$0x1D800] =	vst v63  }
0x60: {  	s28 =	sadd.s32 @!p0 $0x4C00, s28;
	s30 =	simm.s32 @!p0 $0x11800  }
0x61: {  	[tilespmem:s30], [sflag:$0x1] =	stream.indirect.gather @!p0 [hbm4b:s1+s29], $0x80, s28, s29, $0xb8;
	[tilespmem:$0x1D800] =	vst v63  }
0x62: {  	s28 =	sadd.s32 s4, s26  }
0x63: {  	s28 =	sshll.u32 s28, $0xB  }
0x64: {  	s28 =	sand.u32 $0x1FFFF000, s28  }
0x65: {  	s29 =	simm.s32 $0x0;
	s28 =	sadd.s32 s6, s28  }
0x66: {  	[hbm4b:s28+s29] =	stream.linear.scatter [tilespmem:s21], [sflag:$0x3], $0x4000, $0x38;
	[tilespmem:$0x1D800] =	vst v63  }
0x67: {  	_ =	swait.ge [sflag:s22], $0x4000  }
0x68: {  	[sflag:s22] =	ssyncset.done $0x0  }
0x69: {  	[sflag:s22] =	ssyncadd.s32 $0xFFFFC000  }
0x6a: {  	_ =	swait.ge [sflag:s22], $0x4000  }
0x6b: {  	[sflag:s22] =	ssyncset.done $0x0  }
0x6c: {  	[sflag:s22] =	ssyncadd.s32 $0xFFFFC000  }
0x6d: {  	_ =	swait.ge [sflag:s23], $0x4000  }
0x6e: {  	[sflag:s23] =	ssyncset.done $0x0  }
0x6f: {  	s28 =	simm.s32 $0x0;
	[sflag:s23] =	ssyncadd.s32 $0xFFFFC000  }
0x70: {  	v0 =	vld [tilespmem:s28+$0xD870]  }
0x71: {  	v1 =	vld [tilespmem:s28+$0x15870]  }
0x72: {  	v2 =	vld [tilespmem:s28+$0xD800]  }
0x73: {  	v3 =	vld [tilespmem:s28+$0x15800]  }
0x74: {  	v4 =	vld [tilespmem:s28+$0xD810]  }
0x75: {  	v5 =	vld [tilespmem:s28+$0x15810]  }
0x76: {  	v6 =	vld [tilespmem:s28+$0xD820]  }
0x77: {  	v7 =	vld [tilespmem:s28+$0xD830]  }
0x78: {  	v0 =	vadd.f32 v1, v0;
	v1 =	vld [tilespmem:s28+$0x15820]  }
0x79: {  	v8 =	vld [tilespmem:s28+$0x15830]  }
0x7a: {  	v9 =	vld [tilespmem:s28+$0x15840];
	v2 =	vadd.f32 v3, v2  }
0x7b: {  	[tilespmem:s28+$0x19870] =	vst v0;
	v0 =	vadd.f32 v5, v4;
	v5 =	vld [tilespmem:s28+$0xD840]  }
0x7c: {  	v3 =	vld [tilespmem:s28+$0x15850];
	[tilespmem:s28+$0x19800] =	vst v2  }
0x7d: {  	v2 =	vld [tilespmem:s28+$0xD850];
	[tilespmem:s28+$0x19810] =	vst v0;
	v0 =	vadd.f32 v1, v6  }
0x7e: {  	v4 =	vld [tilespmem:s28+$0x15860];
	v6 =	vadd.f32 v8, v7  }
0x7f: {  	s29 =	simm.s32 $0x80;
	[tilespmem:s28+$0x19820] =	vst v0;
	v0 =	vld [tilespmem:s28+$0xD860]  }
0x80: {  	s30 =	simm.s32 $0x400;
	v5 =	vadd.f32 v9, v5;
	v1 =	vld [tilespmem:s29+$0xD870];
	[tilespmem:s28+$0x19830] =	vst v6  }
.LBB2_5:
0x81: {  	p0 =	sne.s32 s30, $0xFE00;
	v6 =	vld [tilespmem:s29+$0x15870]  }
0x82: {  	v7 =	vld [tilespmem:s29+$0xD800];
	[tilespmem:s28+$0x19840] =	vst v5;
	v2 =	vadd.f32 v3, v2  }
0x83: {  	v3 =	vld [tilespmem:s29+$0x15800]  }
0x84: {  	v5 =	vld [tilespmem:s29+$0xD810];
	[tilespmem:s28+$0x19850] =	vst v2;
	v0 =	vadd.f32 v4, v0  }
0x85: {  	v2 =	vld [tilespmem:s29+$0x15810]  }
0x86: {  	v4 =	vld [tilespmem:s29+$0xD820];
	v1 =	vadd.f32 v6, v1;
	[tilespmem:s28+$0x19860] =	vst v0;
	s28 =	smov.u32 s29  }
0x87: {  	v0 =	vld [tilespmem:s28+$0x15820]  }
0x88: {  	v3 =	vadd.f32 v3, v7;
	v6 =	vld [tilespmem:s28+$0xD830];
	[tilespmem:s28+$0x19870] =	vst v1  }
0x89: {  	v1 =	vld [tilespmem:s28+$0x15830]  }
0x8a: {  	[tilespmem:s28+$0x19800] =	vst v3;
	v2 =	vadd.f32 v2, v5;
	v5 =	vld [tilespmem:s28+$0xD840]  }
0x8b: {  	v7 =	vld [tilespmem:s28+$0x15840]  }
.Ltmp1:
0x8c: {  	[tilespmem:s28+$0x19810] =	vst v2;
	v0 =	vadd.f32 v0, v4;
	v2 =	vld [tilespmem:s28+$0xD850];
	(pc) =	sbr.rel @p0 .LBB2_5-.Ltmp1, $4  }
0x8d: {  	v3 =	vld [tilespmem:s28+$0x15850]  }
0x8e: {  	[tilespmem:s28+$0x19820] =	vst v0;
	v6 =	vadd.f32 v1, v6;
	v0 =	vld [tilespmem:s28+$0xD860]  }
0x8f: {  	s29 =	sshra.s32 s30, $0x2;
	v4 =	vld [tilespmem:s28+$0x15860]  }
0x90: {  	s30 =	sadd.s32 $0x200, s30;
	v1 =	vld [tilespmem:s29+$0xD870];
	[tilespmem:s28+$0x19830] =	vst v6;
	v5 =	vadd.f32 v7, v5  }
0x91: {  	v6 =	vld [tilespmem:s29+$0x15870]  }
0x92: {  	v7 =	vld [tilespmem:s29+$0xD800];
	[tilespmem:s28+$0x19840] =	vst v5;
	v2 =	vadd.f32 v3, v2  }
0x93: {  	v51 =	vld [tilespmem:s29+$0x15800]  }
0x94: {  	v5 =	vld [tilespmem:s29+$0xD810];
	[tilespmem:s28+$0x19850] =	vst v2;
	v0 =	vadd.f32 v4, v0  }
0x95: {  	v2 =	vld [tilespmem:s29+$0x15810]  }
0x96: {  	v52 =	vld [tilespmem:s29+$0xD820];
	[tilespmem:s28+$0x19860] =	vst v0  }
0x97: {  	v54 =	vld [tilespmem:s29+$0x15820]  }
0x98: {  	v55 =	vld [tilespmem:s29+$0xD830]  }
0x99: {  	v56 =	vld [tilespmem:s29+$0x15830]  }
0x9a: {  	v57 =	vld [tilespmem:s29+$0xD840]  }
0x9b: {  	v58 =	vld [tilespmem:s29+$0x15840]  }
0x9c: {  	v59 =	vld [tilespmem:s29+$0xD850]  }
0x9d: {  	v53 =	vadd.f32 v6, v1;
	v60 =	vld [tilespmem:s29+$0x15850]  }
0x9e: {  	v61 =	vld [tilespmem:s29+$0xD860];
	v3 =	vadd.f32 v51, v7  }
0x9f: {  	v62 =	vld [tilespmem:s29+$0x15860];
	[tilespmem:s29+$0x19870] =	vst v53;
	v2 =	vadd.f32 v2, v5  }
0xa0: {  	[tilespmem:s29+$0x19800] =	vst v3;
	v1 =	vadd.f32 v54, v52  }
0xa1: {  	[tilespmem:s29+$0x19810] =	vst v2;
	v0 =	vadd.f32 v56, v55  }
0xa2: {  	v3 =	vadd.f32 v58, v57;
	[tilespmem:s29+$0x19820] =	vst v1  }
0xa3: {  	v63 =	vadd.f32 v60, v59;
	[tilespmem:s29+$0x19830] =	vst v0  }
0xa4: {  	s28 =	sadd.s32 $0x3, s26;
	[tilespmem:s29+$0x19840] =	vst v3;
	v1 =	vadd.f32 v62, v61  }
0xa5: {  	p0 =	sge.u32 s28, s5;
	[tilespmem:s29+$0x19850] =	vst v63  }
0xa6: {  	s28 =	sshll.u32 @!p0 s28, $0x7;
	s30 =	simm.s32 @!p0 $0xD800;
	[tilespmem:s29+$0x19860] =	vst v1;
	s29 =	simm.s32 @!p0 $0x80  }
0xa7: {  	[tilespmem:s30], [sflag:$0x2] =	stream.indirect.gather @!p0 [hbm4b:s1+s29], $0x80, s28, s29, $0xb8;
	[tilespmem:$0x1D800] =	vst v63  }
0xa8: {  	s25 =	sadd.s32 $0x1, s25;
	s28 =	sadd.s32 @!p0 $0x4C00, s28;
	s30 =	simm.s32 @!p0 $0x15800  }
0xa9: {  	[tilespmem:s30], [sflag:$0x2] =	stream.indirect.gather @!p0 [hbm4b:s1+s29], $0x80, s28, s29, $0xb8;
	[tilespmem:$0x1D800] =	vst v63  }
0xaa: {  	p0 =	sne.s32 s25, s9  }
.Ltmp2:
0xab: {  	_ = 	snop;
	(pc) =	sbr.rel @p0 .LBB2_2-.Ltmp2, $4  }
0xac: {  	s31 =	sadd.s32 s26, s10  }
0xad: {  	s26 =	sshll.u32 s31, $0xB  }
0xae: {  	s26 =	sadd.s32 s6, s26  }
0xaf: {  	[hbm4b:s26+s3] =	stream.linear.scatter [tilespmem:s21], [sflag:$0x3], $0x4000, $0x38;
	[tilespmem:$0x1D800] =	vst v63  }
0xb0: {  	s24 =	sadd.s32 $0x1, s24  }
0xb1: {  	p0 =	sne.s32 s24, s11  }
.Ltmp3:
0xb2: {  	_ = 	snop;
	(pc) =	sbr.rel @p0 .LBB2_1-.Ltmp3, $4  }
0xb3: {  	_ = 	snop  }
0xb4: {  	_ =	swait.ge [sflag:s23], $0x4000  }
0xb5: {  	[sflag:s23] =	ssyncset.done $0x0  }
0xb6: {  	[sflag:s23] =	ssyncadd.s32 $0xFFFFC000  }
0xb7: {  	_ =	sfence.sel $0x180000  }
0xb8: {  	[bflag:$0x0] =	sbarrier.arrive $0xFFFF  }
0xb9: {  	p0 =	sne.s32 s2, $0x0;
	_ =	strace $0x90000047  }
0xba: {  	s0 =	sadd.s32 @!p0 $0x100000, s0;
	[bflag:$0x2] =	sbarrier.arrive $0xFFFF  }
0xbb: {  	[sflag:s0] =	ssyncadd.tile.s32 @!p0 $0x1;
	_ =	shalt  }
.Lfunc_end2:
_tile_overlayer_lowered:
.L_overlay_start_2:
0xbc: {  	(tag) =	ssettag $0x2  }
0xbd: {  	s0 =	rddreg [dreg:$0x0];
	s2 =	stileid.u32  }
0xbe: {  	s1 =	rddreg [dreg:$0x1];
	p0 =	sne.s32 s2, $0x0  }
0xbf: {  	s3 =	rddreg [dreg:$0x2];
	[bflag:$0x3] =	sbarrier.arrive $0xFFFF;
	s2 =	simm.s32 @!p0 $0x1C04  }
0xc0: {  	[timem:s3], [sflag:s2] =	dma.local @!p0 [hbm:s0], s1  }
0xc1: {  	s0 =	simm.s32 @!p0 $0x4  }
0xc2: {  	_ =	swait.ge @!p0 [sflag:s0], s1  }
0xc3: {  	s1 =	ssub.s32 @!p0 $0x0, s1;
	[sflag:s0] =	ssyncset.done @!p0 $0x0  }
0xc4: {  	[sflag:s0] =	ssyncadd.s32 @!p0 s1  }
0xc5: {  	[bflag:$0x3] =	sbarrier.arrive $0xFFFF  }
0xc6: {  	_ =	shalt  }

// kernel: kernel.9.cloned.1.call-start
scs
__scs_entry_jumppad:
0x0: {  	(pc) =	sbr.rel $0x88, $3  }
0x1: {  	(tag) =	ssettag $0x0;
	lr =	simm.s32 $0x1  }
0x2: {  	[smem:$0x3F99] =	sst lr;
	_ =	strace $0xD0000000  }
0x3: {  	_ = 	snop  }
0x4: {  	_ = 	snop  }
0x5: {  	_ = 	snop  }
0x6: {  	_ = 	snop  }
0x7: {  	_ = 	snop  }
__scs_overlays_trampoline_lowered:
0x8: {  	[smem:$0x3FA8] =	sst s0  }
0x9: {  	[smem:$0x3FA9] =	sst s1  }
0xa: {  	[smem:$0x3FAA] =	sst s2  }
0xb: {  	[smem:$0x3FAB] =	sst s3  }
0xc: {  	[smem:$0x3FAC] =	sst s4  }
0xd: {  	[smem:$0x3FAD] =	sst s5  }
0xe: {  	[smem:$0x3FAE] =	sst s6  }
0xf: {  	[smem:$0x3FAF] =	sst s7  }
0x10: {  	[smem:$0x3FB0] =	sst s8  }
0x11: {  	[smem:$0x3FB1] =	sst s9;
	s0 =	simm.s32 @!p0 $0x0  }
0x12: {  	s1 =	sld [smem:$0x3F97];
	s0 =	simm.s32 @p0 $0x1  }
0x13: {  	[smem:$0x3FB2] =	sst s0;
	s0 =	simm.s32 @!p1 $0x0  }
0x14: {  	s2 =	sld [smem:$0x3F96];
	s0 =	simm.s32 @p1 $0x1  }
0x15: {  	[smem:$0x3FB3] =	sst s0;
	s0 =	simm.s32 @!p2 $0x0  }
0x16: {  	s3 =	sld [smem:$0x3FDB];
	s0 =	simm.s32 @p2 $0x1  }
0x17: {  	s4 =	simm.s32 $0x1BF5;
	[smem:$0x3FB5] =	sst s0  }
0x18: {  	s0 =	sld [smem:$0x3F98];
	_ =	swait.ge [sflag:s4], $0x0  }
0x19: {  	s7 =	sld [smem:$0x3F99]  }
0x1a: {  	s8 =	sadd.s32 $0xFFFFE003, lr  }
0x1b: {  	s9 =	sadd.s32 $0xFFFFFEF7, lr;
	s5 =	simm.s32 $0xFFFFFFFF;
	p2 =	slt.u32 s8, $0xFFFFF086  }
0x1c: {  	p1 =	slt.u32 s9, $0xF7A;
	s5 =	simm.s32 @!p2 $0x0  }
0x1d: {  	s5 =	simm.s32 @p1 $0x1;
	p0 =	seq.s32 s7, s2  }
0x1e: {  	s7 =	smul.u32 @!p0 $0xF7A, s2;
	p2 =	seq.s32 @!p0 s5, $0x0  }
0x1f: {  	s9 =	smul.u32 $0xF7A, s1;
	s8 =	simm.s32 @!p0 $0x1BF5;
	p2 =	por !p2, p0  }
0x20: {  	[sflag:s8] =	ssyncset.s32 @!p0 $0xFFFFF086;
	s6 =	sadd.s32 @!p0 s3, s7;
	s7 =	simm.s32 @!p0 $0x108  }
0x21: {  	s3 =	sadd.s32 s3, s9;
	s6 =	sadd.s32 @!p0 $0x88, s6;
	s7 =	simm.s32 @p2 $0x1082  }
0x22: {  	[simem:s7], [sflag:s8] =	dma.local @!p0 [hbm:s6], $0xF7A  }
0x23: {  	s9 =	sor.u32 $0xD0000000, s2;
	s6 =	simm.s32 $0x108;
	_ =	swait.ge @!p0 [sflag:s8], $0x0  }
0x24: {  	s3 =	sadd.s32 $0x88, s3;
	s6 =	simm.s32 @!p1 $0x1082;
	[sflag:s4] =	ssyncset.s32 $0xFFFFF086  }
0x25: {  	[simem:s6], [sflag:s4] =	dma.local [hbm:s3], $0xF7A  }
0x26: {  	[smem:$0x3F99] =	sst s1;
	(tag) =	ssettag s2;
	_ =	strace s9  }
0x27: {  	s1 =	sld [smem:$0x3FA9]  }
0x28: {  	s2 =	sld [smem:$0x3FAA]  }
0x29: {  	s4 =	sld [smem:$0x3FAC]  }
0x2a: {  	p0 =	seq.s32 s5, $0x0;
	s5 =	sld [smem:$0x3FAD]  }
0x2b: {  	s6 =	sld [smem:$0x3FAE]  }
0x2c: {  	s7 =	sld [smem:$0x3FAF]  }
0x2d: {  	s3 =	simm.s32 $0x108;
	s8 =	sld [smem:$0x3FB0]  }
0x2e: {  	s3 =	simm.s32 @!p0 $0x1082;
	s9 =	sld [smem:$0x3FB1]  }
0x2f: {  	lr =	sadd.s32 s0, s3;
	s0 =	sld [smem:$0x3FA8]  }
0x30: {  	s3 =	sld [smem:$0x3FAB]  }
0x31: {  	[smem:$0x3FB4] =	sst s10  }
0x32: {  	s10 =	sld [smem:$0x3FB2];
	_ =	sdelay $0x3  }
0x33: {  	p0 =	seq.s32 s10, $0x1;
	s10 =	sld [smem:$0x3FB4];
	_ =	sdelay $0x3  }
0x34: {  	[smem:$0x3FB4] =	sst s10  }
0x35: {  	s10 =	sld [smem:$0x3FB3];
	_ =	sdelay $0x3  }
0x36: {  	p1 =	seq.s32 s10, $0x1;
	s10 =	sld [smem:$0x3FB4];
	_ =	sdelay $0x3  }
0x37: {  	[smem:$0x3FB4] =	sst s10  }
0x38: {  	s10 =	sld [smem:$0x3FB5]  }
0x39: {  	_ = 	snop;
	(pc) =	sbr.ind lr, $3  }
0x3a: {  	_ = 	snop  }
0x3b: {  	_ = 	snop  }
0x3c: {  	p2 =	seq.s32 s10, $0x1;
	s10 =	sld [smem:$0x3FB4]  }
0x3d: {  	_ =	shalt  }
0x3e: {  	_ =	shalt  }
0x3f: {  	_ =	shalt  }
0x40: {  	_ =	shalt  }
0x41: {  	_ =	shalt  }
0x42: {  	_ =	shalt  }
0x43: {  	_ =	shalt  }
0x44: {  	_ =	shalt  }
0x45: {  	_ =	shalt  }
0x46: {  	_ =	shalt  }
0x47: {  	_ =	shalt  }
0x48: {  	_ =	shalt  }
0x49: {  	_ =	shalt  }
0x4a: {  	_ =	shalt  }
0x4b: {  	_ =	shalt  }
0x4c: {  	_ =	shalt  }
0x4d: {  	_ =	shalt  }
0x4e: {  	_ =	shalt  }
0x4f: {  	_ =	shalt  }
0x50: {  	_ =	shalt  }
0x51: {  	_ =	shalt  }
0x52: {  	_ =	shalt  }
0x53: {  	_ =	shalt  }
0x54: {  	_ =	shalt  }
0x55: {  	_ =	shalt  }
0x56: {  	_ =	shalt  }
0x57: {  	_ =	shalt  }
0x58: {  	_ =	shalt  }
0x59: {  	_ =	shalt  }
0x5a: {  	_ =	shalt  }
0x5b: {  	_ =	shalt  }
0x5c: {  	_ =	shalt  }
0x5d: {  	_ =	shalt  }
0x5e: {  	_ =	shalt  }
0x5f: {  	_ =	shalt  }
0x60: {  	_ =	shalt  }
0x61: {  	_ =	shalt  }
0x62: {  	_ =	shalt  }
0x63: {  	_ =	shalt  }
0x64: {  	_ =	shalt  }
0x65: {  	_ =	shalt  }
0x66: {  	_ =	shalt  }
0x67: {  	_ =	shalt  }
0x68: {  	_ =	shalt  }
0x69: {  	_ =	shalt  }
0x6a: {  	_ =	shalt  }
0x6b: {  	_ =	shalt  }
0x6c: {  	_ =	shalt  }
0x6d: {  	_ =	shalt  }
0x6e: {  	_ =	shalt  }
0x6f: {  	_ =	shalt  }
0x70: {  	_ =	shalt  }
0x71: {  	_ =	shalt  }
0x72: {  	_ =	shalt  }
0x73: {  	_ =	shalt  }
0x74: {  	_ =	shalt  }
0x75: {  	_ =	shalt  }
0x76: {  	_ =	shalt  }
0x77: {  	_ =	shalt  }
0x78: {  	_ =	shalt  }
0x79: {  	_ =	shalt  }
0x7a: {  	_ =	shalt  }
0x7b: {  	_ =	shalt  }
0x7c: {  	_ =	shalt  }
0x7d: {  	_ =	shalt  }
0x7e: {  	_ =	shalt  }
0x7f: {  	_ =	shalt  }
0x80: {  	_ =	shalt  }
0x81: {  	_ =	shalt  }
0x82: {  	_ =	shalt  }
0x83: {  	_ =	shalt  }
0x84: {  	_ =	shalt  }
0x85: {  	_ =	shalt  }
0x86: {  	_ =	shalt  }
0x87: {  	_ =	shalt  }
.Lfunc_end0:
.L_simem_size_0:
called_computation.1_lowered:
.L_overlay_start_0:
0x88: {  	s2 =	sld [smem:$0x3FD9]  }
0x89: {  	s3 =	sld [smem:$0x3FFE];
	_ =	sdelay $0x1  }
0x8a: {  	s1 =	srdreg.scid  }
0x8b: {  	s0 =	sand.u32 $0x1, s1  }
0x8c: {  	s16 =	sshll.u32 s0, $0xA;
	s2 =	sadd.s32 s3, s2  }
0x8d: {  	s2 =	sadd.s32 s2, s16  }
0x8e: {  	[smem:$0x3FC0] =	sst s2  }
0x8f: {  	_ = 	snop  }
0x90: {  	(tm) =	ssettm $0x1  }
0x91: {  	s17 =	sld [smem:$0x3FFB];
	_ =	sdelay $0x3  }
0x92: {  	_ =	strace s17  }
0x93: {  	s2 =	sld [smem:$0x3FFC];
	_ =	sdelay $0x3  }
0x94: {  	_ =	strace s2  }
0x95: {  	s2 =	sld [smem:$0x3FFD];
	_ =	sdelay $0x3  }
0x96: {  	_ =	strace s2  }
0x97: {  	_ =	strace $0x8FFFFFFF  }
0x98: {  	s18 =	sld [smem:$0x3FDB];
	_ =	sdelay $0x1  }
0x99: {  	s19 =	simm.s32 $_scs_section_size  }
0x9a: {  	s4 =	simm.s32 $_size__tile_overlayer_lowered;
	s5 =	simm.s32 $_tile_overlayer_lowered  }
0x9b: {  	s22 =	simm.s32 $0x1BFF;
	s21 =	sshll.u32 s5, $0x1;
	s2 =	sadd.s32 s19, s18  }
0x9c: {  	s6 =	simm.s32 $0x0;
	s20 =	sshll.u32 s4, $0x1;
	s4 =	sadd.s32 s21, s2  }
0x9d: {  	[timem:s6], [sflag:s22] =	dma.local [hbm:s4], s20  }
0x9e: {  	_ =	swait.ge [sflag:s22], s20  }
0x9f: {  	s3 =	ssub.s32 $0x0, s20;
	[sflag:s22] =	ssyncset.done $0x0  }
0xa0: {  	[sflag:s22] =	ssyncadd.s32 s3;
	_ =	sdelay $0x1  }
0xa1: {  	s23 =	simm.s32 $0x1B8B  }
0xa2: {  	_ =	swait.ge [sflag:s23], $0x1  }
0xa3: {  	[sflag:s23] =	ssyncset.done $0x0  }
0xa4: {  	s25 =	simm.s32 $0x1B8E;
	s24 =	sld [smem:$0x3FFE];
	[sflag:s23] =	ssyncadd.s32 $0xFFFFFFFF  }
0xa5: {  	s26 =	simm.s32 $execute0_lowered;
	[smem:$0x3FD2] =	sst s25  }
0xa6: {  	s4 =	sshll.u32 s26, $0x1;
	_ =	strace $0x80000049;
	[dreg:$0x1] =	wrdreg $0xFFFFFFFF  }
0xa7: {  	s28 =	simm.s32 $_size_execute0_lowered;
	s2 =	sadd.s32 s2, s4;
	[dreg:$0x0] =	wrdreg $0x0  }
0xa8: {  	s4 =	sshll.u32 s28, $0x1;
	[dreg:$0x2] =	wrdreg s2  }
0xa9: {  	[dreg:$0x3] =	wrdreg s4  }
0xaa: {  	[dreg:$0x4] =	wrdreg $0xC0  }
0xab: {  	_ =	task [dreg:s6], $0x5FFFF  }
0xac: {  	[dreg:$0x1] =	wrdreg $0xFFFFFFFF  }
0xad: {  	[dreg:$0x0] =	wrdreg $0x60  }
0xae: {  	[dreg:$0x2] =	wrdreg s24  }
0xaf: {  	[dreg:$0x3] =	wrdreg $0x0  }
0xb0: {  	[dreg:$0x4] =	wrdreg $0x9  }
0xb1: {  	_ =	task.clear_ibuf [dreg:s6], $0x5FFFF;
	_ =	strace $0x90000049  }
0xb2: {  	s29 =	simm.s32 $0x9;
	_ =	strace $0x80000051  }
0xb3: {  	_ =	swait.ge [sflag:s29], $0x1  }
0xb4: {  	[sflag:s29] =	ssyncadd.s32 $0xFFFFFFFF  }
0xb5: {  	_ =	strace $0x90000051  }
0xb6: {  	_ =	sfence  }
0xb7: {  	s30 =	sld [smem:$0x0];
	_ =	sdelay $0x2  }
0xb8: {  	s31 =	sshll.u32 s1, $0xD;
	s1 =	sshrl.u32 s1, $0x2  }
0xb9: {  	s3 =	sand.u32 $0x4000, s31;
	s1 =	sadd.s32 s1, s30  }
0xba: {  	s0 =	sor.u32 s3, s0;
	s1 =	sshll.u32 s1, $0x11  }
0xbb: {  	s0 =	sor.u32 s1, s0  }
0xbc: {  	s0 =	sadd.s32 $0x8F2B, s0  }
0xbd: {  	[sflag:s0] =	ssyncadd.remote.s32 $0x1  }
0xbe: {  	_ =	sfence.sel $0xFFFF  }
0xbf: {  	[dreg:$0x0] =	wrdreg $0xFFFFFFFF;
	(pc) =	sbr.abs _section_cstart, $3  }
0xc0: {  	[dreg:$0x1] =	wrdreg $0xFFFFFFFF  }
0xc1: {  	_ =	task.clear_ibuf [dreg:s6], $0x2FFFF;
	_ =	strace $0x9FFFFFFF  }
0xc2: {  	(tm) =	ssettm $0x7FFFFFFF  }
0xc3: {  	_ =	shalt  }
tec
execute0_lowered:
.L_overlay_start_1:
0x0: {  	(tag) =	ssettag $0x1  }
0x1: {  	s6 =	rddreg [dreg:$0x0]  }
0x2: {  	s2 =	rddreg [dreg:$0x1];
	s3 =	simm.s32 $0x0  }
0x3: {  	s0 =	stileid.u32;
	s4 =	srdreg.scid;
	s16 =	simm.s32 $0x80  }
0x4: {  	s17 =	simm.s32 $0x5;
	s18 =	simm.s32 $0x1;
	s7 =	smul.u32 $0x13C00, s0  }
0x5: {  	s19 =	simm.s32 $0x0;
	[smem:$0x7FF] =	sst s3;
	s11 =	smul.u32 $0x4F000, s0  }
0x6: {  	s8 =	sand.u32 $0x1, s4;
	s4 =	sadd.s32 $0xA16000, s6;
	s12 =	smul.u32 $0x50, s0  }
0x7: {  	s5 =	sadd.s32 $0x50C000, s6;
	s28 =	sshll.u32 s0, $0x6;
	s10 =	smul.u32 $0x13C000, s8  }
0x8: {  	_ =	strace $0x8000004A;
	s25 =	ssub.s32 $0x2, s8;
	s8 =	smul.u32 $0x500, s8  }
0x9: {  	s9 =	sshrl.u32 s7, $0x3;
	s13 =	sshrl.u32 s25, $0x1;
	s26 =	sshrl.u32 s11, $0x2  }
0xa: {  	s9 =	sadd.s32 s9, s6;
	s7 =	sadd.s32 s7, s10;
	s13 =	ssub.s32 s25, s13  }
0xb: {  	s15 =	sadd.s32 s26, s2;
	s7 =	sshrl.u32 s7, $0x3;
	s1 =	sadd.s32 $0x516000, s9  }
0xc: {  	s14 =	sadd.s32 s7, s6;
	[dreg:$0x3] =	wrdreg s1;
	s7 =	sadd.s32 s8, s12  }
0xd: {  	s8 =	sor.u32 $0x1C01, s28;
	s12 =	smax.u32 s13, $0x1;
	s29 =	sshll.u32 s7, $0xB  }
0xe: {  	s13 =	sshrl.u32 s15, $0x3;
	s30 =	sshll.u32 s7, $0x4;
	s31 =	sadd.s32 s4, s29  }
0xf: {  	s11 =	sadd.s32 $0x53D800, s14;
	s10 =	sadd.s32 s5, s30;
	[dreg:$0x4] =	wrdreg s31  }
.LBB2_1:
0x10: {  	s0 =	rddreg [dreg:$0x3]  }
0x11: {  	s1 =	simm.s32 $0x13C00;
	s6 =	simm.s32 $0x1BC00;
	s20 =	simm.s32 $0x1  }
0x12: {  	[spmem:s13], [sflag:s8] =	dma.local [hbm:s0], $0x2780  }
0x13: {  	p0 =	por $0x0, $0x0;
	s23 =	simm.s32 $0x4D;
	_ =	swait.ge [sflag:s18], $0x2780  }
0x14: {  	s9 =	simm.s32 $0x0;
	s20 =	simm.s32 @p0 $0x0;
	[sflag:s18] =	ssyncset.done $0x0  }
0x15: {  	s14 =	sand.u32 $0x1, s3;
	p0 =	seq.s32 s20, $0x0;
	[sflag:s18] =	ssyncadd.s32 $0xFFFFD880  }
0x16: {  	s15 =	simm.s32 $0x0;
	s21 =	sadd.s32 @!p0 s20, s7;
	[bflag:$0x0] =	sbarrier.arrive $0xFFFF  }
0x17: {  	s22 =	sand.u32 @!p0 $0x1, s18;
	s28 =	simm.s32 @!p0 $0x0;
	_ =	strace $0x8000004B  }
0x18: {  	s24 =	sshll.u32 @!p0 s22, $0xE;
	s25 =	sshll.u32 @!p0 s21, $0xB;
	s26 =	rddreg [dreg:$0x4]  }
0x19: {  	[tilespmem:s1], [sflag:$0x1] =	stream.linear.gather [hbm4b:s26+s3], $0x4000, $0x200038;
	[tilespmem:$0x1BD00] =	vst v63  }
0x1a: {  	s21 =	sshll.u32 @!p0 s21, $0x4;
	s25 =	sand.u32 @!p0 $0x1FFFF800, s25;
	s24 =	sor.u32 @!p0 $0x13C00, s24  }
0x1b: {  	[tilespmem:s6], [sflag:$0x3] =	stream.linear.gather [hbm4b:s10+s3], $0x80, $0x200038;
	[tilespmem:$0x1BD00] =	vst v63  }
0x1c: {  	s29 =	sshll.u32 @!p0 s22, $0x7;
	s21 =	sand.u32 @!p0 $0x1FFFFFF0, s21;
	_ =	strace $0x9000004B  }
0x1d: {  	s25 =	sadd.s32 @!p0 s4, s25;
	s26 =	sadd.s32 @!p0 $0x1, s22;
	_ =	strace @!p0 $0x8000004C  }
0x1e: {  	[tilespmem:s24], [sflag:s26] =	stream.linear.gather @!p0 [hbm4b:s25+s28], $0x4000, $0x200038;
	[tilespmem:$0x1BD00] =	vst v63  }
0x1f: {  	s31 =	sand.u32 $0x80, s15;
	s29 =	sor.u32 @!p0 $0x1BC00, s29;
	_ =	strace @!p0 $0x9000004C  }
0x20: {  	s21 =	sadd.s32 @!p0 s5, s21;
	s22 =	sadd.s32 @!p0 $0x3, s22;
	_ =	strace @!p0 $0x8000004D  }
0x21: {  	[tilespmem:s29], [sflag:s22] =	stream.linear.gather @!p0 [hbm4b:s21+s28], $0x80, $0x200038;
	[tilespmem:$0x1BD00] =	vst v63  }
0x22: {  	s31 =	sor.u32 $0x1BC00, s31;
	s30 =	simm.s32 @!p0 $0x1;
	_ =	strace @!p0 $0x9000004D  }
0x23: {  	s30 =	simm.s32 @p0 $0x0;
	s29 =	sadd.s32 $0x1, s14;
	_ =	strace $0x8000004E  }
0x24: {  	s24 =	sadd.s32 $0x1, s30;
	s26 =	simm.s32 @!p0 $0x2;
	_ =	swait.ge [sflag:s29], $0x4000  }
0x25: {  	s25 =	sand.u32 $0x4000, s9;
	s26 =	smov.u32 @p0 s18;
	[sflag:s29] =	ssyncset.done $0x0  }
0x26: {  	s30 =	sor.u32 $0x13C00, s25;
	s25 =	simm.s32 $0x0;
	[sflag:s29] =	ssyncadd.s32 $0xFFFFC000  }
0x27: {  	s28 =	sadd.s32 $0x3, s14;
	s22 =	sadd.s32 $0x1, s20;
	_ =	strace $0x9000004E  }
0x28: {  	p0 =	sne.s32 s20, $0x0;
	s29 =	simm.s32 $0x1;
	_ =	strace $0x8000004F  }
0x29: {  	s29 =	simm.s32 @!p0 $0x0;
	p0 =	seq.s32 s22, $0x50;
	_ =	swait.ge [sflag:s28], $0x80  }
0x2a: {  	s22 =	simm.s32 @p0 $0x0;
	s21 =	sadd.s32 $0x0, s29;
	[sflag:s28] =	ssyncset.done $0x0  }
.LBB2_2:
0x2b: {  	s0 =	smov.u32 s26  }
0x2c: {  	s23 =	sadd.s32 $0xFFFFFFFF, s23;
	p0 =	seq.s32 s20, s22;
	s25 =	sadd.s32 s29, s25  }
0x2d: {  	s26 =	sadd.s32 @!p0 s22, s7;
	s29 =	sand.u32 @!p0 $0x1, s0;
	[sflag:s28] =	ssyncadd.s32 $0xFFFFFF80  }
0x2e: {  	s28 =	sshll.u32 @!p0 s29, $0xE;
	s1 =	sshll.u32 @!p0 s26, $0xB;
	_ =	strace $0x9000004F  }
0x2f: {  	s14 =	sand.u32 @!p0 $0x1, s24;
	s1 =	sand.u32 @!p0 $0x1FFFF800, s1;
	_ =	strace $0x80000050  }
0x30: {  	[spmem:s2] =	stream.indirect.scatter.add.f32 [tilespmem:s30], [sflag:$0x5], $0x80, s31, s16, $0x2000b8;
	[tilespmem:$0x1BD00] =	vst v63  }
0x31: {  	s29 =	sadd.s32 @!p0 $0x1, s29;
	s26 =	sshll.u32 @!p0 s26, $0x4;
	s30 =	simm.s32 @!p0 $0x0  }
0x32: {  	s28 =	sor.u32 @!p0 $0x13C00, s28;
	s26 =	sand.u32 @!p0 $0x1FFFFFF0, s26;
	s31 =	sshll.u32 @!p0 s14, $0x7  }
0x33: {  	s15 =	simm.s32 @!p0 $0x1;
	s31 =	sor.u32 @!p0 $0x1BC00, s31;
	_ =	swait.ge [sflag:s17], $0x4000  }
0x34: {  	s1 =	sadd.s32 @!p0 s4, s1;
	s14 =	sadd.s32 @!p0 $0x3, s14;
	[sflag:s17] =	ssyncset.done $0x0  }
0x35: {  	s15 =	simm.s32 @p0 $0x0;
	s6 =	sadd.s32 @!p0 s5, s26;
	[sflag:s17] =	ssyncadd.s32 $0xFFFFC000  }
0x36: {  	s24 =	sadd.s32 s24, s15;
	s15 =	sshll.u32 s25, $0xE;
	_ =	strace $0x90000050  }
0x37: {  	s9 =	sshll.u32 s21, $0x7;
	s26 =	sand.u32 $0x1, s25;
	_ =	strace @!p0 $0x8000004C  }
0x38: {  	[tilespmem:s28], [sflag:s29] =	stream.linear.gather @!p0 [hbm4b:s1+s30], $0x4000, $0x200038;
	[tilespmem:$0x1BD00] =	vst v63  }
0x39: {  	s9 =	sand.u32 $0x80, s9;
	s1 =	sadd.s32 $0x1, s26;
	_ =	strace @!p0 $0x9000004C  }
0x3a: {  	s26 =	sadd.s32 @!p0 $0x1, s0;
	s28 =	sand.u32 $0x1, s21;
	_ =	strace @!p0 $0x8000004D  }
0x3b: {  	[tilespmem:s31], [sflag:s14] =	stream.linear.gather @!p0 [hbm4b:s6+s30], $0x80, $0x200038;
	[tilespmem:$0x1BD00] =	vst v63  }
0x3c: {  	s26 =	smov.u32 @p0 s0;
	s28 =	sadd.s32 $0x3, s28;
	_ =	strace @!p0 $0x9000004D  }
0x3d: {  	p0 =	sne.s32 s23, $0x0;
	_ =	strace $0x8000004E  }
0x3e: {  	p1 =	sne.s32 s20, s22;
	_ =	swait.ge [sflag:s1], $0x4000  }
0x3f: {  	s20 =	smov.u32 s22;
	s29 =	simm.s32 $0x1;
	[sflag:s1] =	ssyncset.done $0x0  }
.Ltmp0:
0x40: {  	s0 =	sand.u32 $0x4000, s15;
	[sflag:s1] =	ssyncadd.s32 $0xFFFFC000;
	(pc) =	sbr.rel @p0 .LBB2_2-.Ltmp0, $4  }
0x41: {  	s22 =	sadd.s32 $0x1, s22;
	s29 =	simm.s32 @!p1 $0x0;
	_ =	strace $0x9000004E  }
0x42: {  	p1 =	seq.s32 s22, $0x50;
	s30 =	sor.u32 $0x13C00, s0;
	_ =	strace $0x8000004F  }
0x43: {  	s22 =	simm.s32 @p1 $0x0;
	s31 =	sor.u32 $0x1BC00, s9;
	_ =	swait.ge [sflag:s28], $0x80  }
0x44: {  	s21 =	sadd.s32 s29, s21;
	[sflag:s28] =	ssyncset.done $0x0  }
0x45: {  	p0 =	seq.s32 s20, s22;
	[sflag:s28] =	ssyncadd.s32 $0xFFFFFF80  }
0x46: {  	s0 =	sadd.s32 @!p0 s22, s7;
	_ =	strace $0x9000004F  }
0x47: {  	s1 =	sand.u32 @!p0 $0x1, s26;
	s14 =	sand.u32 @!p0 $0x1, s24;
	_ =	strace $0x80000050  }
0x48: {  	[spmem:s2] =	stream.indirect.scatter.add.f32 [tilespmem:s30], [sflag:$0x5], $0x80, s31, s16, $0x2000b8;
	[tilespmem:$0x1BD00] =	vst v63  }
0x49: {  	s15 =	simm.s32 @!p0 $0x0;
	s6 =	sshll.u32 @!p0 s0, $0xB;
	_ =	swait.ge [sflag:s17], $0x4000  }
0x4a: {  	s9 =	sshll.u32 @!p0 s1, $0xE;
	s1 =	sadd.s32 @!p0 $0x1, s1;
	[sflag:s17] =	ssyncset.done $0x0  }
0x4b: {  	s0 =	sshll.u32 @!p0 s0, $0x4;
	s6 =	sand.u32 @!p0 $0x1FFFF800, s6;
	[sflag:s17] =	ssyncadd.s32 $0xFFFFC000  }
0x4c: {  	s23 =	sshll.u32 @!p0 s14, $0x7;
	s9 =	sor.u32 @!p0 $0x13C00, s9;
	_ =	strace $0x90000050  }
0x4d: {  	s0 =	sand.u32 @!p0 $0x1FFFFFF0, s0;
	s6 =	sadd.s32 @!p0 s4, s6;
	_ =	strace @!p0 $0x8000004C  }
0x4e: {  	[tilespmem:s9], [sflag:s1] =	stream.linear.gather @!p0 [hbm4b:s6+s15], $0x4000, $0x200038;
	[tilespmem:$0x1BD00] =	vst v63  }
0x4f: {  	s31 =	sadd.s32 s29, s25;
	s0 =	sadd.s32 @!p0 s5, s0;
	_ =	strace @!p0 $0x9000004C  }
0x50: {  	s6 =	sor.u32 @!p0 $0x1BC00, s23;
	s9 =	sadd.s32 @!p0 $0x3, s14;
	_ =	strace @!p0 $0x8000004D  }
0x51: {  	[tilespmem:s6], [sflag:s9] =	stream.linear.gather @!p0 [hbm4b:s0+s15], $0x80, $0x200038;
	[tilespmem:$0x1BD00] =	vst v63  }
0x52: {  	s24 =	sand.u32 $0x1, s31;
	_ =	strace @!p0 $0x9000004D  }
0x53: {  	s0 =	sadd.s32 $0x1, s24;
	_ =	strace $0x8000004E  }
0x54: {  	_ =	swait.ge [sflag:s0], $0x4000  }
0x55: {  	[sflag:s0] =	ssyncset.done $0x0  }
0x56: {  	[sflag:s0] =	ssyncadd.s32 $0xFFFFC000  }
0x57: {  	s25 =	sand.u32 $0x1, s21;
	_ =	strace $0x9000004E  }
0x58: {  	s0 =	sadd.s32 $0x3, s25;
	_ =	strace $0x8000004F  }
0x59: {  	_ =	swait.ge [sflag:s0], $0x80  }
0x5a: {  	[sflag:s0] =	ssyncset.done $0x0  }
0x5b: {  	s28 =	sshll.u32 s21, $0x7;
	s26 =	sshll.u32 s31, $0xE;
	[sflag:s0] =	ssyncadd.s32 $0xFFFFFF80  }
0x5c: {  	s29 =	sand.u32 $0x80, s28;
	s6 =	sand.u32 $0x4000, s26;
	_ =	strace $0x9000004F  }
0x5d: {  	s6 =	sor.u32 $0x13C00, s6;
	s0 =	sor.u32 $0x1BC00, s29;
	_ =	strace $0x80000050  }
0x5e: {  	[spmem:s2] =	stream.indirect.scatter.add.f32 [tilespmem:s6], [sflag:$0x5], $0x80, s0, s16, $0x2000b8;
	[tilespmem:$0x1BD00] =	vst v63  }
0x5f: {  	p0 =	sne.s32 s20, s22;
	s0 =	simm.s32 $0x1;
	_ =	swait.ge [sflag:s17], $0x4000  }
0x60: {  	s0 =	simm.s32 @!p0 $0x0;
	[sflag:s17] =	ssyncset.done $0x0  }
0x61: {  	s1 =	sadd.s32 s0, s31;
	[sflag:s17] =	ssyncadd.s32 $0xFFFFC000  }
0x62: {  	s30 =	sand.u32 $0x1, s1;
	_ =	strace $0x90000050  }
0x63: {  	s6 =	sadd.s32 $0x1, s30;
	_ =	strace $0x8000004E  }
0x64: {  	_ =	swait.ge [sflag:s6], $0x4000  }
0x65: {  	[sflag:s6] =	ssyncset.done $0x0  }
0x66: {  	s0 =	sadd.s32 s0, s21;
	[sflag:s6] =	ssyncadd.s32 $0xFFFFC000  }
0x67: {  	s31 =	sand.u32 $0x1, s0;
	_ =	strace $0x9000004E  }
0x68: {  	s6 =	sadd.s32 $0x3, s31;
	_ =	strace $0x8000004F  }
0x69: {  	_ =	swait.ge [sflag:s6], $0x80  }
0x6a: {  	[sflag:s6] =	ssyncset.done $0x0  }
0x6b: {  	s1 =	sshll.u32 s1, $0xE;
	s0 =	sshll.u32 s0, $0x7;
	[sflag:s6] =	ssyncadd.s32 $0xFFFFFF80  }
0x6c: {  	s1 =	sand.u32 $0x4000, s1;
	s0 =	sand.u32 $0x80, s0;
	_ =	strace $0x9000004F  }
0x6d: {  	s1 =	sor.u32 $0x13C00, s1;
	s0 =	sor.u32 $0x1BC00, s0;
	_ =	strace $0x80000050  }
0x6e: {  	[spmem:s2] =	stream.indirect.scatter.add.f32 [tilespmem:s1], [sflag:$0x5], $0x80, s0, s16, $0x2000b8;
	[tilespmem:$0x1BD00] =	vst v63  }
0x6f: {  	_ =	swait.ge [sflag:s17], $0x4000  }
0x70: {  	[sflag:s17] =	ssyncset.done $0x0  }
0x71: {  	s19 =	sadd.s32 $0x1, s19;
	[sflag:s17] =	ssyncadd.s32 $0xFFFFC000  }
0x72: {  	p0 =	sne.s32 s19, s12;
	_ =	strace $0x90000050  }
.Ltmp1:
0x73: {  	[bflag:$0x0] =	sbarrier.arrive $0xFFFF;
	(pc) =	sbr.rel @p0 .LBB2_1-.Ltmp1, $4  }
0x74: {  	[hbm:s11], [sflag:s8] =	dma.local [spmem:s13], $0x2780  }
0x75: {  	_ =	swait.ge [sflag:s18], $0x2780  }
0x76: {  	[sflag:s18] =	ssyncset.done $0x0  }
0x77: {  	[sflag:s18] =	ssyncadd.s32 $0xFFFFD880  }
0x78: {  	_ =	sfence.sel $0x180000  }
0x79: {  	[bflag:$0x0] =	sbarrier.arrive $0xFFFF  }
0x7a: {  	_ =	strace $0x9000004A  }
0x7b: {  	s0 =	stileid.u32;
	[bflag:$0x2] =	sbarrier.arrive $0xFFFF  }
0x7c: {  	p0 =	sne.s32 s0, $0x0;
	s0 =	rddreg [dreg:$0x2]  }
0x7d: {  	s0 =	sadd.s32 @!p0 $0x100000, s0  }
0x7e: {  	[sflag:s0] =	ssyncadd.tile.s32 @!p0 $0x1;
	_ =	shalt  }
.Lfunc_end2:
_tile_overlayer_lowered:
.L_overlay_start_2:
0x7f: {  	(tag) =	ssettag $0x2  }
0x80: {  	s0 =	rddreg [dreg:$0x0];
	s2 =	stileid.u32  }
0x81: {  	s1 =	rddreg [dreg:$0x1];
	p0 =	sne.s32 s2, $0x0  }
0x82: {  	s3 =	rddreg [dreg:$0x2];
	[bflag:$0x3] =	sbarrier.arrive $0xFFFF;
	s2 =	simm.s32 @!p0 $0x1C01  }
0x83: {  	[timem:s3], [sflag:s2] =	dma.local @!p0 [hbm:s0], s1  }
0x84: {  	s0 =	simm.s32 @!p0 $0x1  }
0x85: {  	_ =	swait.ge @!p0 [sflag:s0], s1  }
0x86: {  	s1 =	ssub.s32 @!p0 $0x0, s1;
	[sflag:s0] =	ssyncset.done @!p0 $0x0  }
0x87: {  	[sflag:s0] =	ssyncadd.s32 @!p0 s1  }
0x88: {  	[bflag:$0x3] =	sbarrier.arrive $0xFFFF  }
0x89: {  	_ =	shalt  }

</sc_bundles>
